<compile_context>
chip_gen: v7x
topology: tpu7x:2x2x1
jax: 0.10.2.dev20260603
libtpu: 0.0.44.dev20260713+nightly
codegen_flags: <defaults>
</compile_context>

<pallas_src>
import functools

import jax
import jax.numpy as jnp
from jax import lax
from jax.experimental import pallas as pl
from jax.experimental.pallas import tpu as pltpu
from jax.experimental.pallas import tpu_sc as plsc

_B = 4 * 4096
_D = 1024
_NC = 2
_NS = 16
_NW = _NC * _NS
_BPW = _B // _NW
_C = 16
_NCHUNK = _BPW // _C
_NBUF = 7
_GDEPTH = 5


def _emb_body(idx_hbm, table_hbm, out_hbm, idx_v, *rest):
    bufs = rest[:_NBUF]
    gsems = rest[_NBUF:2 * _NBUF]
    osems = rest[2 * _NBUF:3 * _NBUF]
    wid = lax.axis_index("s") * _NC + lax.axis_index("c")
    base = wid * _BPW
    pltpu.sync_copy(idx_hbm.at[wid // 8, pl.ds((wid % 8) * _BPW, _BPW)], idx_v)

    ghandles = [None] * _NCHUNK
    ohandles = [None] * _NCHUNK

    def writeout(g):
        ghandles[g].wait()
        flat = base + g * _C
        ohandles[g] = pltpu.async_copy(
            bufs[g % _NBUF],
            out_hbm.at[flat // 4096, pl.ds(flat % 4096, _C)],
            osems[g % _NBUF])

    for c in range(_NCHUNK):
        if c >= _NBUF:
            ohandles[c - _NBUF].wait()
        ghandles[c] = pltpu.async_copy(
            table_hbm.at[idx_v.at[pl.ds(c * _C, _C)]], bufs[c % _NBUF],
            gsems[c % _NBUF])
        if c >= _GDEPTH - 1:
            writeout(c - (_GDEPTH - 1))
    for g in range(_NCHUNK - (_GDEPTH - 1), _NCHUNK):
        writeout(g)
    for g in range(_NCHUNK - _NBUF, _NCHUNK):
        ohandles[g].wait()


@functools.partial(jax.jit, static_argnames=())
def kernel(input_ids, word_embeddings):
    input_ids = input_ids.astype(jnp.int32)
    mesh = plsc.VectorSubcoreMesh(core_axis_name="c", subcore_axis_name="s")
    run = pl.kernel(
        _emb_body,
        out_type=jax.ShapeDtypeStruct((4, 4096, _D), jnp.float32),
        mesh=mesh,
        scratch_types=(
            [pltpu.VMEM((_BPW,), jnp.int32)]
            + [pltpu.VMEM((_C, _D), jnp.float32)] * _NBUF
            + [pltpu.SemaphoreType.DMA] * (2 * _NBUF)
        ),
    )
    return run(input_ids, word_embeddings)

# --- scband reference (transcript-rebuilt; emitter-appended) ---
"""Pipeline reference for scband-embedding-15642270892424 (READ-ONLY COPY).

The authoritative reference and input builder live on the scoring server;
editing this copy changes nothing except your own understanding.
"""

import jax, jax.numpy as jnp
import numpy as np

VOCAB = 100000
HIDDEN = 1024
FP32_RESIDUAL = False


def setup_inputs(seed: int = 0) -> dict:
    key = jax.random.key(seed)
    k_idx, k_w = jax.random.split(key)
    input_ids = jax.random.randint(k_idx, (4, 4096), 0, VOCAB, dtype=jnp.int64 if jax.config.jax_enable_x64 else jnp.int32)
    word_embeddings = jax.random.normal(k_w, (VOCAB, HIDDEN), dtype=jnp.float32) * 0.02
    return {"input_ids": input_ids, "word_embeddings": word_embeddings}


def reference(input_ids, word_embeddings):
    # words_embeddings = self.word_embeddings(input_ids)
    embeddings = jnp.take(word_embeddings, input_ids, axis=0)
    if FP32_RESIDUAL:
        embeddings = embeddings.astype(jnp.float32)
    return embeddings

if __name__ == "__main__":
    import jax
    _d = setup_inputs()
    print(jax.jit(kernel)(*tuple(_d.values())))

</pallas_src>

<mosaic_0001>
#map = affine_map<(d0, d1) -> (0, 0)>
#map1 = affine_map<(d0, d1) -> (0, 0, 0)>
module attributes {stable_mosaic.version = 14 : i64} {
  func.func @_emb_body(%arg0: i32, %arg1: i32, %arg2: memref<4x4096xi32, #tpu.memory_space<hbm>>, %arg3: memref<100000x1024xf32, #tpu.memory_space<hbm>>, %arg4: memref<4x4096x1024xf32, #tpu.memory_space<hbm>>, %arg5: memref<512xi32, #tpu.memory_space<vmem>>, %arg6: memref<16x1024xf32, #tpu.memory_space<vmem>>, %arg7: memref<16x1024xf32, #tpu.memory_space<vmem>>, %arg8: memref<16x1024xf32, #tpu.memory_space<vmem>>, %arg9: memref<16x1024xf32, #tpu.memory_space<vmem>>, %arg10: memref<16x1024xf32, #tpu.memory_space<vmem>>, %arg11: memref<16x1024xf32, #tpu.memory_space<vmem>>, %arg12: memref<16x1024xf32, #tpu.memory_space<vmem>>, %arg13: memref<!tpu.dma_semaphore, #tpu.memory_space<semaphore_mem>>, %arg14: memref<!tpu.dma_semaphore, #tpu.memory_space<semaphore_mem>>, %arg15: memref<!tpu.dma_semaphore, #tpu.memory_space<semaphore_mem>>, %arg16: memref<!tpu.dma_semaphore, #tpu.memory_space<semaphore_mem>>, %arg17: memref<!tpu.dma_semaphore, #tpu.memory_space<semaphore_mem>>, %arg18: memref<!tpu.dma_semaphore, #tpu.memory_space<semaphore_mem>>, %arg19: memref<!tpu.dma_semaphore, #tpu.memory_space<semaphore_mem>>, %arg20: memref<!tpu.dma_semaphore, #tpu.memory_space<semaphore_mem>>, %arg21: memref<!tpu.dma_semaphore, #tpu.memory_space<semaphore_mem>>, %arg22: memref<!tpu.dma_semaphore, #tpu.memory_space<semaphore_mem>>, %arg23: memref<!tpu.dma_semaphore, #tpu.memory_space<semaphore_mem>>, %arg24: memref<!tpu.dma_semaphore, #tpu.memory_space<semaphore_mem>>, %arg25: memref<!tpu.dma_semaphore, #tpu.memory_space<semaphore_mem>>, %arg26: memref<!tpu.dma_semaphore, #tpu.memory_space<semaphore_mem>>) attributes {dimension_semantics = [#tpu.dimension_semantics<core_parallel>, #tpu.dimension_semantics<subcore_parallel>], iteration_bounds = array<i64: 2, 16>, scalar_prefetch = 0 : i64, scratch_operands = 22 : i64, tpu.core_type = #tpu.core_type<sc_vector_subcore>, window_params = [{transform_indices = #map}, {transform_indices = #map}, {transform_indices = #map1}]} {
    %mul3A = arith.constant 2 : i32
    %mul3A_0 = arith.muli %arg1, %mul3A : i32
    %add3A = arith.addi %mul3A_0, %arg0 : i32
    %mul3A_1 = arith.constant 512 : i32
    %mul3A_2 = arith.muli %add3A, %mul3A_1 : i32
    %jit3A = arith.constant 8 : i32
    %div3A = arith.divsi %add3A, %jit3A : i32
    %sign3A = arith.constant 0 : i32
    %sign3A_3 = arith.cmpi sgt, %add3A, %sign3A : i32
    %sign3A_4 = arith.extui %sign3A_3 : i1 to i32
    %sign3A_5 = arith.constant 0 : i32
    %sign3A_6 = arith.cmpi slt, %add3A, %sign3A_5 : i32
    %sign3A_7 = arith.extui %sign3A_6 : i1 to i32
    %sign3A_8 = arith.subi %sign3A_4, %sign3A_7 : i32
    %sign3A_9 = arith.constant 0 : i32
    %sign3A_10 = arith.cmpi sgt, %jit3A, %sign3A_9 : i32
    %sign3A_11 = arith.extui %sign3A_10 : i1 to i32
    %sign3A_12 = arith.constant 0 : i32
    %sign3A_13 = arith.cmpi slt, %jit3A, %sign3A_12 : i32
    %sign3A_14 = arith.extui %sign3A_13 : i1 to i32
    %sign3A_15 = arith.subi %sign3A_11, %sign3A_14 : i32
    %ne3A = arith.cmpi ne, %sign3A_8, %sign3A_15 : i32
    %rem3A = arith.remsi %add3A, %jit3A : i32
    %ne3A_16 = arith.constant 0 : i32
    %ne3A_17 = arith.cmpi ne, %rem3A, %ne3A_16 : i32
    %and3A = arith.andi %ne3A, %ne3A_17 : i1
    %sub3A = arith.constant 1 : i32
    %sub3A_18 = arith.subi %div3A, %sub3A : i32
    %select_n3A = arith.select %and3A, %sub3A_18, %div3A : i32
    %jit3A_19 = arith.constant 8 : i32
    %eq3A = arith.constant 0 : i32
    %eq3A_20 = arith.cmpi eq, %jit3A_19, %eq3A : i32
    %jit3A_21 = arith.constant 1 : i32
    %select_n3A_22 = arith.select %eq3A_20, %jit3A_21, %jit3A_19 : i32
    %rem3A_23 = arith.remsi %add3A, %select_n3A_22 : i32
    %ne3A_24 = arith.constant 0 : i32
    %ne3A_25 = arith.cmpi ne, %rem3A_23, %ne3A_24 : i32
    %lt3A = arith.constant 0 : i32
    %lt3A_26 = arith.cmpi slt, %rem3A_23, %lt3A : i32
    %lt3A_27 = arith.constant 0 : i32
    %lt3A_28 = arith.cmpi slt, %select_n3A_22, %lt3A_27 : i32
    %ne3A_29 = arith.xori %lt3A_26, %lt3A_28 : i1
    %and3A_30 = arith.andi %ne3A_29, %ne3A_25 : i1
    %add3A_31 = arith.addi %rem3A_23, %select_n3A_22 : i32
    %select_n3A_32 = arith.select %and3A_30, %add3A_31, %rem3A_23 : i32
    %mul3A_33 = arith.constant 512 : i32
    %mul3A_34 = arith.muli %select_n3A_32, %mul3A_33 : i32
    "tpu.region"() ({
      %run_scoped3A = tpu.sem_alloc : memref<!tpu.dma_semaphore, #tpu.memory_space<semaphore_mem>>
      %dma_start3A_2081 = tpu.memref_slice %arg2[%select_n3A, %mul3A_34] : memref<4x4096xi32, #tpu.memory_space<hbm>> -> memref<1x512xi32, #tpu.memory_space<hbm>>
      %dma_start3A_2082 = tpu.memref_squeeze %dma_start3A_2081 : memref<1x512xi32, #tpu.memory_space<hbm>> -> memref<512xi32, #tpu.memory_space<hbm>>
      %dma_start3A_2083 = tpu.memref_slice %arg2[%select_n3A, %mul3A_34] : memref<4x4096xi32, #tpu.memory_space<hbm>> -> memref<1x512xi32, #tpu.memory_space<hbm>>
      %dma_start3A_2084 = tpu.memref_squeeze %dma_start3A_2083 : memref<1x512xi32, #tpu.memory_space<hbm>> -> memref<512xi32, #tpu.memory_space<hbm>>
      tpu.enqueue_dma source(%dma_start3A_2084 : memref<512xi32, #tpu.memory_space<hbm>>) target(%arg5 : memref<512xi32, #tpu.memory_space<vmem>>) target_semaphore(%run_scoped3A : memref<!tpu.dma_semaphore, #tpu.memory_space<semaphore_mem>>)
      %dma_wait3A_2085 = tpu.memref_slice %arg2[%select_n3A, %mul3A_34] : memref<4x4096xi32, #tpu.memory_space<hbm>> -> memref<1x512xi32, #tpu.memory_space<hbm>>
      %dma_wait3A_2086 = tpu.memref_squeeze %dma_wait3A_2085 : memref<1x512xi32, #tpu.memory_space<hbm>> -> memref<512xi32, #tpu.memory_space<hbm>>
      %dma_wait3A_2087 = tpu.memref_slice %arg2[%select_n3A, %mul3A_34] : memref<4x4096xi32, #tpu.memory_space<hbm>> -> memref<1x512xi32, #tpu.memory_space<hbm>>
      %dma_wait3A_2088 = tpu.memref_squeeze %dma_wait3A_2087 : memref<1x512xi32, #tpu.memory_space<hbm>> -> memref<512xi32, #tpu.memory_space<hbm>>
      tpu.wait_dma2 semaphore(%run_scoped3A : memref<!tpu.dma_semaphore, #tpu.memory_space<semaphore_mem>>) src(%dma_wait3A_2088 : memref<512xi32, #tpu.memory_space<hbm>>) dst(%arg5 : memref<512xi32, #tpu.memory_space<vmem>>)
      tpu.yield
    }) : () -> ()
    %dma_start3A = arith.constant 0 : i32
    %dma_start3A_35 = tpu.memref_slice %arg5[%dma_start3A] : memref<512xi32, #tpu.memory_space<vmem>> -> memref<16xi32, #tpu.memory_space<vmem>>
    %dma_start3A_36 = arith.constant 0 : i32
    %dma_start3A_37 = arith.constant 0 : i32
    %dma_start3A_38 = tpu.memref_slice %arg3[%dma_start3A_36, %dma_start3A_37] : memref<100000x1024xf32, #tpu.memory_space<hbm>> -> memref<100000x1024xf32, #tpu.memory_space<hbm>>
    tpu.enqueue_indirect_dma source(%dma_start3A_38 : memref<100000x1024xf32, #tpu.memory_space<hbm>>) target(%arg6 : memref<16x1024xf32, #tpu.memory_space<vmem>>) offsets(%dma_start3A_35 : memref<16xi32, #tpu.memory_space<vmem>>) semaphore(%arg13 : memref<!tpu.dma_semaphore, #tpu.memory_space<semaphore_mem>>)
    %dma_start3A_39 = arith.constant 16 : i32
    %dma_start3A_40 = tpu.memref_slice %arg5[%dma_start3A_39] : memref<512xi32, #tpu.memory_space<vmem>> -> memref<16xi32, #tpu.memory_space<vmem>>
    %dma_start3A_41 = arith.constant 0 : i32
    %dma_start3A_42 = arith.constant 0 : i32
    %dma_start3A_43 = tpu.memref_slice %arg3[%dma_start3A_41, %dma_start3A_42] : memref<100000x1024xf32, #tpu.memory_space<hbm>> -> memref<100000x1024xf32, #tpu.memory_space<hbm>>
    tpu.enqueue_indirect_dma source(%dma_start3A_43 : memref<100000x1024xf32, #tpu.memory_space<hbm>>) target(%arg7 : memref<16x1024xf32, #tpu.memory_space<vmem>>) offsets(%dma_start3A_40 : memref<16xi32, #tpu.memory_space<vmem>>) semaphore(%arg14 : memref<!tpu.dma_semaphore, #tpu.memory_space<semaphore_mem>>)
    %dma_start3A_44 = arith.constant 32 : i32
    %dma_start3A_45 = tpu.memref_slice %arg5[%dma_start3A_44] : memref<512xi32, #tpu.memory_space<vmem>> -> memref<16xi32, #tpu.memory_space<vmem>>
    %dma_start3A_46 = arith.constant 0 : i32
    %dma_start3A_47 = arith.constant 0 : i32
    %dma_start3A_48 = tpu.memref_slice %arg3[%dma_start3A_46, %dma_start3A_47] : memref<100000x1024xf32, #tpu.memory_space<hbm>> -> memref<100000x1024xf32, #tpu.memory_space<hbm>>
    tpu.enqueue_indirect_dma source(%dma_start3A_48 : memref<100000x1024xf32, #tpu.memory_space<hbm>>) target(%arg8 : memref<16x1024xf32, #tpu.memory_space<vmem>>) offsets(%dma_start3A_45 : memref<16xi32, #tpu.memory_space<vmem>>) semaphore(%arg15 : memref<!tpu.dma_semaphore, #tpu.memory_space<semaphore_mem>>)
    %dma_start3A_49 = arith.constant 48 : i32
    %dma_start3A_50 = tpu.memref_slice %arg5[%dma_start3A_49] : memref<512xi32, #tpu.memory_space<vmem>> -> memref<16xi32, #tpu.memory_space<vmem>>
    %dma_start3A_51 = arith.constant 0 : i32
    %dma_start3A_52 = arith.constant 0 : i32
    %dma_start3A_53 = tpu.memref_slice %arg3[%dma_start3A_51, %dma_start3A_52] : memref<100000x1024xf32, #tpu.memory_space<hbm>> -> memref<100000x1024xf32, #tpu.memory_space<hbm>>
    tpu.enqueue_indirect_dma source(%dma_start3A_53 : memref<100000x1024xf32, #tpu.memory_space<hbm>>) target(%arg9 : memref<16x1024xf32, #tpu.memory_space<vmem>>) offsets(%dma_start3A_50 : memref<16xi32, #tpu.memory_space<vmem>>) semaphore(%arg16 : memref<!tpu.dma_semaphore, #tpu.memory_space<semaphore_mem>>)
    %dma_start3A_54 = arith.constant 64 : i32
    %dma_start3A_55 = tpu.memref_slice %arg5[%dma_start3A_54] : memref<512xi32, #tpu.memory_space<vmem>> -> memref<16xi32, #tpu.memory_space<vmem>>
    %dma_start3A_56 = arith.constant 0 : i32
    %dma_start3A_57 = arith.constant 0 : i32
    %dma_start3A_58 = tpu.memref_slice %arg3[%dma_start3A_56, %dma_start3A_57] : memref<100000x1024xf32, #tpu.memory_space<hbm>> -> memref<100000x1024xf32, #tpu.memory_space<hbm>>
    tpu.enqueue_indirect_dma source(%dma_start3A_58 : memref<100000x1024xf32, #tpu.memory_space<hbm>>) target(%arg10 : memref<16x1024xf32, #tpu.memory_space<vmem>>) offsets(%dma_start3A_55 : memref<16xi32, #tpu.memory_space<vmem>>) semaphore(%arg17 : memref<!tpu.dma_semaphore, #tpu.memory_space<semaphore_mem>>)
    %dma_wait3A = arith.constant 0 : i32
    %dma_wait3A_59 = tpu.memref_slice %arg5[%dma_wait3A] : memref<512xi32, #tpu.memory_space<vmem>> -> memref<16xi32, #tpu.memory_space<vmem>>
    %dma_wait3A_60 = arith.constant 0 : i32
    %dma_wait3A_61 = arith.constant 0 : i32
    %dma_wait3A_62 = tpu.memref_slice %arg3[%dma_wait3A_60, %dma_wait3A_61] : memref<100000x1024xf32, #tpu.memory_space<hbm>> -> memref<100000x1024xf32, #tpu.memory_space<hbm>>
    tpu.wait_indirect_dma semaphore(%arg13 : memref<!tpu.dma_semaphore, #tpu.memory_space<semaphore_mem>>) src(%dma_wait3A_62 : memref<100000x1024xf32, #tpu.memory_space<hbm>>) dst(%arg6 : memref<16x1024xf32, #tpu.memory_space<vmem>>)
    %add3A_63 = arith.constant 0 : i32
    %add3A_64 = arith.addi %mul3A_2, %add3A_63 : i32
    %jit3A_65 = arith.constant 4096 : i32
    %div3A_66 = arith.divsi %add3A_64, %jit3A_65 : i32
    %sign3A_67 = arith.constant 0 : i32
    %sign3A_68 = arith.cmpi sgt, %add3A_64, %sign3A_67 : i32
    %sign3A_69 = arith.extui %sign3A_68 : i1 to i32
    %sign3A_70 = arith.constant 0 : i32
    %sign3A_71 = arith.cmpi slt, %add3A_64, %sign3A_70 : i32
    %sign3A_72 = arith.extui %sign3A_71 : i1 to i32
    %sign3A_73 = arith.subi %sign3A_69, %sign3A_72 : i32
    %sign3A_74 = arith.constant 0 : i32
    %sign3A_75 = arith.cmpi sgt, %jit3A_65, %sign3A_74 : i32
    %sign3A_76 = arith.extui %sign3A_75 : i1 to i32
    %sign3A_77 = arith.constant 0 : i32
    %sign3A_78 = arith.cmpi slt, %jit3A_65, %sign3A_77 : i32
    %sign3A_79 = arith.extui %sign3A_78 : i1 to i32
    %sign3A_80 = arith.subi %sign3A_76, %sign3A_79 : i32
    %ne3A_81 = arith.cmpi ne, %sign3A_73, %sign3A_80 : i32
    %rem3A_82 = arith.remsi %add3A_64, %jit3A_65 : i32
    %ne3A_83 = arith.constant 0 : i32
    %ne3A_84 = arith.cmpi ne, %rem3A_82, %ne3A_83 : i32
    %and3A_85 = arith.andi %ne3A_81, %ne3A_84 : i1
    %sub3A_86 = arith.constant 1 : i32
    %sub3A_87 = arith.subi %div3A_66, %sub3A_86 : i32
    %select_n3A_88 = arith.select %and3A_85, %sub3A_87, %div3A_66 : i32
    %jit3A_89 = arith.constant 4096 : i32
    %eq3A_90 = arith.constant 0 : i32
    %eq3A_91 = arith.cmpi eq, %jit3A_89, %eq3A_90 : i32
    %jit3A_92 = arith.constant 1 : i32
    %select_n3A_93 = arith.select %eq3A_91, %jit3A_92, %jit3A_89 : i32
    %rem3A_94 = arith.remsi %add3A_64, %select_n3A_93 : i32
    %ne3A_95 = arith.constant 0 : i32
    %ne3A_96 = arith.cmpi ne, %rem3A_94, %ne3A_95 : i32
    %lt3A_97 = arith.constant 0 : i32
    %lt3A_98 = arith.cmpi slt, %rem3A_94, %lt3A_97 : i32
    %lt3A_99 = arith.constant 0 : i32
    %lt3A_100 = arith.cmpi slt, %select_n3A_93, %lt3A_99 : i32
    %ne3A_101 = arith.xori %lt3A_98, %lt3A_100 : i1
    %and3A_102 = arith.andi %ne3A_101, %ne3A_96 : i1
    %add3A_103 = arith.addi %rem3A_94, %select_n3A_93 : i32
    %select_n3A_104 = arith.select %and3A_102, %add3A_103, %rem3A_94 : i32
    %dma_start3A_105 = arith.constant 0 : i32
    %dma_start3A_106 = tpu.memref_slice %arg4[%select_n3A_88, %select_n3A_104, %dma_start3A_105] : memref<4x4096x1024xf32, #tpu.memory_space<hbm>> -> memref<1x16x1024xf32, #tpu.memory_space<hbm>>
    %dma_start3A_107 = tpu.memref_squeeze %dma_start3A_106 : memref<1x16x1024xf32, #tpu.memory_space<hbm>> -> memref<16x1024xf32, #tpu.memory_space<hbm>>
    %dma_start3A_108 = arith.constant 0 : i32
    %dma_start3A_109 = tpu.memref_slice %arg4[%select_n3A_88, %select_n3A_104, %dma_start3A_108] : memref<4x4096x1024xf32, #tpu.memory_space<hbm>> -> memref<1x16x1024xf32, #tpu.memory_space<hbm>>
    %dma_start3A_110 = tpu.memref_squeeze %dma_start3A_109 : memref<1x16x1024xf32, #tpu.memory_space<hbm>> -> memref<16x1024xf32, #tpu.memory_space<hbm>>
    tpu.enqueue_dma source(%arg6 : memref<16x1024xf32, #tpu.memory_space<vmem>>) target(%dma_start3A_110 : memref<16x1024xf32, #tpu.memory_space<hbm>>) target_semaphore(%arg20 : memref<!tpu.dma_semaphore, #tpu.memory_space<semaphore_mem>>)
    %dma_start3A_111 = arith.constant 80 : i32
    %dma_start3A_112 = tpu.memref_slice %arg5[%dma_start3A_111] : memref<512xi32, #tpu.memory_space<vmem>> -> memref<16xi32, #tpu.memory_space<vmem>>
    %dma_start3A_113 = arith.constant 0 : i32
    %dma_start3A_114 = arith.constant 0 : i32
    %dma_start3A_115 = tpu.memref_slice %arg3[%dma_start3A_113, %dma_start3A_114] : memref<100000x1024xf32, #tpu.memory_space<hbm>> -> memref<100000x1024xf32, #tpu.memory_space<hbm>>
    tpu.enqueue_indirect_dma source(%dma_start3A_115 : memref<100000x1024xf32, #tpu.memory_space<hbm>>) target(%arg11 : memref<16x1024xf32, #tpu.memory_space<vmem>>) offsets(%dma_start3A_112 : memref<16xi32, #tpu.memory_space<vmem>>) semaphore(%arg18 : memref<!tpu.dma_semaphore, #tpu.memory_space<semaphore_mem>>)
    %dma_wait3A_116 = arith.constant 16 : i32
    %dma_wait3A_117 = tpu.memref_slice %arg5[%dma_wait3A_116] : memref<512xi32, #tpu.memory_space<vmem>> -> memref<16xi32, #tpu.memory_space<vmem>>
    %dma_wait3A_118 = arith.constant 0 : i32
    %dma_wait3A_119 = arith.constant 0 : i32
    %dma_wait3A_120 = tpu.memref_slice %arg3[%dma_wait3A_118, %dma_wait3A_119] : memref<100000x1024xf32, #tpu.memory_space<hbm>> -> memref<100000x1024xf32, #tpu.memory_space<hbm>>
    tpu.wait_indirect_dma semaphore(%arg14 : memref<!tpu.dma_semaphore, #tpu.memory_space<semaphore_mem>>) src(%dma_wait3A_120 : memref<100000x1024xf32, #tpu.memory_space<hbm>>) dst(%arg7 : memref<16x1024xf32, #tpu.memory_space<vmem>>)
    %add3A_121 = arith.constant 16 : i32
    %add3A_122 = arith.addi %mul3A_2, %add3A_121 : i32
    %jit3A_123 = arith.constant 4096 : i32
    %div3A_124 = arith.divsi %add3A_122, %jit3A_123 : i32
    %sign3A_125 = arith.constant 0 : i32
    %sign3A_126 = arith.cmpi sgt, %add3A_122, %sign3A_125 : i32
    %sign3A_127 = arith.extui %sign3A_126 : i1 to i32
    %sign3A_128 = arith.constant 0 : i32
    %sign3A_129 = arith.cmpi slt, %add3A_122, %sign3A_128 : i32
    %sign3A_130 = arith.extui %sign3A_129 : i1 to i32
    %sign3A_131 = arith.subi %sign3A_127, %sign3A_130 : i32
    %sign3A_132 = arith.constant 0 : i32
    %sign3A_133 = arith.cmpi sgt, %jit3A_123, %sign3A_132 : i32
    %sign3A_134 = arith.extui %sign3A_133 : i1 to i32
    %sign3A_135 = arith.constant 0 : i32
    %sign3A_136 = arith.cmpi slt, %jit3A_123, %sign3A_135 : i32
    %sign3A_137 = arith.extui %sign3A_136 : i1 to i32
    %sign3A_138 = arith.subi %sign3A_134, %sign3A_137 : i32
    %ne3A_139 = arith.cmpi ne, %sign3A_131, %sign3A_138 : i32
    %rem3A_140 = arith.remsi %add3A_122, %jit3A_123 : i32
    %ne3A_141 = arith.constant 0 : i32
    %ne3A_142 = arith.cmpi ne, %rem3A_140, %ne3A_141 : i32
    %and3A_143 = arith.andi %ne3A_139, %ne3A_142 : i1
    %sub3A_144 = arith.constant 1 : i32
    %sub3A_145 = arith.subi %div3A_124, %sub3A_144 : i32
    %select_n3A_146 = arith.select %and3A_143, %sub3A_145, %div3A_124 : i32
    %jit3A_147 = arith.constant 4096 : i32
    %eq3A_148 = arith.constant 0 : i32
    %eq3A_149 = arith.cmpi eq, %jit3A_147, %eq3A_148 : i32
    %jit3A_150 = arith.constant 1 : i32
    %select_n3A_151 = arith.select %eq3A_149, %jit3A_150, %jit3A_147 : i32
    %rem3A_152 = arith.remsi %add3A_122, %select_n3A_151 : i32
    %ne3A_153 = arith.constant 0 : i32
    %ne3A_154 = arith.cmpi ne, %rem3A_152, %ne3A_153 : i32
    %lt3A_155 = arith.constant 0 : i32
    %lt3A_156 = arith.cmpi slt, %rem3A_152, %lt3A_155 : i32
    %lt3A_157 = arith.constant 0 : i32
    %lt3A_158 = arith.cmpi slt, %select_n3A_151, %lt3A_157 : i32
    %ne3A_159 = arith.xori %lt3A_156, %lt3A_158 : i1
    %and3A_160 = arith.andi %ne3A_159, %ne3A_154 : i1
    %add3A_161 = arith.addi %rem3A_152, %select_n3A_151 : i32
    %select_n3A_162 = arith.select %and3A_160, %add3A_161, %rem3A_152 : i32
    %dma_start3A_163 = arith.constant 0 : i32
    %dma_start3A_164 = tpu.memref_slice %arg4[%select_n3A_146, %select_n3A_162, %dma_start3A_163] : memref<4x4096x1024xf32, #tpu.memory_space<hbm>> -> memref<1x16x1024xf32, #tpu.memory_space<hbm>>
    %dma_start3A_165 = tpu.memref_squeeze %dma_start3A_164 : memref<1x16x1024xf32, #tpu.memory_space<hbm>> -> memref<16x1024xf32, #tpu.memory_space<hbm>>
    %dma_start3A_166 = arith.constant 0 : i32
    %dma_start3A_167 = tpu.memref_slice %arg4[%select_n3A_146, %select_n3A_162, %dma_start3A_166] : memref<4x4096x1024xf32, #tpu.memory_space<hbm>> -> memref<1x16x1024xf32, #tpu.memory_space<hbm>>
    %dma_start3A_168 = tpu.memref_squeeze %dma_start3A_167 : memref<1x16x1024xf32, #tpu.memory_space<hbm>> -> memref<16x1024xf32, #tpu.memory_space<hbm>>
    tpu.enqueue_dma source(%arg7 : memref<16x1024xf32, #tpu.memory_space<vmem>>) target(%dma_start3A_168 : memref<16x1024xf32, #tpu.memory_space<hbm>>) target_semaphore(%arg21 : memref<!tpu.dma_semaphore, #tpu.memory_space<semaphore_mem>>)
    %dma_start3A_169 = arith.constant 96 : i32
    %dma_start3A_170 = tpu.memref_slice %arg5[%dma_start3A_169] : memref<512xi32, #tpu.memory_space<vmem>> -> memref<16xi32, #tpu.memory_space<vmem>>
    %dma_start3A_171 = arith.constant 0 : i32
    %dma_start3A_172 = arith.constant 0 : i32
    %dma_start3A_173 = tpu.memref_slice %arg3[%dma_start3A_171, %dma_start3A_172] : memref<100000x1024xf32, #tpu.memory_space<hbm>> -> memref<100000x1024xf32, #tpu.memory_space<hbm>>
    tpu.enqueue_indirect_dma source(%dma_start3A_173 : memref<100000x1024xf32, #tpu.memory_space<hbm>>) target(%arg12 : memref<16x1024xf32, #tpu.memory_space<vmem>>) offsets(%dma_start3A_170 : memref<16xi32, #tpu.memory_space<vmem>>) semaphore(%arg19 : memref<!tpu.dma_semaphore, #tpu.memory_space<semaphore_mem>>)
    %dma_wait3A_174 = arith.constant 32 : i32
    %dma_wait3A_175 = tpu.memref_slice %arg5[%dma_wait3A_174] : memref<512xi32, #tpu.memory_space<vmem>> -> memref<16xi32, #tpu.memory_space<vmem>>
    %dma_wait3A_176 = arith.constant 0 : i32
    %dma_wait3A_177 = arith.constant 0 : i32
    %dma_wait3A_178 = tpu.memref_slice %arg3[%dma_wait3A_176, %dma_wait3A_177] : memref<100000x1024xf32, #tpu.memory_space<hbm>> -> memref<100000x1024xf32, #tpu.memory_space<hbm>>
    tpu.wait_indirect_dma semaphore(%arg15 : memref<!tpu.dma_semaphore, #tpu.memory_space<semaphore_mem>>) src(%dma_wait3A_178 : memref<100000x1024xf32, #tpu.memory_space<hbm>>) dst(%arg8 : memref<16x1024xf32, #tpu.memory_space<vmem>>)
    %add3A_179 = arith.constant 32 : i32
    %add3A_180 = arith.addi %mul3A_2, %add3A_179 : i32
    %jit3A_181 = arith.constant 4096 : i32
    %div3A_182 = arith.divsi %add3A_180, %jit3A_181 : i32
    %sign3A_183 = arith.constant 0 : i32
    %sign3A_184 = arith.cmpi sgt, %add3A_180, %sign3A_183 : i32
    %sign3A_185 = arith.extui %sign3A_184 : i1 to i32
    %sign3A_186 = arith.constant 0 : i32
    %sign3A_187 = arith.cmpi slt, %add3A_180, %sign3A_186 : i32
    %sign3A_188 = arith.extui %sign3A_187 : i1 to i32
    %sign3A_189 = arith.subi %sign3A_185, %sign3A_188 : i32
    %sign3A_190 = arith.constant 0 : i32
    %sign3A_191 = arith.cmpi sgt, %jit3A_181, %sign3A_190 : i32
    %sign3A_192 = arith.extui %sign3A_191 : i1 to i32
    %sign3A_193 = arith.constant 0 : i32
    %sign3A_194 = arith.cmpi slt, %jit3A_181, %sign3A_193 : i32
    %sign3A_195 = arith.extui %sign3A_194 : i1 to i32
    %sign3A_196 = arith.subi %sign3A_192, %sign3A_195 : i32
    %ne3A_197 = arith.cmpi ne, %sign3A_189, %sign3A_196 : i32
    %rem3A_198 = arith.remsi %add3A_180, %jit3A_181 : i32
    %ne3A_199 = arith.constant 0 : i32
    %ne3A_200 = arith.cmpi ne, %rem3A_198, %ne3A_199 : i32
    %and3A_201 = arith.andi %ne3A_197, %ne3A_200 : i1
    %sub3A_202 = arith.constant 1 : i32
    %sub3A_203 = arith.subi %div3A_182, %sub3A_202 : i32
    %select_n3A_204 = arith.select %and3A_201, %sub3A_203, %div3A_182 : i32
    %jit3A_205 = arith.constant 4096 : i32
    %eq3A_206 = arith.constant 0 : i32
    %eq3A_207 = arith.cmpi eq, %jit3A_205, %eq3A_206 : i32
    %jit3A_208 = arith.constant 1 : i32
    %select_n3A_209 = arith.select %eq3A_207, %jit3A_208, %jit3A_205 : i32
    %rem3A_210 = arith.remsi %add3A_180, %select_n3A_209 : i32
    %ne3A_211 = arith.constant 0 : i32
    %ne3A_212 = arith.cmpi ne, %rem3A_210, %ne3A_211 : i32
    %lt3A_213 = arith.constant 0 : i32
    %lt3A_214 = arith.cmpi slt, %rem3A_210, %lt3A_213 : i32
    %lt3A_215 = arith.constant 0 : i32
    %lt3A_216 = arith.cmpi slt, %select_n3A_209, %lt3A_215 : i32
    %ne3A_217 = arith.xori %lt3A_214, %lt3A_216 : i1
    %and3A_218 = arith.andi %ne3A_217, %ne3A_212 : i1
    %add3A_219 = arith.addi %rem3A_210, %select_n3A_209 : i32
    %select_n3A_220 = arith.select %and3A_218, %add3A_219, %rem3A_210 : i32
    %dma_start3A_221 = arith.constant 0 : i32
    %dma_start3A_222 = tpu.memref_slice %arg4[%select_n3A_204, %select_n3A_220, %dma_start3A_221] : memref<4x4096x1024xf32, #tpu.memory_space<hbm>> -> memref<1x16x1024xf32, #tpu.memory_space<hbm>>
    %dma_start3A_223 = tpu.memref_squeeze %dma_start3A_222 : memref<1x16x1024xf32, #tpu.memory_space<hbm>> -> memref<16x1024xf32, #tpu.memory_space<hbm>>
    %dma_start3A_224 = arith.constant 0 : i32
    %dma_start3A_225 = tpu.memref_slice %arg4[%select_n3A_204, %select_n3A_220, %dma_start3A_224] : memref<4x4096x1024xf32, #tpu.memory_space<hbm>> -> memref<1x16x1024xf32, #tpu.memory_space<hbm>>
    %dma_start3A_226 = tpu.memref_squeeze %dma_start3A_225 : memref<1x16x1024xf32, #tpu.memory_space<hbm>> -> memref<16x1024xf32, #tpu.memory_space<hbm>>
    tpu.enqueue_dma source(%arg8 : memref<16x1024xf32, #tpu.memory_space<vmem>>) target(%dma_start3A_226 : memref<16x1024xf32, #tpu.memory_space<hbm>>) target_semaphore(%arg22 : memref<!tpu.dma_semaphore, #tpu.memory_space<semaphore_mem>>)
    %dma_wait3A_227 = arith.constant 0 : i32
    %dma_wait3A_228 = tpu.memref_slice %arg4[%select_n3A_88, %select_n3A_104, %dma_wait3A_227] : memref<4x4096x1024xf32, #tpu.memory_space<hbm>> -> memref<1x16x1024xf32, #tpu.memory_space<hbm>>
    %dma_wait3A_229 = tpu.memref_squeeze %dma_wait3A_228 : memref<1x16x1024xf32, #tpu.memory_space<hbm>> -> memref<16x1024xf32, #tpu.memory_space<hbm>>
    %dma_wait3A_230 = arith.constant 0 : i32
    %dma_wait3A_231 = tpu.memref_slice %arg4[%select_n3A_88, %select_n3A_104, %dma_wait3A_230] : memref<4x4096x1024xf32, #tpu.memory_space<hbm>> -> memref<1x16x1024xf32, #tpu.memory_space<hbm>>
    %dma_wait3A_232 = tpu.memref_squeeze %dma_wait3A_231 : memref<1x16x1024xf32, #tpu.memory_space<hbm>> -> memref<16x1024xf32, #tpu.memory_space<hbm>>
    tpu.wait_dma2 semaphore(%arg20 : memref<!tpu.dma_semaphore, #tpu.memory_space<semaphore_mem>>) src(%arg6 : memref<16x1024xf32, #tpu.memory_space<vmem>>) dst(%dma_wait3A_232 : memref<16x1024xf32, #tpu.memory_space<hbm>>)
    %dma_start3A_233 = arith.constant 112 : i32
    %dma_start3A_234 = tpu.memref_slice %arg5[%dma_start3A_233] : memref<512xi32, #tpu.memory_space<vmem>> -> memref<16xi32, #tpu.memory_space<vmem>>
    %dma_start3A_235 = arith.constant 0 : i32
    %dma_start3A_236 = arith.constant 0 : i32
    %dma_start3A_237 = tpu.memref_slice %arg3[%dma_start3A_235, %dma_start3A_236] : memref<100000x1024xf32, #tpu.memory_space<hbm>> -> memref<100000x1024xf32, #tpu.memory_space<hbm>>
    tpu.enqueue_indirect_dma source(%dma_start3A_237 : memref<100000x1024xf32, #tpu.memory_space<hbm>>) target(%arg6 : memref<16x1024xf32, #tpu.memory_space<vmem>>) offsets(%dma_start3A_234 : memref<16xi32, #tpu.memory_space<vmem>>) semaphore(%arg13 : memref<!tpu.dma_semaphore, #tpu.memory_space<semaphore_mem>>)
    %dma_wait3A_238 = arith.constant 48 : i32
    %dma_wait3A_239 = tpu.memref_slice %arg5[%dma_wait3A_238] : memref<512xi32, #tpu.memory_space<vmem>> -> memref<16xi32, #tpu.memory_space<vmem>>
    %dma_wait3A_240 = arith.constant 0 : i32
    %dma_wait3A_241 = arith.constant 0 : i32
    %dma_wait3A_242 = tpu.memref_slice %arg3[%dma_wait3A_240, %dma_wait3A_241] : memref<100000x1024xf32, #tpu.memory_space<hbm>> -> memref<100000x1024xf32, #tpu.memory_space<hbm>>
    tpu.wait_indirect_dma semaphore(%arg16 : memref<!tpu.dma_semaphore, #tpu.memory_space<semaphore_mem>>) src(%dma_wait3A_242 : memref<100000x1024xf32, #tpu.memory_space<hbm>>) dst(%arg9 : memref<16x1024xf32, #tpu.memory_space<vmem>>)
    %add3A_243 = arith.constant 48 : i32
    %add3A_244 = arith.addi %mul3A_2, %add3A_243 : i32
    %jit3A_245 = arith.constant 4096 : i32
    %div3A_246 = arith.divsi %add3A_244, %jit3A_245 : i32
    %sign3A_247 = arith.constant 0 : i32
    %sign3A_248 = arith.cmpi sgt, %add3A_244, %sign3A_247 : i32
    %sign3A_249 = arith.extui %sign3A_248 : i1 to i32
    %sign3A_250 = arith.constant 0 : i32
    %sign3A_251 = arith.cmpi slt, %add3A_244, %sign3A_250 : i32
    %sign3A_252 = arith.extui %sign3A_251 : i1 to i32
    %sign3A_253 = arith.subi %sign3A_249, %sign3A_252 : i32
    %sign3A_254 = arith.constant 0 : i32
    %sign3A_255 = arith.cmpi sgt, %jit3A_245, %sign3A_254 : i32
    %sign3A_256 = arith.extui %sign3A_255 : i1 to i32
    %sign3A_257 = arith.constant 0 : i32
    %sign3A_258 = arith.cmpi slt, %jit3A_245, %sign3A_257 : i32
    %sign3A_259 = arith.extui %sign3A_258 : i1 to i32
    %sign3A_260 = arith.subi %sign3A_256, %sign3A_259 : i32
    %ne3A_261 = arith.cmpi ne, %sign3A_253, %sign3A_260 : i32
    %rem3A_262 = arith.remsi %add3A_244, %jit3A_245 : i32
    %ne3A_263 = arith.constant 0 : i32
    %ne3A_264 = arith.cmpi ne, %rem3A_262, %ne3A_263 : i32
    %and3A_265 = arith.andi %ne3A_261, %ne3A_264 : i1
    %sub3A_266 = arith.constant 1 : i32
    %sub3A_267 = arith.subi %div3A_246, %sub3A_266 : i32
    %select_n3A_268 = arith.select %and3A_265, %sub3A_267, %div3A_246 : i32
    %jit3A_269 = arith.constant 4096 : i32
    %eq3A_270 = arith.constant 0 : i32
    %eq3A_271 = arith.cmpi eq, %jit3A_269, %eq3A_270 : i32
    %jit3A_272 = arith.constant 1 : i32
    %select_n3A_273 = arith.select %eq3A_271, %jit3A_272, %jit3A_269 : i32
    %rem3A_274 = arith.remsi %add3A_244, %select_n3A_273 : i32
    %ne3A_275 = arith.constant 0 : i32
    %ne3A_276 = arith.cmpi ne, %rem3A_274, %ne3A_275 : i32
    %lt3A_277 = arith.constant 0 : i32
    %lt3A_278 = arith.cmpi slt, %rem3A_274, %lt3A_277 : i32
    %lt3A_279 = arith.constant 0 : i32
    %lt3A_280 = arith.cmpi slt, %select_n3A_273, %lt3A_279 : i32
    %ne3A_281 = arith.xori %lt3A_278, %lt3A_280 : i1
    %and3A_282 = arith.andi %ne3A_281, %ne3A_276 : i1
    %add3A_283 = arith.addi %rem3A_274, %select_n3A_273 : i32
    %select_n3A_284 = arith.select %and3A_282, %add3A_283, %rem3A_274 : i32
    %dma_start3A_285 = arith.constant 0 : i32
    %dma_start3A_286 = tpu.memref_slice %arg4[%select_n3A_268, %select_n3A_284, %dma_start3A_285] : memref<4x4096x1024xf32, #tpu.memory_space<hbm>> -> memref<1x16x1024xf32, #tpu.memory_space<hbm>>
    %dma_start3A_287 = tpu.memref_squeeze %dma_start3A_286 : memref<1x16x1024xf32, #tpu.memory_space<hbm>> -> memref<16x1024xf32, #tpu.memory_space<hbm>>
    %dma_start3A_288 = arith.constant 0 : i32
    %dma_start3A_289 = tpu.memref_slice %arg4[%select_n3A_268, %select_n3A_284, %dma_start3A_288] : memref<4x4096x1024xf32, #tpu.memory_space<hbm>> -> memref<1x16x1024xf32, #tpu.memory_space<hbm>>
    %dma_start3A_290 = tpu.memref_squeeze %dma_start3A_289 : memref<1x16x1024xf32, #tpu.memory_space<hbm>> -> memref<16x1024xf32, #tpu.memory_space<hbm>>
    tpu.enqueue_dma source(%arg9 : memref<16x1024xf32, #tpu.memory_space<vmem>>) target(%dma_start3A_290 : memref<16x1024xf32, #tpu.memory_space<hbm>>) target_semaphore(%arg23 : memref<!tpu.dma_semaphore, #tpu.memory_space<semaphore_mem>>)
    %dma_wait3A_291 = arith.constant 0 : i32
    %dma_wait3A_292 = tpu.memref_slice %arg4[%select_n3A_146, %select_n3A_162, %dma_wait3A_291] : memref<4x4096x1024xf32, #tpu.memory_space<hbm>> -> memref<1x16x1024xf32, #tpu.memory_space<hbm>>
    %dma_wait3A_293 = tpu.memref_squeeze %dma_wait3A_292 : memref<1x16x1024xf32, #tpu.memory_space<hbm>> -> memref<16x1024xf32, #tpu.memory_space<hbm>>
    %dma_wait3A_294 = arith.constant 0 : i32
    %dma_wait3A_295 = tpu.memref_slice %arg4[%select_n3A_146, %select_n3A_162, %dma_wait3A_294] : memref<4x4096x1024xf32, #tpu.memory_space<hbm>> -> memref<1x16x1024xf32, #tpu.memory_space<hbm>>
    %dma_wait3A_296 = tpu.memref_squeeze %dma_wait3A_295 : memref<1x16x1024xf32, #tpu.memory_space<hbm>> -> memref<16x1024xf32, #tpu.memory_space<hbm>>
    tpu.wait_dma2 semaphore(%arg21 : memref<!tpu.dma_semaphore, #tpu.memory_space<semaphore_mem>>) src(%arg7 : memref<16x1024xf32, #tpu.memory_space<vmem>>) dst(%dma_wait3A_296 : memref<16x1024xf32, #tpu.memory_space<hbm>>)
    %dma_start3A_297 = arith.constant 128 : i32
    %dma_start3A_298 = tpu.memref_slice %arg5[%dma_start3A_297] : memref<512xi32, #tpu.memory_space<vmem>> -> memref<16xi32, #tpu.memory_space<vmem>>
    %dma_start3A_299 = arith.constant 0 : i32
    %dma_start3A_300 = arith.constant 0 : i32
    %dma_start3A_301 = tpu.memref_slice %arg3[%dma_start3A_299, %dma_start3A_300] : memref<100000x1024xf32, #tpu.memory_space<hbm>> -> memref<100000x1024xf32, #tpu.memory_space<hbm>>
    tpu.enqueue_indirect_dma source(%dma_start3A_301 : memref<100000x1024xf32, #tpu.memory_space<hbm>>) target(%arg7 : memref<16x1024xf32, #tpu.memory_space<vmem>>) offsets(%dma_start3A_298 : memref<16xi32, #tpu.memory_space<vmem>>) semaphore(%arg14 : memref<!tpu.dma_semaphore, #tpu.memory_space<semaphore_mem>>)
    %dma_wait3A_302 = arith.constant 64 : i32
    %dma_wait3A_303 = tpu.memref_slice %arg5[%dma_wait3A_302] : memref<512xi32, #tpu.memory_space<vmem>> -> memref<16xi32, #tpu.memory_space<vmem>>
    %dma_wait3A_304 = arith.constant 0 : i32
    %dma_wait3A_305 = arith.constant 0 : i32
    %dma_wait3A_306 = tpu.memref_slice %arg3[%dma_wait3A_304, %dma_wait3A_305] : memref<100000x1024xf32, #tpu.memory_space<hbm>> -> memref<100000x1024xf32, #tpu.memory_space<hbm>>
    tpu.wait_indirect_dma semaphore(%arg17 : memref<!tpu.dma_semaphore, #tpu.memory_space<semaphore_mem>>) src(%dma_wait3A_306 : memref<100000x1024xf32, #tpu.memory_space<hbm>>) dst(%arg10 : memref<16x1024xf32, #tpu.memory_space<vmem>>)
    %add3A_307 = arith.constant 64 : i32
    %add3A_308 = arith.addi %mul3A_2, %add3A_307 : i32
    %jit3A_309 = arith.constant 4096 : i32
    %div3A_310 = arith.divsi %add3A_308, %jit3A_309 : i32
    %sign3A_311 = arith.constant 0 : i32
    %sign3A_312 = arith.cmpi sgt, %add3A_308, %sign3A_311 : i32
    %sign3A_313 = arith.extui %sign3A_312 : i1 to i32
    %sign3A_314 = arith.constant 0 : i32
    %sign3A_315 = arith.cmpi slt, %add3A_308, %sign3A_314 : i32
    %sign3A_316 = arith.extui %sign3A_315 : i1 to i32
    %sign3A_317 = arith.subi %sign3A_313, %sign3A_316 : i32
    %sign3A_318 = arith.constant 0 : i32
    %sign3A_319 = arith.cmpi sgt, %jit3A_309, %sign3A_318 : i32
    %sign3A_320 = arith.extui %sign3A_319 : i1 to i32
    %sign3A_321 = arith.constant 0 : i32
    %sign3A_322 = arith.cmpi slt, %jit3A_309, %sign3A_321 : i32
    %sign3A_323 = arith.extui %sign3A_322 : i1 to i32
    %sign3A_324 = arith.subi %sign3A_320, %sign3A_323 : i32
    %ne3A_325 = arith.cmpi ne, %sign3A_317, %sign3A_324 : i32
    %rem3A_326 = arith.remsi %add3A_308, %jit3A_309 : i32
    %ne3A_327 = arith.constant 0 : i32
    %ne3A_328 = arith.cmpi ne, %rem3A_326, %ne3A_327 : i32
    %and3A_329 = arith.andi %ne3A_325, %ne3A_328 : i1
    %sub3A_330 = arith.constant 1 : i32
    %sub3A_331 = arith.subi %div3A_310, %sub3A_330 : i32
    %select_n3A_332 = arith.select %and3A_329, %sub3A_331, %div3A_310 : i32
    %jit3A_333 = arith.constant 4096 : i32
    %eq3A_334 = arith.constant 0 : i32
    %eq3A_335 = arith.cmpi eq, %jit3A_333, %eq3A_334 : i32
    %jit3A_336 = arith.constant 1 : i32
    %select_n3A_337 = arith.select %eq3A_335, %jit3A_336, %jit3A_333 : i32
    %rem3A_338 = arith.remsi %add3A_308, %select_n3A_337 : i32
    %ne3A_339 = arith.constant 0 : i32
    %ne3A_340 = arith.cmpi ne, %rem3A_338, %ne3A_339 : i32
    %lt3A_341 = arith.constant 0 : i32
    %lt3A_342 = arith.cmpi slt, %rem3A_338, %lt3A_341 : i32
    %lt3A_343 = arith.constant 0 : i32
    %lt3A_344 = arith.cmpi slt, %select_n3A_337, %lt3A_343 : i32
    %ne3A_345 = arith.xori %lt3A_342, %lt3A_344 : i1
    %and3A_346 = arith.andi %ne3A_345, %ne3A_340 : i1
    %add3A_347 = arith.addi %rem3A_338, %select_n3A_337 : i32
    %select_n3A_348 = arith.select %and3A_346, %add3A_347, %rem3A_338 : i32
    %dma_start3A_349 = arith.constant 0 : i32
    %dma_start3A_350 = tpu.memref_slice %arg4[%select_n3A_332, %select_n3A_348, %dma_start3A_349] : memref<4x4096x1024xf32, #tpu.memory_space<hbm>> -> memref<1x16x1024xf32, #tpu.memory_space<hbm>>
    %dma_start3A_351 = tpu.memref_squeeze %dma_start3A_350 : memref<1x16x1024xf32, #tpu.memory_space<hbm>> -> memref<16x1024xf32, #tpu.memory_space<hbm>>
    %dma_start3A_352 = arith.constant 0 : i32
    %dma_start3A_353 = tpu.memref_slice %arg4[%select_n3A_332, %select_n3A_348, %dma_start3A_352] : memref<4x4096x1024xf32, #tpu.memory_space<hbm>> -> memref<1x16x1024xf32, #tpu.memory_space<hbm>>
    %dma_start3A_354 = tpu.memref_squeeze %dma_start3A_353 : memref<1x16x1024xf32, #tpu.memory_space<hbm>> -> memref<16x1024xf32, #tpu.memory_space<hbm>>
    tpu.enqueue_dma source(%arg10 : memref<16x1024xf32, #tpu.memory_space<vmem>>) target(%dma_start3A_354 : memref<16x1024xf32, #tpu.memory_space<hbm>>) target_semaphore(%arg24 : memref<!tpu.dma_semaphore, #tpu.memory_space<semaphore_mem>>)
    %dma_wait3A_355 = arith.constant 0 : i32
    %dma_wait3A_356 = tpu.memref_slice %arg4[%select_n3A_204, %select_n3A_220, %dma_wait3A_355] : memref<4x4096x1024xf32, #tpu.memory_space<hbm>> -> memref<1x16x1024xf32, #tpu.memory_space<hbm>>
    %dma_wait3A_357 = tpu.memref_squeeze %dma_wait3A_356 : memref<1x16x1024xf32, #tpu.memory_space<hbm>> -> memref<16x1024xf32, #tpu.memory_space<hbm>>
    %dma_wait3A_358 = arith.constant 0 : i32
    %dma_wait3A_359 = tpu.memref_slice %arg4[%select_n3A_204, %select_n3A_220, %dma_wait3A_358] : memref<4x4096x1024xf32, #tpu.memory_space<hbm>> -> memref<1x16x1024xf32, #tpu.memory_space<hbm>>
    %dma_wait3A_360 = tpu.memref_squeeze %dma_wait3A_359 : memref<1x16x1024xf32, #tpu.memory_space<hbm>> -> memref<16x1024xf32, #tpu.memory_space<hbm>>
    tpu.wait_dma2 semaphore(%arg22 : memref<!tpu.dma_semaphore, #tpu.memory_space<semaphore_mem>>) src(%arg8 : memref<16x1024xf32, #tpu.memory_space<vmem>>) dst(%dma_wait3A_360 : memref<16x1024xf32, #tpu.memory_space<hbm>>)
    %dma_start3A_361 = arith.constant 144 : i32
    %dma_start3A_362 = tpu.memref_slice %arg5[%dma_start3A_361] : memref<512xi32, #tpu.memory_space<vmem>> -> memref<16xi32, #tpu.memory_space<vmem>>
    %dma_start3A_363 = arith.constant 0 : i32
    %dma_start3A_364 = arith.constant 0 : i32
    %dma_start3A_365 = tpu.memref_slice %arg3[%dma_start3A_363, %dma_start3A_364] : memref<100000x1024xf32, #tpu.memory_space<hbm>> -> memref<100000x1024xf32, #tpu.memory_space<hbm>>
    tpu.enqueue_indirect_dma source(%dma_start3A_365 : memref<100000x1024xf32, #tpu.memory_space<hbm>>) target(%arg8 : memref<16x1024xf32, #tpu.memory_space<vmem>>) offsets(%dma_start3A_362 : memref<16xi32, #tpu.memory_space<vmem>>) semaphore(%arg15 : memref<!tpu.dma_semaphore, #tpu.memory_space<semaphore_mem>>)
    %dma_wait3A_366 = arith.constant 80 : i32
    %dma_wait3A_367 = tpu.memref_slice %arg5[%dma_wait3A_366] : memref<512xi32, #tpu.memory_space<vmem>> -> memref<16xi32, #tpu.memory_space<vmem>>
    %dma_wait3A_368 = arith.constant 0 : i32
    %dma_wait3A_369 = arith.constant 0 : i32
    %dma_wait3A_370 = tpu.memref_slice %arg3[%dma_wait3A_368, %dma_wait3A_369] : memref<100000x1024xf32, #tpu.memory_space<hbm>> -> memref<100000x1024xf32, #tpu.memory_space<hbm>>
    tpu.wait_indirect_dma semaphore(%arg18 : memref<!tpu.dma_semaphore, #tpu.memory_space<semaphore_mem>>) src(%dma_wait3A_370 : memref<100000x1024xf32, #tpu.memory_space<hbm>>) dst(%arg11 : memref<16x1024xf32, #tpu.memory_space<vmem>>)
    %add3A_371 = arith.constant 80 : i32
    %add3A_372 = arith.addi %mul3A_2, %add3A_371 : i32
    %jit3A_373 = arith.constant 4096 : i32
    %div3A_374 = arith.divsi %add3A_372, %jit3A_373 : i32
    %sign3A_375 = arith.constant 0 : i32
    %sign3A_376 = arith.cmpi sgt, %add3A_372, %sign3A_375 : i32
    %sign3A_377 = arith.extui %sign3A_376 : i1 to i32
    %sign3A_378 = arith.constant 0 : i32
    %sign3A_379 = arith.cmpi slt, %add3A_372, %sign3A_378 : i32
    %sign3A_380 = arith.extui %sign3A_379 : i1 to i32
    %sign3A_381 = arith.subi %sign3A_377, %sign3A_380 : i32
    %sign3A_382 = arith.constant 0 : i32
    %sign3A_383 = arith.cmpi sgt, %jit3A_373, %sign3A_382 : i32
    %sign3A_384 = arith.extui %sign3A_383 : i1 to i32
    %sign3A_385 = arith.constant 0 : i32
    %sign3A_386 = arith.cmpi slt, %jit3A_373, %sign3A_385 : i32
    %sign3A_387 = arith.extui %sign3A_386 : i1 to i32
    %sign3A_388 = arith.subi %sign3A_384, %sign3A_387 : i32
    %ne3A_389 = arith.cmpi ne, %sign3A_381, %sign3A_388 : i32
    %rem3A_390 = arith.remsi %add3A_372, %jit3A_373 : i32
    %ne3A_391 = arith.constant 0 : i32
    %ne3A_392 = arith.cmpi ne, %rem3A_390, %ne3A_391 : i32
    %and3A_393 = arith.andi %ne3A_389, %ne3A_392 : i1
    %sub3A_394 = arith.constant 1 : i32
    %sub3A_395 = arith.subi %div3A_374, %sub3A_394 : i32
    %select_n3A_396 = arith.select %and3A_393, %sub3A_395, %div3A_374 : i32
    %jit3A_397 = arith.constant 4096 : i32
    %eq3A_398 = arith.constant 0 : i32
    %eq3A_399 = arith.cmpi eq, %jit3A_397, %eq3A_398 : i32
    %jit3A_400 = arith.constant 1 : i32
    %select_n3A_401 = arith.select %eq3A_399, %jit3A_400, %jit3A_397 : i32
    %rem3A_402 = arith.remsi %add3A_372, %select_n3A_401 : i32
    %ne3A_403 = arith.constant 0 : i32
    %ne3A_404 = arith.cmpi ne, %rem3A_402, %ne3A_403 : i32
    %lt3A_405 = arith.constant 0 : i32
    %lt3A_406 = arith.cmpi slt, %rem3A_402, %lt3A_405 : i32
    %lt3A_407 = arith.constant 0 : i32
    %lt3A_408 = arith.cmpi slt, %select_n3A_401, %lt3A_407 : i32
    %ne3A_409 = arith.xori %lt3A_406, %lt3A_408 : i1
    %and3A_410 = arith.andi %ne3A_409, %ne3A_404 : i1
    %add3A_411 = arith.addi %rem3A_402, %select_n3A_401 : i32
    %select_n3A_412 = arith.select %and3A_410, %add3A_411, %rem3A_402 : i32
    %dma_start3A_413 = arith.constant 0 : i32
    %dma_start3A_414 = tpu.memref_slice %arg4[%select_n3A_396, %select_n3A_412, %dma_start3A_413] : memref<4x4096x1024xf32, #tpu.memory_space<hbm>> -> memref<1x16x1024xf32, #tpu.memory_space<hbm>>
    %dma_start3A_415 = tpu.memref_squeeze %dma_start3A_414 : memref<1x16x1024xf32, #tpu.memory_space<hbm>> -> memref<16x1024xf32, #tpu.memory_space<hbm>>
    %dma_start3A_416 = arith.constant 0 : i32
    %dma_start3A_417 = tpu.memref_slice %arg4[%select_n3A_396, %select_n3A_412, %dma_start3A_416] : memref<4x4096x1024xf32, #tpu.memory_space<hbm>> -> memref<1x16x1024xf32, #tpu.memory_space<hbm>>
    %dma_start3A_418 = tpu.memref_squeeze %dma_start3A_417 : memref<1x16x1024xf32, #tpu.memory_space<hbm>> -> memref<16x1024xf32, #tpu.memory_space<hbm>>
    tpu.enqueue_dma source(%arg11 : memref<16x1024xf32, #tpu.memory_space<vmem>>) target(%dma_start3A_418 : memref<16x1024xf32, #tpu.memory_space<hbm>>) target_semaphore(%arg25 : memref<!tpu.dma_semaphore, #tpu.memory_space<semaphore_mem>>)
    %dma_wait3A_419 = arith.constant 0 : i32
    %dma_wait3A_420 = tpu.memref_slice %arg4[%select_n3A_268, %select_n3A_284, %dma_wait3A_419] : memref<4x4096x1024xf32, #tpu.memory_space<hbm>> -> memref<1x16x1024xf32, #tpu.memory_space<hbm>>
    %dma_wait3A_421 = tpu.memref_squeeze %dma_wait3A_420 : memref<1x16x1024xf32, #tpu.memory_space<hbm>> -> memref<16x1024xf32, #tpu.memory_space<hbm>>
    %dma_wait3A_422 = arith.constant 0 : i32
    %dma_wait3A_423 = tpu.memref_slice %arg4[%select_n3A_268, %select_n3A_284, %dma_wait3A_422] : memref<4x4096x1024xf32, #tpu.memory_space<hbm>> -> memref<1x16x1024xf32, #tpu.memory_space<hbm>>
    %dma_wait3A_424 = tpu.memref_squeeze %dma_wait3A_423 : memref<1x16x1024xf32, #tpu.memory_space<hbm>> -> memref<16x1024xf32, #tpu.memory_space<hbm>>
    tpu.wait_dma2 semaphore(%arg23 : memref<!tpu.dma_semaphore, #tpu.memory_space<semaphore_mem>>) src(%arg9 : memref<16x1024xf32, #tpu.memory_space<vmem>>) dst(%dma_wait3A_424 : memref<16x1024xf32, #tpu.memory_space<hbm>>)
    %dma_start3A_425 = arith.constant 160 : i32
    %dma_start3A_426 = tpu.memref_slice %arg5[%dma_start3A_425] : memref<512xi32, #tpu.memory_space<vmem>> -> memref<16xi32, #tpu.memory_space<vmem>>
    %dma_start3A_427 = arith.constant 0 : i32
    %dma_start3A_428 = arith.constant 0 : i32
    %dma_start3A_429 = tpu.memref_slice %arg3[%dma_start3A_427, %dma_start3A_428] : memref<100000x1024xf32, #tpu.memory_space<hbm>> -> memref<100000x1024xf32, #tpu.memory_space<hbm>>
    tpu.enqueue_indirect_dma source(%dma_start3A_429 : memref<100000x1024xf32, #tpu.memory_space<hbm>>) target(%arg9 : memref<16x1024xf32, #tpu.memory_space<vmem>>) offsets(%dma_start3A_426 : memref<16xi32, #tpu.memory_space<vmem>>) semaphore(%arg16 : memref<!tpu.dma_semaphore, #tpu.memory_space<semaphore_mem>>)
    %dma_wait3A_430 = arith.constant 96 : i32
    %dma_wait3A_431 = tpu.memref_slice %arg5[%dma_wait3A_430] : memref<512xi32, #tpu.memory_space<vmem>> -> memref<16xi32, #tpu.memory_space<vmem>>
    %dma_wait3A_432 = arith.constant 0 : i32
    %dma_wait3A_433 = arith.constant 0 : i32
    %dma_wait3A_434 = tpu.memref_slice %arg3[%dma_wait3A_432, %dma_wait3A_433] : memref<100000x1024xf32, #tpu.memory_space<hbm>> -> memref<100000x1024xf32, #tpu.memory_space<hbm>>
    tpu.wait_indirect_dma semaphore(%arg19 : memref<!tpu.dma_semaphore, #tpu.memory_space<semaphore_mem>>) src(%dma_wait3A_434 : memref<100000x1024xf32, #tpu.memory_space<hbm>>) dst(%arg12 : memref<16x1024xf32, #tpu.memory_space<vmem>>)
    %add3A_435 = arith.constant 96 : i32
    %add3A_436 = arith.addi %mul3A_2, %add3A_435 : i32
    %jit3A_437 = arith.constant 4096 : i32
    %div3A_438 = arith.divsi %add3A_436, %jit3A_437 : i32
    %sign3A_439 = arith.constant 0 : i32
    %sign3A_440 = arith.cmpi sgt, %add3A_436, %sign3A_439 : i32
    %sign3A_441 = arith.extui %sign3A_440 : i1 to i32
    %sign3A_442 = arith.constant 0 : i32
    %sign3A_443 = arith.cmpi slt, %add3A_436, %sign3A_442 : i32
    %sign3A_444 = arith.extui %sign3A_443 : i1 to i32
    %sign3A_445 = arith.subi %sign3A_441, %sign3A_444 : i32
    %sign3A_446 = arith.constant 0 : i32
    %sign3A_447 = arith.cmpi sgt, %jit3A_437, %sign3A_446 : i32
    %sign3A_448 = arith.extui %sign3A_447 : i1 to i32
    %sign3A_449 = arith.constant 0 : i32
    %sign3A_450 = arith.cmpi slt, %jit3A_437, %sign3A_449 : i32
    %sign3A_451 = arith.extui %sign3A_450 : i1 to i32
    %sign3A_452 = arith.subi %sign3A_448, %sign3A_451 : i32
    %ne3A_453 = arith.cmpi ne, %sign3A_445, %sign3A_452 : i32
    %rem3A_454 = arith.remsi %add3A_436, %jit3A_437 : i32
    %ne3A_455 = arith.constant 0 : i32
    %ne3A_456 = arith.cmpi ne, %rem3A_454, %ne3A_455 : i32
    %and3A_457 = arith.andi %ne3A_453, %ne3A_456 : i1
    %sub3A_458 = arith.constant 1 : i32
    %sub3A_459 = arith.subi %div3A_438, %sub3A_458 : i32
    %select_n3A_460 = arith.select %and3A_457, %sub3A_459, %div3A_438 : i32
    %jit3A_461 = arith.constant 4096 : i32
    %eq3A_462 = arith.constant 0 : i32
    %eq3A_463 = arith.cmpi eq, %jit3A_461, %eq3A_462 : i32
    %jit3A_464 = arith.constant 1 : i32
    %select_n3A_465 = arith.select %eq3A_463, %jit3A_464, %jit3A_461 : i32
    %rem3A_466 = arith.remsi %add3A_436, %select_n3A_465 : i32
    %ne3A_467 = arith.constant 0 : i32
    %ne3A_468 = arith.cmpi ne, %rem3A_466, %ne3A_467 : i32
    %lt3A_469 = arith.constant 0 : i32
    %lt3A_470 = arith.cmpi slt, %rem3A_466, %lt3A_469 : i32
    %lt3A_471 = arith.constant 0 : i32
    %lt3A_472 = arith.cmpi slt, %select_n3A_465, %lt3A_471 : i32
    %ne3A_473 = arith.xori %lt3A_470, %lt3A_472 : i1
    %and3A_474 = arith.andi %ne3A_473, %ne3A_468 : i1
    %add3A_475 = arith.addi %rem3A_466, %select_n3A_465 : i32
    %select_n3A_476 = arith.select %and3A_474, %add3A_475, %rem3A_466 : i32
    %dma_start3A_477 = arith.constant 0 : i32
    %dma_start3A_478 = tpu.memref_slice %arg4[%select_n3A_460, %select_n3A_476, %dma_start3A_477] : memref<4x4096x1024xf32, #tpu.memory_space<hbm>> -> memref<1x16x1024xf32, #tpu.memory_space<hbm>>
    %dma_start3A_479 = tpu.memref_squeeze %dma_start3A_478 : memref<1x16x1024xf32, #tpu.memory_space<hbm>> -> memref<16x1024xf32, #tpu.memory_space<hbm>>
    %dma_start3A_480 = arith.constant 0 : i32
    %dma_start3A_481 = tpu.memref_slice %arg4[%select_n3A_460, %select_n3A_476, %dma_start3A_480] : memref<4x4096x1024xf32, #tpu.memory_space<hbm>> -> memref<1x16x1024xf32, #tpu.memory_space<hbm>>
    %dma_start3A_482 = tpu.memref_squeeze %dma_start3A_481 : memref<1x16x1024xf32, #tpu.memory_space<hbm>> -> memref<16x1024xf32, #tpu.memory_space<hbm>>
    tpu.enqueue_dma source(%arg12 : memref<16x1024xf32, #tpu.memory_space<vmem>>) target(%dma_start3A_482 : memref<16x1024xf32, #tpu.memory_space<hbm>>) target_semaphore(%arg26 : memref<!tpu.dma_semaphore, #tpu.memory_space<semaphore_mem>>)
    %dma_wait3A_483 = arith.constant 0 : i32
    %dma_wait3A_484 = tpu.memref_slice %arg4[%select_n3A_332, %select_n3A_348, %dma_wait3A_483] : memref<4x4096x1024xf32, #tpu.memory_space<hbm>> -> memref<1x16x1024xf32, #tpu.memory_space<hbm>>
    %dma_wait3A_485 = tpu.memref_squeeze %dma_wait3A_484 : memref<1x16x1024xf32, #tpu.memory_space<hbm>> -> memref<16x1024xf32, #tpu.memory_space<hbm>>
    %dma_wait3A_486 = arith.constant 0 : i32
    %dma_wait3A_487 = tpu.memref_slice %arg4[%select_n3A_332, %select_n3A_348, %dma_wait3A_486] : memref<4x4096x1024xf32, #tpu.memory_space<hbm>> -> memref<1x16x1024xf32, #tpu.memory_space<hbm>>
    %dma_wait3A_488 = tpu.memref_squeeze %dma_wait3A_487 : memref<1x16x1024xf32, #tpu.memory_space<hbm>> -> memref<16x1024xf32, #tpu.memory_space<hbm>>
    tpu.wait_dma2 semaphore(%arg24 : memref<!tpu.dma_semaphore, #tpu.memory_space<semaphore_mem>>) src(%arg10 : memref<16x1024xf32, #tpu.memory_space<vmem>>) dst(%dma_wait3A_488 : memref<16x1024xf32, #tpu.memory_space<hbm>>)
    %dma_start3A_489 = arith.constant 176 : i32
    %dma_start3A_490 = tpu.memref_slice %arg5[%dma_start3A_489] : memref<512xi32, #tpu.memory_space<vmem>> -> memref<16xi32, #tpu.memory_space<vmem>>
    %dma_start3A_491 = arith.constant 0 : i32
    %dma_start3A_492 = arith.constant 0 : i32
    %dma_start3A_493 = tpu.memref_slice %arg3[%dma_start3A_491, %dma_start3A_492] : memref<100000x1024xf32, #tpu.memory_space<hbm>> -> memref<100000x1024xf32, #tpu.memory_space<hbm>>
    tpu.enqueue_indirect_dma source(%dma_start3A_493 : memref<100000x1024xf32, #tpu.memory_space<hbm>>) target(%arg10 : memref<16x1024xf32, #tpu.memory_space<vmem>>) offsets(%dma_start3A_490 : memref<16xi32, #tpu.memory_space<vmem>>) semaphore(%arg17 : memref<!tpu.dma_semaphore, #tpu.memory_space<semaphore_mem>>)
    %dma_wait3A_494 = arith.constant 112 : i32
    %dma_wait3A_495 = tpu.memref_slice %arg5[%dma_wait3A_494] : memref<512xi32, #tpu.memory_space<vmem>> -> memref<16xi32, #tpu.memory_space<vmem>>
    %dma_wait3A_496 = arith.constant 0 : i32
    %dma_wait3A_497 = arith.constant 0 : i32
    %dma_wait3A_498 = tpu.memref_slice %arg3[%dma_wait3A_496, %dma_wait3A_497] : memref<100000x1024xf32, #tpu.memory_space<hbm>> -> memref<100000x1024xf32, #tpu.memory_space<hbm>>
    tpu.wait_indirect_dma semaphore(%arg13 : memref<!tpu.dma_semaphore, #tpu.memory_space<semaphore_mem>>) src(%dma_wait3A_498 : memref<100000x1024xf32, #tpu.memory_space<hbm>>) dst(%arg6 : memref<16x1024xf32, #tpu.memory_space<vmem>>)
    %add3A_499 = arith.constant 112 : i32
    %add3A_500 = arith.addi %mul3A_2, %add3A_499 : i32
    %jit3A_501 = arith.constant 4096 : i32
    %div3A_502 = arith.divsi %add3A_500, %jit3A_501 : i32
    %sign3A_503 = arith.constant 0 : i32
    %sign3A_504 = arith.cmpi sgt, %add3A_500, %sign3A_503 : i32
    %sign3A_505 = arith.extui %sign3A_504 : i1 to i32
    %sign3A_506 = arith.constant 0 : i32
    %sign3A_507 = arith.cmpi slt, %add3A_500, %sign3A_506 : i32
    %sign3A_508 = arith.extui %sign3A_507 : i1 to i32
    %sign3A_509 = arith.subi %sign3A_505, %sign3A_508 : i32
    %sign3A_510 = arith.constant 0 : i32
    %sign3A_511 = arith.cmpi sgt, %jit3A_501, %sign3A_510 : i32
    %sign3A_512 = arith.extui %sign3A_511 : i1 to i32
    %sign3A_513 = arith.constant 0 : i32
    %sign3A_514 = arith.cmpi slt, %jit3A_501, %sign3A_513 : i32
    %sign3A_515 = arith.extui %sign3A_514 : i1 to i32
    %sign3A_516 = arith.subi %sign3A_512, %sign3A_515 : i32
    %ne3A_517 = arith.cmpi ne, %sign3A_509, %sign3A_516 : i32
    %rem3A_518 = arith.remsi %add3A_500, %jit3A_501 : i32
    %ne3A_519 = arith.constant 0 : i32
    %ne3A_520 = arith.cmpi ne, %rem3A_518, %ne3A_519 : i32
    %and3A_521 = arith.andi %ne3A_517, %ne3A_520 : i1
    %sub3A_522 = arith.constant 1 : i32
    %sub3A_523 = arith.subi %div3A_502, %sub3A_522 : i32
    %select_n3A_524 = arith.select %and3A_521, %sub3A_523, %div3A_502 : i32
    %jit3A_525 = arith.constant 4096 : i32
    %eq3A_526 = arith.constant 0 : i32
    %eq3A_527 = arith.cmpi eq, %jit3A_525, %eq3A_526 : i32
    %jit3A_528 = arith.constant 1 : i32
    %select_n3A_529 = arith.select %eq3A_527, %jit3A_528, %jit3A_525 : i32
    %rem3A_530 = arith.remsi %add3A_500, %select_n3A_529 : i32
    %ne3A_531 = arith.constant 0 : i32
    %ne3A_532 = arith.cmpi ne, %rem3A_530, %ne3A_531 : i32
    %lt3A_533 = arith.constant 0 : i32
    %lt3A_534 = arith.cmpi slt, %rem3A_530, %lt3A_533 : i32
    %lt3A_535 = arith.constant 0 : i32
    %lt3A_536 = arith.cmpi slt, %select_n3A_529, %lt3A_535 : i32
    %ne3A_537 = arith.xori %lt3A_534, %lt3A_536 : i1
    %and3A_538 = arith.andi %ne3A_537, %ne3A_532 : i1
    %add3A_539 = arith.addi %rem3A_530, %select_n3A_529 : i32
    %select_n3A_540 = arith.select %and3A_538, %add3A_539, %rem3A_530 : i32
    %dma_start3A_541 = arith.constant 0 : i32
    %dma_start3A_542 = tpu.memref_slice %arg4[%select_n3A_524, %select_n3A_540, %dma_start3A_541] : memref<4x4096x1024xf32, #tpu.memory_space<hbm>> -> memref<1x16x1024xf32, #tpu.memory_space<hbm>>
    %dma_start3A_543 = tpu.memref_squeeze %dma_start3A_542 : memref<1x16x1024xf32, #tpu.memory_space<hbm>> -> memref<16x1024xf32, #tpu.memory_space<hbm>>
    %dma_start3A_544 = arith.constant 0 : i32
    %dma_start3A_545 = tpu.memref_slice %arg4[%select_n3A_524, %select_n3A_540, %dma_start3A_544] : memref<4x4096x1024xf32, #tpu.memory_space<hbm>> -> memref<1x16x1024xf32, #tpu.memory_space<hbm>>
    %dma_start3A_546 = tpu.memref_squeeze %dma_start3A_545 : memref<1x16x1024xf32, #tpu.memory_space<hbm>> -> memref<16x1024xf32, #tpu.memory_space<hbm>>
    tpu.enqueue_dma source(%arg6 : memref<16x1024xf32, #tpu.memory_space<vmem>>) target(%dma_start3A_546 : memref<16x1024xf32, #tpu.memory_space<hbm>>) target_semaphore(%arg20 : memref<!tpu.dma_semaphore, #tpu.memory_space<semaphore_mem>>)
    %dma_wait3A_547 = arith.constant 0 : i32
    %dma_wait3A_548 = tpu.memref_slice %arg4[%select_n3A_396, %select_n3A_412, %dma_wait3A_547] : memref<4x4096x1024xf32, #tpu.memory_space<hbm>> -> memref<1x16x1024xf32, #tpu.memory_space<hbm>>
    %dma_wait3A_549 = tpu.memref_squeeze %dma_wait3A_548 : memref<1x16x1024xf32, #tpu.memory_space<hbm>> -> memref<16x1024xf32, #tpu.memory_space<hbm>>
    %dma_wait3A_550 = arith.constant 0 : i32
    %dma_wait3A_551 = tpu.memref_slice %arg4[%select_n3A_396, %select_n3A_412, %dma_wait3A_550] : memref<4x4096x1024xf32, #tpu.memory_space<hbm>> -> memref<1x16x1024xf32, #tpu.memory_space<hbm>>
    %dma_wait3A_552 = tpu.memref_squeeze %dma_wait3A_551 : memref<1x16x1024xf32, #tpu.memory_space<hbm>> -> memref<16x1024xf32, #tpu.memory_space<hbm>>
    tpu.wait_dma2 semaphore(%arg25 : memref<!tpu.dma_semaphore, #tpu.memory_space<semaphore_mem>>) src(%arg11 : memref<16x1024xf32, #tpu.memory_space<vmem>>) dst(%dma_wait3A_552 : memref<16x1024xf32, #tpu.memory_space<hbm>>)
    %dma_start3A_553 = arith.constant 192 : i32
    %dma_start3A_554 = tpu.memref_slice %arg5[%dma_start3A_553] : memref<512xi32, #tpu.memory_space<vmem>> -> memref<16xi32, #tpu.memory_space<vmem>>
    %dma_start3A_555 = arith.constant 0 : i32
    %dma_start3A_556 = arith.constant 0 : i32
    %dma_start3A_557 = tpu.memref_slice %arg3[%dma_start3A_555, %dma_start3A_556] : memref<100000x1024xf32, #tpu.memory_space<hbm>> -> memref<100000x1024xf32, #tpu.memory_space<hbm>>
    tpu.enqueue_indirect_dma source(%dma_start3A_557 : memref<100000x1024xf32, #tpu.memory_space<hbm>>) target(%arg11 : memref<16x1024xf32, #tpu.memory_space<vmem>>) offsets(%dma_start3A_554 : memref<16xi32, #tpu.memory_space<vmem>>) semaphore(%arg18 : memref<!tpu.dma_semaphore, #tpu.memory_space<semaphore_mem>>)
    %dma_wait3A_558 = arith.constant 128 : i32
    %dma_wait3A_559 = tpu.memref_slice %arg5[%dma_wait3A_558] : memref<512xi32, #tpu.memory_space<vmem>> -> memref<16xi32, #tpu.memory_space<vmem>>
    %dma_wait3A_560 = arith.constant 0 : i32
    %dma_wait3A_561 = arith.constant 0 : i32
    %dma_wait3A_562 = tpu.memref_slice %arg3[%dma_wait3A_560, %dma_wait3A_561] : memref<100000x1024xf32, #tpu.memory_space<hbm>> -> memref<100000x1024xf32, #tpu.memory_space<hbm>>
    tpu.wait_indirect_dma semaphore(%arg14 : memref<!tpu.dma_semaphore, #tpu.memory_space<semaphore_mem>>) src(%dma_wait3A_562 : memref<100000x1024xf32, #tpu.memory_space<hbm>>) dst(%arg7 : memref<16x1024xf32, #tpu.memory_space<vmem>>)
    %add3A_563 = arith.constant 128 : i32
    %add3A_564 = arith.addi %mul3A_2, %add3A_563 : i32
    %jit3A_565 = arith.constant 4096 : i32
    %div3A_566 = arith.divsi %add3A_564, %jit3A_565 : i32
    %sign3A_567 = arith.constant 0 : i32
    %sign3A_568 = arith.cmpi sgt, %add3A_564, %sign3A_567 : i32
    %sign3A_569 = arith.extui %sign3A_568 : i1 to i32
    %sign3A_570 = arith.constant 0 : i32
    %sign3A_571 = arith.cmpi slt, %add3A_564, %sign3A_570 : i32
    %sign3A_572 = arith.extui %sign3A_571 : i1 to i32
    %sign3A_573 = arith.subi %sign3A_569, %sign3A_572 : i32
    %sign3A_574 = arith.constant 0 : i32
    %sign3A_575 = arith.cmpi sgt, %jit3A_565, %sign3A_574 : i32
    %sign3A_576 = arith.extui %sign3A_575 : i1 to i32
    %sign3A_577 = arith.constant 0 : i32
    %sign3A_578 = arith.cmpi slt, %jit3A_565, %sign3A_577 : i32
    %sign3A_579 = arith.extui %sign3A_578 : i1 to i32
    %sign3A_580 = arith.subi %sign3A_576, %sign3A_579 : i32
    %ne3A_581 = arith.cmpi ne, %sign3A_573, %sign3A_580 : i32
    %rem3A_582 = arith.remsi %add3A_564, %jit3A_565 : i32
    %ne3A_583 = arith.constant 0 : i32
    %ne3A_584 = arith.cmpi ne, %rem3A_582, %ne3A_583 : i32
    %and3A_585 = arith.andi %ne3A_581, %ne3A_584 : i1
    %sub3A_586 = arith.constant 1 : i32
    %sub3A_587 = arith.subi %div3A_566, %sub3A_586 : i32
    %select_n3A_588 = arith.select %and3A_585, %sub3A_587, %div3A_566 : i32
    %jit3A_589 = arith.constant 4096 : i32
    %eq3A_590 = arith.constant 0 : i32
    %eq3A_591 = arith.cmpi eq, %jit3A_589, %eq3A_590 : i32
    %jit3A_592 = arith.constant 1 : i32
    %select_n3A_593 = arith.select %eq3A_591, %jit3A_592, %jit3A_589 : i32
    %rem3A_594 = arith.remsi %add3A_564, %select_n3A_593 : i32
    %ne3A_595 = arith.constant 0 : i32
    %ne3A_596 = arith.cmpi ne, %rem3A_594, %ne3A_595 : i32
    %lt3A_597 = arith.constant 0 : i32
    %lt3A_598 = arith.cmpi slt, %rem3A_594, %lt3A_597 : i32
    %lt3A_599 = arith.constant 0 : i32
    %lt3A_600 = arith.cmpi slt, %select_n3A_593, %lt3A_599 : i32
    %ne3A_601 = arith.xori %lt3A_598, %lt3A_600 : i1
    %and3A_602 = arith.andi %ne3A_601, %ne3A_596 : i1
    %add3A_603 = arith.addi %rem3A_594, %select_n3A_593 : i32
    %select_n3A_604 = arith.select %and3A_602, %add3A_603, %rem3A_594 : i32
    %dma_start3A_605 = arith.constant 0 : i32
    %dma_start3A_606 = tpu.memref_slice %arg4[%select_n3A_588, %select_n3A_604, %dma_start3A_605] : memref<4x4096x1024xf32, #tpu.memory_space<hbm>> -> memref<1x16x1024xf32, #tpu.memory_space<hbm>>
    %dma_start3A_607 = tpu.memref_squeeze %dma_start3A_606 : memref<1x16x1024xf32, #tpu.memory_space<hbm>> -> memref<16x1024xf32, #tpu.memory_space<hbm>>
    %dma_start3A_608 = arith.constant 0 : i32
    %dma_start3A_609 = tpu.memref_slice %arg4[%select_n3A_588, %select_n3A_604, %dma_start3A_608] : memref<4x4096x1024xf32, #tpu.memory_space<hbm>> -> memref<1x16x1024xf32, #tpu.memory_space<hbm>>
    %dma_start3A_610 = tpu.memref_squeeze %dma_start3A_609 : memref<1x16x1024xf32, #tpu.memory_space<hbm>> -> memref<16x1024xf32, #tpu.memory_space<hbm>>
    tpu.enqueue_dma source(%arg7 : memref<16x1024xf32, #tpu.memory_space<vmem>>) target(%dma_start3A_610 : memref<16x1024xf32, #tpu.memory_space<hbm>>) target_semaphore(%arg21 : memref<!tpu.dma_semaphore, #tpu.memory_space<semaphore_mem>>)
    %dma_wait3A_611 = arith.constant 0 : i32
    %dma_wait3A_612 = tpu.memref_slice %arg4[%select_n3A_460, %select_n3A_476, %dma_wait3A_611] : memref<4x4096x1024xf32, #tpu.memory_space<hbm>> -> memref<1x16x1024xf32, #tpu.memory_space<hbm>>
    %dma_wait3A_613 = tpu.memref_squeeze %dma_wait3A_612 : memref<1x16x1024xf32, #tpu.memory_space<hbm>> -> memref<16x1024xf32, #tpu.memory_space<hbm>>
    %dma_wait3A_614 = arith.constant 0 : i32
    %dma_wait3A_615 = tpu.memref_slice %arg4[%select_n3A_460, %select_n3A_476, %dma_wait3A_614] : memref<4x4096x1024xf32, #tpu.memory_space<hbm>> -> memref<1x16x1024xf32, #tpu.memory_space<hbm>>
    %dma_wait3A_616 = tpu.memref_squeeze %dma_wait3A_615 : memref<1x16x1024xf32, #tpu.memory_space<hbm>> -> memref<16x1024xf32, #tpu.memory_space<hbm>>
    tpu.wait_dma2 semaphore(%arg26 : memref<!tpu.dma_semaphore, #tpu.memory_space<semaphore_mem>>) src(%arg12 : memref<16x1024xf32, #tpu.memory_space<vmem>>) dst(%dma_wait3A_616 : memref<16x1024xf32, #tpu.memory_space<hbm>>)
    %dma_start3A_617 = arith.constant 208 : i32
    %dma_start3A_618 = tpu.memref_slice %arg5[%dma_start3A_617] : memref<512xi32, #tpu.memory_space<vmem>> -> memref<16xi32, #tpu.memory_space<vmem>>
    %dma_start3A_619 = arith.constant 0 : i32
    %dma_start3A_620 = arith.constant 0 : i32
    %dma_start3A_621 = tpu.memref_slice %arg3[%dma_start3A_619, %dma_start3A_620] : memref<100000x1024xf32, #tpu.memory_space<hbm>> -> memref<100000x1024xf32, #tpu.memory_space<hbm>>
    tpu.enqueue_indirect_dma source(%dma_start3A_621 : memref<100000x1024xf32, #tpu.memory_space<hbm>>) target(%arg12 : memref<16x1024xf32, #tpu.memory_space<vmem>>) offsets(%dma_start3A_618 : memref<16xi32, #tpu.memory_space<vmem>>) semaphore(%arg19 : memref<!tpu.dma_semaphore, #tpu.memory_space<semaphore_mem>>)
    %dma_wait3A_622 = arith.constant 144 : i32
    %dma_wait3A_623 = tpu.memref_slice %arg5[%dma_wait3A_622] : memref<512xi32, #tpu.memory_space<vmem>> -> memref<16xi32, #tpu.memory_space<vmem>>
    %dma_wait3A_624 = arith.constant 0 : i32
    %dma_wait3A_625 = arith.constant 0 : i32
    %dma_wait3A_626 = tpu.memref_slice %arg3[%dma_wait3A_624, %dma_wait3A_625] : memref<100000x1024xf32, #tpu.memory_space<hbm>> -> memref<100000x1024xf32, #tpu.memory_space<hbm>>
    tpu.wait_indirect_dma semaphore(%arg15 : memref<!tpu.dma_semaphore, #tpu.memory_space<semaphore_mem>>) src(%dma_wait3A_626 : memref<100000x1024xf32, #tpu.memory_space<hbm>>) dst(%arg8 : memref<16x1024xf32, #tpu.memory_space<vmem>>)
    %add3A_627 = arith.constant 144 : i32
    %add3A_628 = arith.addi %mul3A_2, %add3A_627 : i32
    %jit3A_629 = arith.constant 4096 : i32
    %div3A_630 = arith.divsi %add3A_628, %jit3A_629 : i32
    %sign3A_631 = arith.constant 0 : i32
    %sign3A_632 = arith.cmpi sgt, %add3A_628, %sign3A_631 : i32
    %sign3A_633 = arith.extui %sign3A_632 : i1 to i32
    %sign3A_634 = arith.constant 0 : i32
    %sign3A_635 = arith.cmpi slt, %add3A_628, %sign3A_634 : i32
    %sign3A_636 = arith.extui %sign3A_635 : i1 to i32
    %sign3A_637 = arith.subi %sign3A_633, %sign3A_636 : i32
    %sign3A_638 = arith.constant 0 : i32
    %sign3A_639 = arith.cmpi sgt, %jit3A_629, %sign3A_638 : i32
    %sign3A_640 = arith.extui %sign3A_639 : i1 to i32
    %sign3A_641 = arith.constant 0 : i32
    %sign3A_642 = arith.cmpi slt, %jit3A_629, %sign3A_641 : i32
    %sign3A_643 = arith.extui %sign3A_642 : i1 to i32
    %sign3A_644 = arith.subi %sign3A_640, %sign3A_643 : i32
    %ne3A_645 = arith.cmpi ne, %sign3A_637, %sign3A_644 : i32
    %rem3A_646 = arith.remsi %add3A_628, %jit3A_629 : i32
    %ne3A_647 = arith.constant 0 : i32
    %ne3A_648 = arith.cmpi ne, %rem3A_646, %ne3A_647 : i32
    %and3A_649 = arith.andi %ne3A_645, %ne3A_648 : i1
    %sub3A_650 = arith.constant 1 : i32
    %sub3A_651 = arith.subi %div3A_630, %sub3A_650 : i32
    %select_n3A_652 = arith.select %and3A_649, %sub3A_651, %div3A_630 : i32
    %jit3A_653 = arith.constant 4096 : i32
    %eq3A_654 = arith.constant 0 : i32
    %eq3A_655 = arith.cmpi eq, %jit3A_653, %eq3A_654 : i32
    %jit3A_656 = arith.constant 1 : i32
    %select_n3A_657 = arith.select %eq3A_655, %jit3A_656, %jit3A_653 : i32
    %rem3A_658 = arith.remsi %add3A_628, %select_n3A_657 : i32
    %ne3A_659 = arith.constant 0 : i32
    %ne3A_660 = arith.cmpi ne, %rem3A_658, %ne3A_659 : i32
    %lt3A_661 = arith.constant 0 : i32
    %lt3A_662 = arith.cmpi slt, %rem3A_658, %lt3A_661 : i32
    %lt3A_663 = arith.constant 0 : i32
    %lt3A_664 = arith.cmpi slt, %select_n3A_657, %lt3A_663 : i32
    %ne3A_665 = arith.xori %lt3A_662, %lt3A_664 : i1
    %and3A_666 = arith.andi %ne3A_665, %ne3A_660 : i1
    %add3A_667 = arith.addi %rem3A_658, %select_n3A_657 : i32
    %select_n3A_668 = arith.select %and3A_666, %add3A_667, %rem3A_658 : i32
    %dma_start3A_669 = arith.constant 0 : i32
    %dma_start3A_670 = tpu.memref_slice %arg4[%select_n3A_652, %select_n3A_668, %dma_start3A_669] : memref<4x4096x1024xf32, #tpu.memory_space<hbm>> -> memref<1x16x1024xf32, #tpu.memory_space<hbm>>
    %dma_start3A_671 = tpu.memref_squeeze %dma_start3A_670 : memref<1x16x1024xf32, #tpu.memory_space<hbm>> -> memref<16x1024xf32, #tpu.memory_space<hbm>>
    %dma_start3A_672 = arith.constant 0 : i32
    %dma_start3A_673 = tpu.memref_slice %arg4[%select_n3A_652, %select_n3A_668, %dma_start3A_672] : memref<4x4096x1024xf32, #tpu.memory_space<hbm>> -> memref<1x16x1024xf32, #tpu.memory_space<hbm>>
    %dma_start3A_674 = tpu.memref_squeeze %dma_start3A_673 : memref<1x16x1024xf32, #tpu.memory_space<hbm>> -> memref<16x1024xf32, #tpu.memory_space<hbm>>
    tpu.enqueue_dma source(%arg8 : memref<16x1024xf32, #tpu.memory_space<vmem>>) target(%dma_start3A_674 : memref<16x1024xf32, #tpu.memory_space<hbm>>) target_semaphore(%arg22 : memref<!tpu.dma_semaphore, #tpu.memory_space<semaphore_mem>>)
    %dma_wait3A_675 = arith.constant 0 : i32
    %dma_wait3A_676 = tpu.memref_slice %arg4[%select_n3A_524, %select_n3A_540, %dma_wait3A_675] : memref<4x4096x1024xf32, #tpu.memory_space<hbm>> -> memref<1x16x1024xf32, #tpu.memory_space<hbm>>
    %dma_wait3A_677 = tpu.memref_squeeze %dma_wait3A_676 : memref<1x16x1024xf32, #tpu.memory_space<hbm>> -> memref<16x1024xf32, #tpu.memory_space<hbm>>
    %dma_wait3A_678 = arith.constant 0 : i32
    %dma_wait3A_679 = tpu.memref_slice %arg4[%select_n3A_524, %select_n3A_540, %dma_wait3A_678] : memref<4x4096x1024xf32, #tpu.memory_space<hbm>> -> memref<1x16x1024xf32, #tpu.memory_space<hbm>>
    %dma_wait3A_680 = tpu.memref_squeeze %dma_wait3A_679 : memref<1x16x1024xf32, #tpu.memory_space<hbm>> -> memref<16x1024xf32, #tpu.memory_space<hbm>>
    tpu.wait_dma2 semaphore(%arg20 : memref<!tpu.dma_semaphore, #tpu.memory_space<semaphore_mem>>) src(%arg6 : memref<16x1024xf32, #tpu.memory_space<vmem>>) dst(%dma_wait3A_680 : memref<16x1024xf32, #tpu.memory_space<hbm>>)
    %dma_start3A_681 = arith.constant 224 : i32
    %dma_start3A_682 = tpu.memref_slice %arg5[%dma_start3A_681] : memref<512xi32, #tpu.memory_space<vmem>> -> memref<16xi32, #tpu.memory_space<vmem>>
    %dma_start3A_683 = arith.constant 0 : i32
    %dma_start3A_684 = arith.constant 0 : i32
    %dma_start3A_685 = tpu.memref_slice %arg3[%dma_start3A_683, %dma_start3A_684] : memref<100000x1024xf32, #tpu.memory_space<hbm>> -> memref<100000x1024xf32, #tpu.memory_space<hbm>>
    tpu.enqueue_indirect_dma source(%dma_start3A_685 : memref<100000x1024xf32, #tpu.memory_space<hbm>>) target(%arg6 : memref<16x1024xf32, #tpu.memory_space<vmem>>) offsets(%dma_start3A_682 : memref<16xi32, #tpu.memory_space<vmem>>) semaphore(%arg13 : memref<!tpu.dma_semaphore, #tpu.memory_space<semaphore_mem>>)
    %dma_wait3A_686 = arith.constant 160 : i32
    %dma_wait3A_687 = tpu.memref_slice %arg5[%dma_wait3A_686] : memref<512xi32, #tpu.memory_space<vmem>> -> memref<16xi32, #tpu.memory_space<vmem>>
    %dma_wait3A_688 = arith.constant 0 : i32
    %dma_wait3A_689 = arith.constant 0 : i32
    %dma_wait3A_690 = tpu.memref_slice %arg3[%dma_wait3A_688, %dma_wait3A_689] : memref<100000x1024xf32, #tpu.memory_space<hbm>> -> memref<100000x1024xf32, #tpu.memory_space<hbm>>
    tpu.wait_indirect_dma semaphore(%arg16 : memref<!tpu.dma_semaphore, #tpu.memory_space<semaphore_mem>>) src(%dma_wait3A_690 : memref<100000x1024xf32, #tpu.memory_space<hbm>>) dst(%arg9 : memref<16x1024xf32, #tpu.memory_space<vmem>>)
    %add3A_691 = arith.constant 160 : i32
    %add3A_692 = arith.addi %mul3A_2, %add3A_691 : i32
    %jit3A_693 = arith.constant 4096 : i32
    %div3A_694 = arith.divsi %add3A_692, %jit3A_693 : i32
    %sign3A_695 = arith.constant 0 : i32
    %sign3A_696 = arith.cmpi sgt, %add3A_692, %sign3A_695 : i32
    %sign3A_697 = arith.extui %sign3A_696 : i1 to i32
    %sign3A_698 = arith.constant 0 : i32
    %sign3A_699 = arith.cmpi slt, %add3A_692, %sign3A_698 : i32
    %sign3A_700 = arith.extui %sign3A_699 : i1 to i32
    %sign3A_701 = arith.subi %sign3A_697, %sign3A_700 : i32
    %sign3A_702 = arith.constant 0 : i32
    %sign3A_703 = arith.cmpi sgt, %jit3A_693, %sign3A_702 : i32
    %sign3A_704 = arith.extui %sign3A_703 : i1 to i32
    %sign3A_705 = arith.constant 0 : i32
    %sign3A_706 = arith.cmpi slt, %jit3A_693, %sign3A_705 : i32
    %sign3A_707 = arith.extui %sign3A_706 : i1 to i32
    %sign3A_708 = arith.subi %sign3A_704, %sign3A_707 : i32
    %ne3A_709 = arith.cmpi ne, %sign3A_701, %sign3A_708 : i32
    %rem3A_710 = arith.remsi %add3A_692, %jit3A_693 : i32
    %ne3A_711 = arith.constant 0 : i32
    %ne3A_712 = arith.cmpi ne, %rem3A_710, %ne3A_711 : i32
    %and3A_713 = arith.andi %ne3A_709, %ne3A_712 : i1
    %sub3A_714 = arith.constant 1 : i32
    %sub3A_715 = arith.subi %div3A_694, %sub3A_714 : i32
    %select_n3A_716 = arith.select %and3A_713, %sub3A_715, %div3A_694 : i32
    %jit3A_717 = arith.constant 4096 : i32
    %eq3A_718 = arith.constant 0 : i32
    %eq3A_719 = arith.cmpi eq, %jit3A_717, %eq3A_718 : i32
    %jit3A_720 = arith.constant 1 : i32
    %select_n3A_721 = arith.select %eq3A_719, %jit3A_720, %jit3A_717 : i32
    %rem3A_722 = arith.remsi %add3A_692, %select_n3A_721 : i32
    %ne3A_723 = arith.constant 0 : i32
    %ne3A_724 = arith.cmpi ne, %rem3A_722, %ne3A_723 : i32
    %lt3A_725 = arith.constant 0 : i32
    %lt3A_726 = arith.cmpi slt, %rem3A_722, %lt3A_725 : i32
    %lt3A_727 = arith.constant 0 : i32
    %lt3A_728 = arith.cmpi slt, %select_n3A_721, %lt3A_727 : i32
    %ne3A_729 = arith.xori %lt3A_726, %lt3A_728 : i1
    %and3A_730 = arith.andi %ne3A_729, %ne3A_724 : i1
    %add3A_731 = arith.addi %rem3A_722, %select_n3A_721 : i32
    %select_n3A_732 = arith.select %and3A_730, %add3A_731, %rem3A_722 : i32
    %dma_start3A_733 = arith.constant 0 : i32
    %dma_start3A_734 = tpu.memref_slice %arg4[%select_n3A_716, %select_n3A_732, %dma_start3A_733] : memref<4x4096x1024xf32, #tpu.memory_space<hbm>> -> memref<1x16x1024xf32, #tpu.memory_space<hbm>>
    %dma_start3A_735 = tpu.memref_squeeze %dma_start3A_734 : memref<1x16x1024xf32, #tpu.memory_space<hbm>> -> memref<16x1024xf32, #tpu.memory_space<hbm>>
    %dma_start3A_736 = arith.constant 0 : i32
    %dma_start3A_737 = tpu.memref_slice %arg4[%select_n3A_716, %select_n3A_732, %dma_start3A_736] : memref<4x4096x1024xf32, #tpu.memory_space<hbm>> -> memref<1x16x1024xf32, #tpu.memory_space<hbm>>
    %dma_start3A_738 = tpu.memref_squeeze %dma_start3A_737 : memref<1x16x1024xf32, #tpu.memory_space<hbm>> -> memref<16x1024xf32, #tpu.memory_space<hbm>>
    tpu.enqueue_dma source(%arg9 : memref<16x1024xf32, #tpu.memory_space<vmem>>) target(%dma_start3A_738 : memref<16x1024xf32, #tpu.memory_space<hbm>>) target_semaphore(%arg23 : memref<!tpu.dma_semaphore, #tpu.memory_space<semaphore_mem>>)
    %dma_wait3A_739 = arith.constant 0 : i32
    %dma_wait3A_740 = tpu.memref_slice %arg4[%select_n3A_588, %select_n3A_604, %dma_wait3A_739] : memref<4x4096x1024xf32, #tpu.memory_space<hbm>> -> memref<1x16x1024xf32, #tpu.memory_space<hbm>>
    %dma_wait3A_741 = tpu.memref_squeeze %dma_wait3A_740 : memref<1x16x1024xf32, #tpu.memory_space<hbm>> -> memref<16x1024xf32, #tpu.memory_space<hbm>>
    %dma_wait3A_742 = arith.constant 0 : i32
    %dma_wait3A_743 = tpu.memref_slice %arg4[%select_n3A_588, %select_n3A_604, %dma_wait3A_742] : memref<4x4096x1024xf32, #tpu.memory_space<hbm>> -> memref<1x16x1024xf32, #tpu.memory_space<hbm>>
    %dma_wait3A_744 = tpu.memref_squeeze %dma_wait3A_743 : memref<1x16x1024xf32, #tpu.memory_space<hbm>> -> memref<16x1024xf32, #tpu.memory_space<hbm>>
    tpu.wait_dma2 semaphore(%arg21 : memref<!tpu.dma_semaphore, #tpu.memory_space<semaphore_mem>>) src(%arg7 : memref<16x1024xf32, #tpu.memory_space<vmem>>) dst(%dma_wait3A_744 : memref<16x1024xf32, #tpu.memory_space<hbm>>)
    %dma_start3A_745 = arith.constant 240 : i32
    %dma_start3A_746 = tpu.memref_slice %arg5[%dma_start3A_745] : memref<512xi32, #tpu.memory_space<vmem>> -> memref<16xi32, #tpu.memory_space<vmem>>
    %dma_start3A_747 = arith.constant 0 : i32
    %dma_start3A_748 = arith.constant 0 : i32
    %dma_start3A_749 = tpu.memref_slice %arg3[%dma_start3A_747, %dma_start3A_748] : memref<100000x1024xf32, #tpu.memory_space<hbm>> -> memref<100000x1024xf32, #tpu.memory_space<hbm>>
    tpu.enqueue_indirect_dma source(%dma_start3A_749 : memref<100000x1024xf32, #tpu.memory_space<hbm>>) target(%arg7 : memref<16x1024xf32, #tpu.memory_space<vmem>>) offsets(%dma_start3A_746 : memref<16xi32, #tpu.memory_space<vmem>>) semaphore(%arg14 : memref<!tpu.dma_semaphore, #tpu.memory_space<semaphore_mem>>)
    %dma_wait3A_750 = arith.constant 176 : i32
    %dma_wait3A_751 = tpu.memref_slice %arg5[%dma_wait3A_750] : memref<512xi32, #tpu.memory_space<vmem>> -> memref<16xi32, #tpu.memory_space<vmem>>
    %dma_wait3A_752 = arith.constant 0 : i32
    %dma_wait3A_753 = arith.constant 0 : i32
    %dma_wait3A_754 = tpu.memref_slice %arg3[%dma_wait3A_752, %dma_wait3A_753] : memref<100000x1024xf32, #tpu.memory_space<hbm>> -> memref<100000x1024xf32, #tpu.memory_space<hbm>>
    tpu.wait_indirect_dma semaphore(%arg17 : memref<!tpu.dma_semaphore, #tpu.memory_space<semaphore_mem>>) src(%dma_wait3A_754 : memref<100000x1024xf32, #tpu.memory_space<hbm>>) dst(%arg10 : memref<16x1024xf32, #tpu.memory_space<vmem>>)
    %add3A_755 = arith.constant 176 : i32
    %add3A_756 = arith.addi %mul3A_2, %add3A_755 : i32
    %jit3A_757 = arith.constant 4096 : i32
    %div3A_758 = arith.divsi %add3A_756, %jit3A_757 : i32
    %sign3A_759 = arith.constant 0 : i32
    %sign3A_760 = arith.cmpi sgt, %add3A_756, %sign3A_759 : i32
    %sign3A_761 = arith.extui %sign3A_760 : i1 to i32
    %sign3A_762 = arith.constant 0 : i32
    %sign3A_763 = arith.cmpi slt, %add3A_756, %sign3A_762 : i32
    %sign3A_764 = arith.extui %sign3A_763 : i1 to i32
    %sign3A_765 = arith.subi %sign3A_761, %sign3A_764 : i32
    %sign3A_766 = arith.constant 0 : i32
    %sign3A_767 = arith.cmpi sgt, %jit3A_757, %sign3A_766 : i32
    %sign3A_768 = arith.extui %sign3A_767 : i1 to i32
    %sign3A_769 = arith.constant 0 : i32
    %sign3A_770 = arith.cmpi slt, %jit3A_757, %sign3A_769 : i32
    %sign3A_771 = arith.extui %sign3A_770 : i1 to i32
    %sign3A_772 = arith.subi %sign3A_768, %sign3A_771 : i32
    %ne3A_773 = arith.cmpi ne, %sign3A_765, %sign3A_772 : i32
    %rem3A_774 = arith.remsi %add3A_756, %jit3A_757 : i32
    %ne3A_775 = arith.constant 0 : i32
    %ne3A_776 = arith.cmpi ne, %rem3A_774, %ne3A_775 : i32
    %and3A_777 = arith.andi %ne3A_773, %ne3A_776 : i1
    %sub3A_778 = arith.constant 1 : i32
    %sub3A_779 = arith.subi %div3A_758, %sub3A_778 : i32
    %select_n3A_780 = arith.select %and3A_777, %sub3A_779, %div3A_758 : i32
    %jit3A_781 = arith.constant 4096 : i32
    %eq3A_782 = arith.constant 0 : i32
    %eq3A_783 = arith.cmpi eq, %jit3A_781, %eq3A_782 : i32
    %jit3A_784 = arith.constant 1 : i32
    %select_n3A_785 = arith.select %eq3A_783, %jit3A_784, %jit3A_781 : i32
    %rem3A_786 = arith.remsi %add3A_756, %select_n3A_785 : i32
    %ne3A_787 = arith.constant 0 : i32
    %ne3A_788 = arith.cmpi ne, %rem3A_786, %ne3A_787 : i32
    %lt3A_789 = arith.constant 0 : i32
    %lt3A_790 = arith.cmpi slt, %rem3A_786, %lt3A_789 : i32
    %lt3A_791 = arith.constant 0 : i32
    %lt3A_792 = arith.cmpi slt, %select_n3A_785, %lt3A_791 : i32
    %ne3A_793 = arith.xori %lt3A_790, %lt3A_792 : i1
    %and3A_794 = arith.andi %ne3A_793, %ne3A_788 : i1
    %add3A_795 = arith.addi %rem3A_786, %select_n3A_785 : i32
    %select_n3A_796 = arith.select %and3A_794, %add3A_795, %rem3A_786 : i32
    %dma_start3A_797 = arith.constant 0 : i32
    %dma_start3A_798 = tpu.memref_slice %arg4[%select_n3A_780, %select_n3A_796, %dma_start3A_797] : memref<4x4096x1024xf32, #tpu.memory_space<hbm>> -> memref<1x16x1024xf32, #tpu.memory_space<hbm>>
    %dma_start3A_799 = tpu.memref_squeeze %dma_start3A_798 : memref<1x16x1024xf32, #tpu.memory_space<hbm>> -> memref<16x1024xf32, #tpu.memory_space<hbm>>
    %dma_start3A_800 = arith.constant 0 : i32
    %dma_start3A_801 = tpu.memref_slice %arg4[%select_n3A_780, %select_n3A_796, %dma_start3A_800] : memref<4x4096x1024xf32, #tpu.memory_space<hbm>> -> memref<1x16x1024xf32, #tpu.memory_space<hbm>>
    %dma_start3A_802 = tpu.memref_squeeze %dma_start3A_801 : memref<1x16x1024xf32, #tpu.memory_space<hbm>> -> memref<16x1024xf32, #tpu.memory_space<hbm>>
    tpu.enqueue_dma source(%arg10 : memref<16x1024xf32, #tpu.memory_space<vmem>>) target(%dma_start3A_802 : memref<16x1024xf32, #tpu.memory_space<hbm>>) target_semaphore(%arg24 : memref<!tpu.dma_semaphore, #tpu.memory_space<semaphore_mem>>)
    %dma_wait3A_803 = arith.constant 0 : i32
    %dma_wait3A_804 = tpu.memref_slice %arg4[%select_n3A_652, %select_n3A_668, %dma_wait3A_803] : memref<4x4096x1024xf32, #tpu.memory_space<hbm>> -> memref<1x16x1024xf32, #tpu.memory_space<hbm>>
    %dma_wait3A_805 = tpu.memref_squeeze %dma_wait3A_804 : memref<1x16x1024xf32, #tpu.memory_space<hbm>> -> memref<16x1024xf32, #tpu.memory_space<hbm>>
    %dma_wait3A_806 = arith.constant 0 : i32
    %dma_wait3A_807 = tpu.memref_slice %arg4[%select_n3A_652, %select_n3A_668, %dma_wait3A_806] : memref<4x4096x1024xf32, #tpu.memory_space<hbm>> -> memref<1x16x1024xf32, #tpu.memory_space<hbm>>
    %dma_wait3A_808 = tpu.memref_squeeze %dma_wait3A_807 : memref<1x16x1024xf32, #tpu.memory_space<hbm>> -> memref<16x1024xf32, #tpu.memory_space<hbm>>
    tpu.wait_dma2 semaphore(%arg22 : memref<!tpu.dma_semaphore, #tpu.memory_space<semaphore_mem>>) src(%arg8 : memref<16x1024xf32, #tpu.memory_space<vmem>>) dst(%dma_wait3A_808 : memref<16x1024xf32, #tpu.memory_space<hbm>>)
    %dma_start3A_809 = arith.constant 256 : i32
    %dma_start3A_810 = tpu.memref_slice %arg5[%dma_start3A_809] : memref<512xi32, #tpu.memory_space<vmem>> -> memref<16xi32, #tpu.memory_space<vmem>>
    %dma_start3A_811 = arith.constant 0 : i32
    %dma_start3A_812 = arith.constant 0 : i32
    %dma_start3A_813 = tpu.memref_slice %arg3[%dma_start3A_811, %dma_start3A_812] : memref<100000x1024xf32, #tpu.memory_space<hbm>> -> memref<100000x1024xf32, #tpu.memory_space<hbm>>
    tpu.enqueue_indirect_dma source(%dma_start3A_813 : memref<100000x1024xf32, #tpu.memory_space<hbm>>) target(%arg8 : memref<16x1024xf32, #tpu.memory_space<vmem>>) offsets(%dma_start3A_810 : memref<16xi32, #tpu.memory_space<vmem>>) semaphore(%arg15 : memref<!tpu.dma_semaphore, #tpu.memory_space<semaphore_mem>>)
    %dma_wait3A_814 = arith.constant 192 : i32
    %dma_wait3A_815 = tpu.memref_slice %arg5[%dma_wait3A_814] : memref<512xi32, #tpu.memory_space<vmem>> -> memref<16xi32, #tpu.memory_space<vmem>>
    %dma_wait3A_816 = arith.constant 0 : i32
    %dma_wait3A_817 = arith.constant 0 : i32
    %dma_wait3A_818 = tpu.memref_slice %arg3[%dma_wait3A_816, %dma_wait3A_817] : memref<100000x1024xf32, #tpu.memory_space<hbm>> -> memref<100000x1024xf32, #tpu.memory_space<hbm>>
    tpu.wait_indirect_dma semaphore(%arg18 : memref<!tpu.dma_semaphore, #tpu.memory_space<semaphore_mem>>) src(%dma_wait3A_818 : memref<100000x1024xf32, #tpu.memory_space<hbm>>) dst(%arg11 : memref<16x1024xf32, #tpu.memory_space<vmem>>)
    %add3A_819 = arith.constant 192 : i32
    %add3A_820 = arith.addi %mul3A_2, %add3A_819 : i32
    %jit3A_821 = arith.constant 4096 : i32
    %div3A_822 = arith.divsi %add3A_820, %jit3A_821 : i32
    %sign3A_823 = arith.constant 0 : i32
    %sign3A_824 = arith.cmpi sgt, %add3A_820, %sign3A_823 : i32
    %sign3A_825 = arith.extui %sign3A_824 : i1 to i32
    %sign3A_826 = arith.constant 0 : i32
    %sign3A_827 = arith.cmpi slt, %add3A_820, %sign3A_826 : i32
    %sign3A_828 = arith.extui %sign3A_827 : i1 to i32
    %sign3A_829 = arith.subi %sign3A_825, %sign3A_828 : i32
    %sign3A_830 = arith.constant 0 : i32
    %sign3A_831 = arith.cmpi sgt, %jit3A_821, %sign3A_830 : i32
    %sign3A_832 = arith.extui %sign3A_831 : i1 to i32
    %sign3A_833 = arith.constant 0 : i32
    %sign3A_834 = arith.cmpi slt, %jit3A_821, %sign3A_833 : i32
    %sign3A_835 = arith.extui %sign3A_834 : i1 to i32
    %sign3A_836 = arith.subi %sign3A_832, %sign3A_835 : i32
    %ne3A_837 = arith.cmpi ne, %sign3A_829, %sign3A_836 : i32
    %rem3A_838 = arith.remsi %add3A_820, %jit3A_821 : i32
    %ne3A_839 = arith.constant 0 : i32
    %ne3A_840 = arith.cmpi ne, %rem3A_838, %ne3A_839 : i32
    %and3A_841 = arith.andi %ne3A_837, %ne3A_840 : i1
    %sub3A_842 = arith.constant 1 : i32
    %sub3A_843 = arith.subi %div3A_822, %sub3A_842 : i32
    %select_n3A_844 = arith.select %and3A_841, %sub3A_843, %div3A_822 : i32
    %jit3A_845 = arith.constant 4096 : i32
    %eq3A_846 = arith.constant 0 : i32
    %eq3A_847 = arith.cmpi eq, %jit3A_845, %eq3A_846 : i32
    %jit3A_848 = arith.constant 1 : i32
    %select_n3A_849 = arith.select %eq3A_847, %jit3A_848, %jit3A_845 : i32
    %rem3A_850 = arith.remsi %add3A_820, %select_n3A_849 : i32
    %ne3A_851 = arith.constant 0 : i32
    %ne3A_852 = arith.cmpi ne, %rem3A_850, %ne3A_851 : i32
    %lt3A_853 = arith.constant 0 : i32
    %lt3A_854 = arith.cmpi slt, %rem3A_850, %lt3A_853 : i32
    %lt3A_855 = arith.constant 0 : i32
    %lt3A_856 = arith.cmpi slt, %select_n3A_849, %lt3A_855 : i32
    %ne3A_857 = arith.xori %lt3A_854, %lt3A_856 : i1
    %and3A_858 = arith.andi %ne3A_857, %ne3A_852 : i1
    %add3A_859 = arith.addi %rem3A_850, %select_n3A_849 : i32
    %select_n3A_860 = arith.select %and3A_858, %add3A_859, %rem3A_850 : i32
    %dma_start3A_861 = arith.constant 0 : i32
    %dma_start3A_862 = tpu.memref_slice %arg4[%select_n3A_844, %select_n3A_860, %dma_start3A_861] : memref<4x4096x1024xf32, #tpu.memory_space<hbm>> -> memref<1x16x1024xf32, #tpu.memory_space<hbm>>
    %dma_start3A_863 = tpu.memref_squeeze %dma_start3A_862 : memref<1x16x1024xf32, #tpu.memory_space<hbm>> -> memref<16x1024xf32, #tpu.memory_space<hbm>>
    %dma_start3A_864 = arith.constant 0 : i32
    %dma_start3A_865 = tpu.memref_slice %arg4[%select_n3A_844, %select_n3A_860, %dma_start3A_864] : memref<4x4096x1024xf32, #tpu.memory_space<hbm>> -> memref<1x16x1024xf32, #tpu.memory_space<hbm>>
    %dma_start3A_866 = tpu.memref_squeeze %dma_start3A_865 : memref<1x16x1024xf32, #tpu.memory_space<hbm>> -> memref<16x1024xf32, #tpu.memory_space<hbm>>
    tpu.enqueue_dma source(%arg11 : memref<16x1024xf32, #tpu.memory_space<vmem>>) target(%dma_start3A_866 : memref<16x1024xf32, #tpu.memory_space<hbm>>) target_semaphore(%arg25 : memref<!tpu.dma_semaphore, #tpu.memory_space<semaphore_mem>>)
    %dma_wait3A_867 = arith.constant 0 : i32
    %dma_wait3A_868 = tpu.memref_slice %arg4[%select_n3A_716, %select_n3A_732, %dma_wait3A_867] : memref<4x4096x1024xf32, #tpu.memory_space<hbm>> -> memref<1x16x1024xf32, #tpu.memory_space<hbm>>
    %dma_wait3A_869 = tpu.memref_squeeze %dma_wait3A_868 : memref<1x16x1024xf32, #tpu.memory_space<hbm>> -> memref<16x1024xf32, #tpu.memory_space<hbm>>
    %dma_wait3A_870 = arith.constant 0 : i32
    %dma_wait3A_871 = tpu.memref_slice %arg4[%select_n3A_716, %select_n3A_732, %dma_wait3A_870] : memref<4x4096x1024xf32, #tpu.memory_space<hbm>> -> memref<1x16x1024xf32, #tpu.memory_space<hbm>>
    %dma_wait3A_872 = tpu.memref_squeeze %dma_wait3A_871 : memref<1x16x1024xf32, #tpu.memory_space<hbm>> -> memref<16x1024xf32, #tpu.memory_space<hbm>>
    tpu.wait_dma2 semaphore(%arg23 : memref<!tpu.dma_semaphore, #tpu.memory_space<semaphore_mem>>) src(%arg9 : memref<16x1024xf32, #tpu.memory_space<vmem>>) dst(%dma_wait3A_872 : memref<16x1024xf32, #tpu.memory_space<hbm>>)
    %dma_start3A_873 = arith.constant 272 : i32
    %dma_start3A_874 = tpu.memref_slice %arg5[%dma_start3A_873] : memref<512xi32, #tpu.memory_space<vmem>> -> memref<16xi32, #tpu.memory_space<vmem>>
    %dma_start3A_875 = arith.constant 0 : i32
    %dma_start3A_876 = arith.constant 0 : i32
    %dma_start3A_877 = tpu.memref_slice %arg3[%dma_start3A_875, %dma_start3A_876] : memref<100000x1024xf32, #tpu.memory_space<hbm>> -> memref<100000x1024xf32, #tpu.memory_space<hbm>>
    tpu.enqueue_indirect_dma source(%dma_start3A_877 : memref<100000x1024xf32, #tpu.memory_space<hbm>>) target(%arg9 : memref<16x1024xf32, #tpu.memory_space<vmem>>) offsets(%dma_start3A_874 : memref<16xi32, #tpu.memory_space<vmem>>) semaphore(%arg16 : memref<!tpu.dma_semaphore, #tpu.memory_space<semaphore_mem>>)
    %dma_wait3A_878 = arith.constant 208 : i32
    %dma_wait3A_879 = tpu.memref_slice %arg5[%dma_wait3A_878] : memref<512xi32, #tpu.memory_space<vmem>> -> memref<16xi32, #tpu.memory_space<vmem>>
    %dma_wait3A_880 = arith.constant 0 : i32
    %dma_wait3A_881 = arith.constant 0 : i32
    %dma_wait3A_882 = tpu.memref_slice %arg3[%dma_wait3A_880, %dma_wait3A_881] : memref<100000x1024xf32, #tpu.memory_space<hbm>> -> memref<100000x1024xf32, #tpu.memory_space<hbm>>
    tpu.wait_indirect_dma semaphore(%arg19 : memref<!tpu.dma_semaphore, #tpu.memory_space<semaphore_mem>>) src(%dma_wait3A_882 : memref<100000x1024xf32, #tpu.memory_space<hbm>>) dst(%arg12 : memref<16x1024xf32, #tpu.memory_space<vmem>>)
    %add3A_883 = arith.constant 208 : i32
    %add3A_884 = arith.addi %mul3A_2, %add3A_883 : i32
    %jit3A_885 = arith.constant 4096 : i32
    %div3A_886 = arith.divsi %add3A_884, %jit3A_885 : i32
    %sign3A_887 = arith.constant 0 : i32
    %sign3A_888 = arith.cmpi sgt, %add3A_884, %sign3A_887 : i32
    %sign3A_889 = arith.extui %sign3A_888 : i1 to i32
    %sign3A_890 = arith.constant 0 : i32
    %sign3A_891 = arith.cmpi slt, %add3A_884, %sign3A_890 : i32
    %sign3A_892 = arith.extui %sign3A_891 : i1 to i32
    %sign3A_893 = arith.subi %sign3A_889, %sign3A_892 : i32
    %sign3A_894 = arith.constant 0 : i32
    %sign3A_895 = arith.cmpi sgt, %jit3A_885, %sign3A_894 : i32
    %sign3A_896 = arith.extui %sign3A_895 : i1 to i32
    %sign3A_897 = arith.constant 0 : i32
    %sign3A_898 = arith.cmpi slt, %jit3A_885, %sign3A_897 : i32
    %sign3A_899 = arith.extui %sign3A_898 : i1 to i32
    %sign3A_900 = arith.subi %sign3A_896, %sign3A_899 : i32
    %ne3A_901 = arith.cmpi ne, %sign3A_893, %sign3A_900 : i32
    %rem3A_902 = arith.remsi %add3A_884, %jit3A_885 : i32
    %ne3A_903 = arith.constant 0 : i32
    %ne3A_904 = arith.cmpi ne, %rem3A_902, %ne3A_903 : i32
    %and3A_905 = arith.andi %ne3A_901, %ne3A_904 : i1
    %sub3A_906 = arith.constant 1 : i32
    %sub3A_907 = arith.subi %div3A_886, %sub3A_906 : i32
    %select_n3A_908 = arith.select %and3A_905, %sub3A_907, %div3A_886 : i32
    %jit3A_909 = arith.constant 4096 : i32
    %eq3A_910 = arith.constant 0 : i32
    %eq3A_911 = arith.cmpi eq, %jit3A_909, %eq3A_910 : i32
    %jit3A_912 = arith.constant 1 : i32
    %select_n3A_913 = arith.select %eq3A_911, %jit3A_912, %jit3A_909 : i32
    %rem3A_914 = arith.remsi %add3A_884, %select_n3A_913 : i32
    %ne3A_915 = arith.constant 0 : i32
    %ne3A_916 = arith.cmpi ne, %rem3A_914, %ne3A_915 : i32
    %lt3A_917 = arith.constant 0 : i32
    %lt3A_918 = arith.cmpi slt, %rem3A_914, %lt3A_917 : i32
    %lt3A_919 = arith.constant 0 : i32
    %lt3A_920 = arith.cmpi slt, %select_n3A_913, %lt3A_919 : i32
    %ne3A_921 = arith.xori %lt3A_918, %lt3A_920 : i1
    %and3A_922 = arith.andi %ne3A_921, %ne3A_916 : i1
    %add3A_923 = arith.addi %rem3A_914, %select_n3A_913 : i32
    %select_n3A_924 = arith.select %and3A_922, %add3A_923, %rem3A_914 : i32
    %dma_start3A_925 = arith.constant 0 : i32
    %dma_start3A_926 = tpu.memref_slice %arg4[%select_n3A_908, %select_n3A_924, %dma_start3A_925] : memref<4x4096x1024xf32, #tpu.memory_space<hbm>> -> memref<1x16x1024xf32, #tpu.memory_space<hbm>>
    %dma_start3A_927 = tpu.memref_squeeze %dma_start3A_926 : memref<1x16x1024xf32, #tpu.memory_space<hbm>> -> memref<16x1024xf32, #tpu.memory_space<hbm>>
    %dma_start3A_928 = arith.constant 0 : i32
    %dma_start3A_929 = tpu.memref_slice %arg4[%select_n3A_908, %select_n3A_924, %dma_start3A_928] : memref<4x4096x1024xf32, #tpu.memory_space<hbm>> -> memref<1x16x1024xf32, #tpu.memory_space<hbm>>
    %dma_start3A_930 = tpu.memref_squeeze %dma_start3A_929 : memref<1x16x1024xf32, #tpu.memory_space<hbm>> -> memref<16x1024xf32, #tpu.memory_space<hbm>>
    tpu.enqueue_dma source(%arg12 : memref<16x1024xf32, #tpu.memory_space<vmem>>) target(%dma_start3A_930 : memref<16x1024xf32, #tpu.memory_space<hbm>>) target_semaphore(%arg26 : memref<!tpu.dma_semaphore, #tpu.memory_space<semaphore_mem>>)
    %dma_wait3A_931 = arith.constant 0 : i32
    %dma_wait3A_932 = tpu.memref_slice %arg4[%select_n3A_780, %select_n3A_796, %dma_wait3A_931] : memref<4x4096x1024xf32, #tpu.memory_space<hbm>> -> memref<1x16x1024xf32, #tpu.memory_space<hbm>>
    %dma_wait3A_933 = tpu.memref_squeeze %dma_wait3A_932 : memref<1x16x1024xf32, #tpu.memory_space<hbm>> -> memref<16x1024xf32, #tpu.memory_space<hbm>>
    %dma_wait3A_934 = arith.constant 0 : i32
    %dma_wait3A_935 = tpu.memref_slice %arg4[%select_n3A_780, %select_n3A_796, %dma_wait3A_934] : memref<4x4096x1024xf32, #tpu.memory_space<hbm>> -> memref<1x16x1024xf32, #tpu.memory_space<hbm>>
    %dma_wait3A_936 = tpu.memref_squeeze %dma_wait3A_935 : memref<1x16x1024xf32, #tpu.memory_space<hbm>> -> memref<16x1024xf32, #tpu.memory_space<hbm>>
    tpu.wait_dma2 semaphore(%arg24 : memref<!tpu.dma_semaphore, #tpu.memory_space<semaphore_mem>>) src(%arg10 : memref<16x1024xf32, #tpu.memory_space<vmem>>) dst(%dma_wait3A_936 : memref<16x1024xf32, #tpu.memory_space<hbm>>)
    %dma_start3A_937 = arith.constant 288 : i32
    %dma_start3A_938 = tpu.memref_slice %arg5[%dma_start3A_937] : memref<512xi32, #tpu.memory_space<vmem>> -> memref<16xi32, #tpu.memory_space<vmem>>
    %dma_start3A_939 = arith.constant 0 : i32
    %dma_start3A_940 = arith.constant 0 : i32
    %dma_start3A_941 = tpu.memref_slice %arg3[%dma_start3A_939, %dma_start3A_940] : memref<100000x1024xf32, #tpu.memory_space<hbm>> -> memref<100000x1024xf32, #tpu.memory_space<hbm>>
    tpu.enqueue_indirect_dma source(%dma_start3A_941 : memref<100000x1024xf32, #tpu.memory_space<hbm>>) target(%arg10 : memref<16x1024xf32, #tpu.memory_space<vmem>>) offsets(%dma_start3A_938 : memref<16xi32, #tpu.memory_space<vmem>>) semaphore(%arg17 : memref<!tpu.dma_semaphore, #tpu.memory_space<semaphore_mem>>)
    %dma_wait3A_942 = arith.constant 224 : i32
    %dma_wait3A_943 = tpu.memref_slice %arg5[%dma_wait3A_942] : memref<512xi32, #tpu.memory_space<vmem>> -> memref<16xi32, #tpu.memory_space<vmem>>
    %dma_wait3A_944 = arith.constant 0 : i32
    %dma_wait3A_945 = arith.constant 0 : i32
    %dma_wait3A_946 = tpu.memref_slice %arg3[%dma_wait3A_944, %dma_wait3A_945] : memref<100000x1024xf32, #tpu.memory_space<hbm>> -> memref<100000x1024xf32, #tpu.memory_space<hbm>>
    tpu.wait_indirect_dma semaphore(%arg13 : memref<!tpu.dma_semaphore, #tpu.memory_space<semaphore_mem>>) src(%dma_wait3A_946 : memref<100000x1024xf32, #tpu.memory_space<hbm>>) dst(%arg6 : memref<16x1024xf32, #tpu.memory_space<vmem>>)
    %add3A_947 = arith.constant 224 : i32
    %add3A_948 = arith.addi %mul3A_2, %add3A_947 : i32
    %jit3A_949 = arith.constant 4096 : i32
    %div3A_950 = arith.divsi %add3A_948, %jit3A_949 : i32
    %sign3A_951 = arith.constant 0 : i32
    %sign3A_952 = arith.cmpi sgt, %add3A_948, %sign3A_951 : i32
    %sign3A_953 = arith.extui %sign3A_952 : i1 to i32
    %sign3A_954 = arith.constant 0 : i32
    %sign3A_955 = arith.cmpi slt, %add3A_948, %sign3A_954 : i32
    %sign3A_956 = arith.extui %sign3A_955 : i1 to i32
    %sign3A_957 = arith.subi %sign3A_953, %sign3A_956 : i32
    %sign3A_958 = arith.constant 0 : i32
    %sign3A_959 = arith.cmpi sgt, %jit3A_949, %sign3A_958 : i32
    %sign3A_960 = arith.extui %sign3A_959 : i1 to i32
    %sign3A_961 = arith.constant 0 : i32
    %sign3A_962 = arith.cmpi slt, %jit3A_949, %sign3A_961 : i32
    %sign3A_963 = arith.extui %sign3A_962 : i1 to i32
    %sign3A_964 = arith.subi %sign3A_960, %sign3A_963 : i32
    %ne3A_965 = arith.cmpi ne, %sign3A_957, %sign3A_964 : i32
    %rem3A_966 = arith.remsi %add3A_948, %jit3A_949 : i32
    %ne3A_967 = arith.constant 0 : i32
    %ne3A_968 = arith.cmpi ne, %rem3A_966, %ne3A_967 : i32
    %and3A_969 = arith.andi %ne3A_965, %ne3A_968 : i1
    %sub3A_970 = arith.constant 1 : i32
    %sub3A_971 = arith.subi %div3A_950, %sub3A_970 : i32
    %select_n3A_972 = arith.select %and3A_969, %sub3A_971, %div3A_950 : i32
    %jit3A_973 = arith.constant 4096 : i32
    %eq3A_974 = arith.constant 0 : i32
    %eq3A_975 = arith.cmpi eq, %jit3A_973, %eq3A_974 : i32
    %jit3A_976 = arith.constant 1 : i32
    %select_n3A_977 = arith.select %eq3A_975, %jit3A_976, %jit3A_973 : i32
    %rem3A_978 = arith.remsi %add3A_948, %select_n3A_977 : i32
    %ne3A_979 = arith.constant 0 : i32
    %ne3A_980 = arith.cmpi ne, %rem3A_978, %ne3A_979 : i32
    %lt3A_981 = arith.constant 0 : i32
    %lt3A_982 = arith.cmpi slt, %rem3A_978, %lt3A_981 : i32
    %lt3A_983 = arith.constant 0 : i32
    %lt3A_984 = arith.cmpi slt, %select_n3A_977, %lt3A_983 : i32
    %ne3A_985 = arith.xori %lt3A_982, %lt3A_984 : i1
    %and3A_986 = arith.andi %ne3A_985, %ne3A_980 : i1
    %add3A_987 = arith.addi %rem3A_978, %select_n3A_977 : i32
    %select_n3A_988 = arith.select %and3A_986, %add3A_987, %rem3A_978 : i32
    %dma_start3A_989 = arith.constant 0 : i32
    %dma_start3A_990 = tpu.memref_slice %arg4[%select_n3A_972, %select_n3A_988, %dma_start3A_989] : memref<4x4096x1024xf32, #tpu.memory_space<hbm>> -> memref<1x16x1024xf32, #tpu.memory_space<hbm>>
    %dma_start3A_991 = tpu.memref_squeeze %dma_start3A_990 : memref<1x16x1024xf32, #tpu.memory_space<hbm>> -> memref<16x1024xf32, #tpu.memory_space<hbm>>
    %dma_start3A_992 = arith.constant 0 : i32
    %dma_start3A_993 = tpu.memref_slice %arg4[%select_n3A_972, %select_n3A_988, %dma_start3A_992] : memref<4x4096x1024xf32, #tpu.memory_space<hbm>> -> memref<1x16x1024xf32, #tpu.memory_space<hbm>>
    %dma_start3A_994 = tpu.memref_squeeze %dma_start3A_993 : memref<1x16x1024xf32, #tpu.memory_space<hbm>> -> memref<16x1024xf32, #tpu.memory_space<hbm>>
    tpu.enqueue_dma source(%arg6 : memref<16x1024xf32, #tpu.memory_space<vmem>>) target(%dma_start3A_994 : memref<16x1024xf32, #tpu.memory_space<hbm>>) target_semaphore(%arg20 : memref<!tpu.dma_semaphore, #tpu.memory_space<semaphore_mem>>)
    %dma_wait3A_995 = arith.constant 0 : i32
    %dma_wait3A_996 = tpu.memref_slice %arg4[%select_n3A_844, %select_n3A_860, %dma_wait3A_995] : memref<4x4096x1024xf32, #tpu.memory_space<hbm>> -> memref<1x16x1024xf32, #tpu.memory_space<hbm>>
    %dma_wait3A_997 = tpu.memref_squeeze %dma_wait3A_996 : memref<1x16x1024xf32, #tpu.memory_space<hbm>> -> memref<16x1024xf32, #tpu.memory_space<hbm>>
    %dma_wait3A_998 = arith.constant 0 : i32
    %dma_wait3A_999 = tpu.memref_slice %arg4[%select_n3A_844, %select_n3A_860, %dma_wait3A_998] : memref<4x4096x1024xf32, #tpu.memory_space<hbm>> -> memref<1x16x1024xf32, #tpu.memory_space<hbm>>
    %dma_wait3A_1000 = tpu.memref_squeeze %dma_wait3A_999 : memref<1x16x1024xf32, #tpu.memory_space<hbm>> -> memref<16x1024xf32, #tpu.memory_space<hbm>>
    tpu.wait_dma2 semaphore(%arg25 : memref<!tpu.dma_semaphore, #tpu.memory_space<semaphore_mem>>) src(%arg11 : memref<16x1024xf32, #tpu.memory_space<vmem>>) dst(%dma_wait3A_1000 : memref<16x1024xf32, #tpu.memory_space<hbm>>)
    %dma_start3A_1001 = arith.constant 304 : i32
    %dma_start3A_1002 = tpu.memref_slice %arg5[%dma_start3A_1001] : memref<512xi32, #tpu.memory_space<vmem>> -> memref<16xi32, #tpu.memory_space<vmem>>
    %dma_start3A_1003 = arith.constant 0 : i32
    %dma_start3A_1004 = arith.constant 0 : i32
    %dma_start3A_1005 = tpu.memref_slice %arg3[%dma_start3A_1003, %dma_start3A_1004] : memref<100000x1024xf32, #tpu.memory_space<hbm>> -> memref<100000x1024xf32, #tpu.memory_space<hbm>>
    tpu.enqueue_indirect_dma source(%dma_start3A_1005 : memref<100000x1024xf32, #tpu.memory_space<hbm>>) target(%arg11 : memref<16x1024xf32, #tpu.memory_space<vmem>>) offsets(%dma_start3A_1002 : memref<16xi32, #tpu.memory_space<vmem>>) semaphore(%arg18 : memref<!tpu.dma_semaphore, #tpu.memory_space<semaphore_mem>>)
    %dma_wait3A_1006 = arith.constant 240 : i32
    %dma_wait3A_1007 = tpu.memref_slice %arg5[%dma_wait3A_1006] : memref<512xi32, #tpu.memory_space<vmem>> -> memref<16xi32, #tpu.memory_space<vmem>>
    %dma_wait3A_1008 = arith.constant 0 : i32
    %dma_wait3A_1009 = arith.constant 0 : i32
    %dma_wait3A_1010 = tpu.memref_slice %arg3[%dma_wait3A_1008, %dma_wait3A_1009] : memref<100000x1024xf32, #tpu.memory_space<hbm>> -> memref<100000x1024xf32, #tpu.memory_space<hbm>>
    tpu.wait_indirect_dma semaphore(%arg14 : memref<!tpu.dma_semaphore, #tpu.memory_space<semaphore_mem>>) src(%dma_wait3A_1010 : memref<100000x1024xf32, #tpu.memory_space<hbm>>) dst(%arg7 : memref<16x1024xf32, #tpu.memory_space<vmem>>)
    %add3A_1011 = arith.constant 240 : i32
    %add3A_1012 = arith.addi %mul3A_2, %add3A_1011 : i32
    %jit3A_1013 = arith.constant 4096 : i32
    %div3A_1014 = arith.divsi %add3A_1012, %jit3A_1013 : i32
    %sign3A_1015 = arith.constant 0 : i32
    %sign3A_1016 = arith.cmpi sgt, %add3A_1012, %sign3A_1015 : i32
    %sign3A_1017 = arith.extui %sign3A_1016 : i1 to i32
    %sign3A_1018 = arith.constant 0 : i32
    %sign3A_1019 = arith.cmpi slt, %add3A_1012, %sign3A_1018 : i32
    %sign3A_1020 = arith.extui %sign3A_1019 : i1 to i32
    %sign3A_1021 = arith.subi %sign3A_1017, %sign3A_1020 : i32
    %sign3A_1022 = arith.constant 0 : i32
    %sign3A_1023 = arith.cmpi sgt, %jit3A_1013, %sign3A_1022 : i32
    %sign3A_1024 = arith.extui %sign3A_1023 : i1 to i32
    %sign3A_1025 = arith.constant 0 : i32
    %sign3A_1026 = arith.cmpi slt, %jit3A_1013, %sign3A_1025 : i32
    %sign3A_1027 = arith.extui %sign3A_1026 : i1 to i32
    %sign3A_1028 = arith.subi %sign3A_1024, %sign3A_1027 : i32
    %ne3A_1029 = arith.cmpi ne, %sign3A_1021, %sign3A_1028 : i32
    %rem3A_1030 = arith.remsi %add3A_1012, %jit3A_1013 : i32
    %ne3A_1031 = arith.constant 0 : i32
    %ne3A_1032 = arith.cmpi ne, %rem3A_1030, %ne3A_1031 : i32
    %and3A_1033 = arith.andi %ne3A_1029, %ne3A_1032 : i1
    %sub3A_1034 = arith.constant 1 : i32
    %sub3A_1035 = arith.subi %div3A_1014, %sub3A_1034 : i32
    %select_n3A_1036 = arith.select %and3A_1033, %sub3A_1035, %div3A_1014 : i32
    %jit3A_1037 = arith.constant 4096 : i32
    %eq3A_1038 = arith.constant 0 : i32
    %eq3A_1039 = arith.cmpi eq, %jit3A_1037, %eq3A_1038 : i32
    %jit3A_1040 = arith.constant 1 : i32
    %select_n3A_1041 = arith.select %eq3A_1039, %jit3A_1040, %jit3A_1037 : i32
    %rem3A_1042 = arith.remsi %add3A_1012, %select_n3A_1041 : i32
    %ne3A_1043 = arith.constant 0 : i32
    %ne3A_1044 = arith.cmpi ne, %rem3A_1042, %ne3A_1043 : i32
    %lt3A_1045 = arith.constant 0 : i32
    %lt3A_1046 = arith.cmpi slt, %rem3A_1042, %lt3A_1045 : i32
    %lt3A_1047 = arith.constant 0 : i32
    %lt3A_1048 = arith.cmpi slt, %select_n3A_1041, %lt3A_1047 : i32
    %ne3A_1049 = arith.xori %lt3A_1046, %lt3A_1048 : i1
    %and3A_1050 = arith.andi %ne3A_1049, %ne3A_1044 : i1
    %add3A_1051 = arith.addi %rem3A_1042, %select_n3A_1041 : i32
    %select_n3A_1052 = arith.select %and3A_1050, %add3A_1051, %rem3A_1042 : i32
    %dma_start3A_1053 = arith.constant 0 : i32
    %dma_start3A_1054 = tpu.memref_slice %arg4[%select_n3A_1036, %select_n3A_1052, %dma_start3A_1053] : memref<4x4096x1024xf32, #tpu.memory_space<hbm>> -> memref<1x16x1024xf32, #tpu.memory_space<hbm>>
    %dma_start3A_1055 = tpu.memref_squeeze %dma_start3A_1054 : memref<1x16x1024xf32, #tpu.memory_space<hbm>> -> memref<16x1024xf32, #tpu.memory_space<hbm>>
    %dma_start3A_1056 = arith.constant 0 : i32
    %dma_start3A_1057 = tpu.memref_slice %arg4[%select_n3A_1036, %select_n3A_1052, %dma_start3A_1056] : memref<4x4096x1024xf32, #tpu.memory_space<hbm>> -> memref<1x16x1024xf32, #tpu.memory_space<hbm>>
    %dma_start3A_1058 = tpu.memref_squeeze %dma_start3A_1057 : memref<1x16x1024xf32, #tpu.memory_space<hbm>> -> memref<16x1024xf32, #tpu.memory_space<hbm>>
    tpu.enqueue_dma source(%arg7 : memref<16x1024xf32, #tpu.memory_space<vmem>>) target(%dma_start3A_1058 : memref<16x1024xf32, #tpu.memory_space<hbm>>) target_semaphore(%arg21 : memref<!tpu.dma_semaphore, #tpu.memory_space<semaphore_mem>>)
    %dma_wait3A_1059 = arith.constant 0 : i32
    %dma_wait3A_1060 = tpu.memref_slice %arg4[%select_n3A_908, %select_n3A_924, %dma_wait3A_1059] : memref<4x4096x1024xf32, #tpu.memory_space<hbm>> -> memref<1x16x1024xf32, #tpu.memory_space<hbm>>
    %dma_wait3A_1061 = tpu.memref_squeeze %dma_wait3A_1060 : memref<1x16x1024xf32, #tpu.memory_space<hbm>> -> memref<16x1024xf32, #tpu.memory_space<hbm>>
    %dma_wait3A_1062 = arith.constant 0 : i32
    %dma_wait3A_1063 = tpu.memref_slice %arg4[%select_n3A_908, %select_n3A_924, %dma_wait3A_1062] : memref<4x4096x1024xf32, #tpu.memory_space<hbm>> -> memref<1x16x1024xf32, #tpu.memory_space<hbm>>
    %dma_wait3A_1064 = tpu.memref_squeeze %dma_wait3A_1063 : memref<1x16x1024xf32, #tpu.memory_space<hbm>> -> memref<16x1024xf32, #tpu.memory_space<hbm>>
    tpu.wait_dma2 semaphore(%arg26 : memref<!tpu.dma_semaphore, #tpu.memory_space<semaphore_mem>>) src(%arg12 : memref<16x1024xf32, #tpu.memory_space<vmem>>) dst(%dma_wait3A_1064 : memref<16x1024xf32, #tpu.memory_space<hbm>>)
    %dma_start3A_1065 = arith.constant 320 : i32
    %dma_start3A_1066 = tpu.memref_slice %arg5[%dma_start3A_1065] : memref<512xi32, #tpu.memory_space<vmem>> -> memref<16xi32, #tpu.memory_space<vmem>>
    %dma_start3A_1067 = arith.constant 0 : i32
    %dma_start3A_1068 = arith.constant 0 : i32
    %dma_start3A_1069 = tpu.memref_slice %arg3[%dma_start3A_1067, %dma_start3A_1068] : memref<100000x1024xf32, #tpu.memory_space<hbm>> -> memref<100000x1024xf32, #tpu.memory_space<hbm>>
    tpu.enqueue_indirect_dma source(%dma_start3A_1069 : memref<100000x1024xf32, #tpu.memory_space<hbm>>) target(%arg12 : memref<16x1024xf32, #tpu.memory_space<vmem>>) offsets(%dma_start3A_1066 : memref<16xi32, #tpu.memory_space<vmem>>) semaphore(%arg19 : memref<!tpu.dma_semaphore, #tpu.memory_space<semaphore_mem>>)
    %dma_wait3A_1070 = arith.constant 256 : i32
    %dma_wait3A_1071 = tpu.memref_slice %arg5[%dma_wait3A_1070] : memref<512xi32, #tpu.memory_space<vmem>> -> memref<16xi32, #tpu.memory_space<vmem>>
    %dma_wait3A_1072 = arith.constant 0 : i32
    %dma_wait3A_1073 = arith.constant 0 : i32
    %dma_wait3A_1074 = tpu.memref_slice %arg3[%dma_wait3A_1072, %dma_wait3A_1073] : memref<100000x1024xf32, #tpu.memory_space<hbm>> -> memref<100000x1024xf32, #tpu.memory_space<hbm>>
    tpu.wait_indirect_dma semaphore(%arg15 : memref<!tpu.dma_semaphore, #tpu.memory_space<semaphore_mem>>) src(%dma_wait3A_1074 : memref<100000x1024xf32, #tpu.memory_space<hbm>>) dst(%arg8 : memref<16x1024xf32, #tpu.memory_space<vmem>>)
    %add3A_1075 = arith.constant 256 : i32
    %add3A_1076 = arith.addi %mul3A_2, %add3A_1075 : i32
    %jit3A_1077 = arith.constant 4096 : i32
    %div3A_1078 = arith.divsi %add3A_1076, %jit3A_1077 : i32
    %sign3A_1079 = arith.constant 0 : i32
    %sign3A_1080 = arith.cmpi sgt, %add3A_1076, %sign3A_1079 : i32
    %sign3A_1081 = arith.extui %sign3A_1080 : i1 to i32
    %sign3A_1082 = arith.constant 0 : i32
    %sign3A_1083 = arith.cmpi slt, %add3A_1076, %sign3A_1082 : i32
    %sign3A_1084 = arith.extui %sign3A_1083 : i1 to i32
    %sign3A_1085 = arith.subi %sign3A_1081, %sign3A_1084 : i32
    %sign3A_1086 = arith.constant 0 : i32
    %sign3A_1087 = arith.cmpi sgt, %jit3A_1077, %sign3A_1086 : i32
    %sign3A_1088 = arith.extui %sign3A_1087 : i1 to i32
    %sign3A_1089 = arith.constant 0 : i32
    %sign3A_1090 = arith.cmpi slt, %jit3A_1077, %sign3A_1089 : i32
    %sign3A_1091 = arith.extui %sign3A_1090 : i1 to i32
    %sign3A_1092 = arith.subi %sign3A_1088, %sign3A_1091 : i32
    %ne3A_1093 = arith.cmpi ne, %sign3A_1085, %sign3A_1092 : i32
    %rem3A_1094 = arith.remsi %add3A_1076, %jit3A_1077 : i32
    %ne3A_1095 = arith.constant 0 : i32
    %ne3A_1096 = arith.cmpi ne, %rem3A_1094, %ne3A_1095 : i32
    %and3A_1097 = arith.andi %ne3A_1093, %ne3A_1096 : i1
    %sub3A_1098 = arith.constant 1 : i32
    %sub3A_1099 = arith.subi %div3A_1078, %sub3A_1098 : i32
    %select_n3A_1100 = arith.select %and3A_1097, %sub3A_1099, %div3A_1078 : i32
    %jit3A_1101 = arith.constant 4096 : i32
    %eq3A_1102 = arith.constant 0 : i32
    %eq3A_1103 = arith.cmpi eq, %jit3A_1101, %eq3A_1102 : i32
    %jit3A_1104 = arith.constant 1 : i32
    %select_n3A_1105 = arith.select %eq3A_1103, %jit3A_1104, %jit3A_1101 : i32
    %rem3A_1106 = arith.remsi %add3A_1076, %select_n3A_1105 : i32
    %ne3A_1107 = arith.constant 0 : i32
    %ne3A_1108 = arith.cmpi ne, %rem3A_1106, %ne3A_1107 : i32
    %lt3A_1109 = arith.constant 0 : i32
    %lt3A_1110 = arith.cmpi slt, %rem3A_1106, %lt3A_1109 : i32
    %lt3A_1111 = arith.constant 0 : i32
    %lt3A_1112 = arith.cmpi slt, %select_n3A_1105, %lt3A_1111 : i32
    %ne3A_1113 = arith.xori %lt3A_1110, %lt3A_1112 : i1
    %and3A_1114 = arith.andi %ne3A_1113, %ne3A_1108 : i1
    %add3A_1115 = arith.addi %rem3A_1106, %select_n3A_1105 : i32
    %select_n3A_1116 = arith.select %and3A_1114, %add3A_1115, %rem3A_1106 : i32
    %dma_start3A_1117 = arith.constant 0 : i32
    %dma_start3A_1118 = tpu.memref_slice %arg4[%select_n3A_1100, %select_n3A_1116, %dma_start3A_1117] : memref<4x4096x1024xf32, #tpu.memory_space<hbm>> -> memref<1x16x1024xf32, #tpu.memory_space<hbm>>
    %dma_start3A_1119 = tpu.memref_squeeze %dma_start3A_1118 : memref<1x16x1024xf32, #tpu.memory_space<hbm>> -> memref<16x1024xf32, #tpu.memory_space<hbm>>
    %dma_start3A_1120 = arith.constant 0 : i32
    %dma_start3A_1121 = tpu.memref_slice %arg4[%select_n3A_1100, %select_n3A_1116, %dma_start3A_1120] : memref<4x4096x1024xf32, #tpu.memory_space<hbm>> -> memref<1x16x1024xf32, #tpu.memory_space<hbm>>
    %dma_start3A_1122 = tpu.memref_squeeze %dma_start3A_1121 : memref<1x16x1024xf32, #tpu.memory_space<hbm>> -> memref<16x1024xf32, #tpu.memory_space<hbm>>
    tpu.enqueue_dma source(%arg8 : memref<16x1024xf32, #tpu.memory_space<vmem>>) target(%dma_start3A_1122 : memref<16x1024xf32, #tpu.memory_space<hbm>>) target_semaphore(%arg22 : memref<!tpu.dma_semaphore, #tpu.memory_space<semaphore_mem>>)
    %dma_wait3A_1123 = arith.constant 0 : i32
    %dma_wait3A_1124 = tpu.memref_slice %arg4[%select_n3A_972, %select_n3A_988, %dma_wait3A_1123] : memref<4x4096x1024xf32, #tpu.memory_space<hbm>> -> memref<1x16x1024xf32, #tpu.memory_space<hbm>>
    %dma_wait3A_1125 = tpu.memref_squeeze %dma_wait3A_1124 : memref<1x16x1024xf32, #tpu.memory_space<hbm>> -> memref<16x1024xf32, #tpu.memory_space<hbm>>
    %dma_wait3A_1126 = arith.constant 0 : i32
    %dma_wait3A_1127 = tpu.memref_slice %arg4[%select_n3A_972, %select_n3A_988, %dma_wait3A_1126] : memref<4x4096x1024xf32, #tpu.memory_space<hbm>> -> memref<1x16x1024xf32, #tpu.memory_space<hbm>>
    %dma_wait3A_1128 = tpu.memref_squeeze %dma_wait3A_1127 : memref<1x16x1024xf32, #tpu.memory_space<hbm>> -> memref<16x1024xf32, #tpu.memory_space<hbm>>
    tpu.wait_dma2 semaphore(%arg20 : memref<!tpu.dma_semaphore, #tpu.memory_space<semaphore_mem>>) src(%arg6 : memref<16x1024xf32, #tpu.memory_space<vmem>>) dst(%dma_wait3A_1128 : memref<16x1024xf32, #tpu.memory_space<hbm>>)
    %dma_start3A_1129 = arith.constant 336 : i32
    %dma_start3A_1130 = tpu.memref_slice %arg5[%dma_start3A_1129] : memref<512xi32, #tpu.memory_space<vmem>> -> memref<16xi32, #tpu.memory_space<vmem>>
    %dma_start3A_1131 = arith.constant 0 : i32
    %dma_start3A_1132 = arith.constant 0 : i32
    %dma_start3A_1133 = tpu.memref_slice %arg3[%dma_start3A_1131, %dma_start3A_1132] : memref<100000x1024xf32, #tpu.memory_space<hbm>> -> memref<100000x1024xf32, #tpu.memory_space<hbm>>
    tpu.enqueue_indirect_dma source(%dma_start3A_1133 : memref<100000x1024xf32, #tpu.memory_space<hbm>>) target(%arg6 : memref<16x1024xf32, #tpu.memory_space<vmem>>) offsets(%dma_start3A_1130 : memref<16xi32, #tpu.memory_space<vmem>>) semaphore(%arg13 : memref<!tpu.dma_semaphore, #tpu.memory_space<semaphore_mem>>)
    %dma_wait3A_1134 = arith.constant 272 : i32
    %dma_wait3A_1135 = tpu.memref_slice %arg5[%dma_wait3A_1134] : memref<512xi32, #tpu.memory_space<vmem>> -> memref<16xi32, #tpu.memory_space<vmem>>
    %dma_wait3A_1136 = arith.constant 0 : i32
    %dma_wait3A_1137 = arith.constant 0 : i32
    %dma_wait3A_1138 = tpu.memref_slice %arg3[%dma_wait3A_1136, %dma_wait3A_1137] : memref<100000x1024xf32, #tpu.memory_space<hbm>> -> memref<100000x1024xf32, #tpu.memory_space<hbm>>
    tpu.wait_indirect_dma semaphore(%arg16 : memref<!tpu.dma_semaphore, #tpu.memory_space<semaphore_mem>>) src(%dma_wait3A_1138 : memref<100000x1024xf32, #tpu.memory_space<hbm>>) dst(%arg9 : memref<16x1024xf32, #tpu.memory_space<vmem>>)
    %add3A_1139 = arith.constant 272 : i32
    %add3A_1140 = arith.addi %mul3A_2, %add3A_1139 : i32
    %jit3A_1141 = arith.constant 4096 : i32
    %div3A_1142 = arith.divsi %add3A_1140, %jit3A_1141 : i32
    %sign3A_1143 = arith.constant 0 : i32
    %sign3A_1144 = arith.cmpi sgt, %add3A_1140, %sign3A_1143 : i32
    %sign3A_1145 = arith.extui %sign3A_1144 : i1 to i32
    %sign3A_1146 = arith.constant 0 : i32
    %sign3A_1147 = arith.cmpi slt, %add3A_1140, %sign3A_1146 : i32
    %sign3A_1148 = arith.extui %sign3A_1147 : i1 to i32
    %sign3A_1149 = arith.subi %sign3A_1145, %sign3A_1148 : i32
    %sign3A_1150 = arith.constant 0 : i32
    %sign3A_1151 = arith.cmpi sgt, %jit3A_1141, %sign3A_1150 : i32
    %sign3A_1152 = arith.extui %sign3A_1151 : i1 to i32
    %sign3A_1153 = arith.constant 0 : i32
    %sign3A_1154 = arith.cmpi slt, %jit3A_1141, %sign3A_1153 : i32
    %sign3A_1155 = arith.extui %sign3A_1154 : i1 to i32
    %sign3A_1156 = arith.subi %sign3A_1152, %sign3A_1155 : i32
    %ne3A_1157 = arith.cmpi ne, %sign3A_1149, %sign3A_1156 : i32
    %rem3A_1158 = arith.remsi %add3A_1140, %jit3A_1141 : i32
    %ne3A_1159 = arith.constant 0 : i32
    %ne3A_1160 = arith.cmpi ne, %rem3A_1158, %ne3A_1159 : i32
    %and3A_1161 = arith.andi %ne3A_1157, %ne3A_1160 : i1
    %sub3A_1162 = arith.constant 1 : i32
    %sub3A_1163 = arith.subi %div3A_1142, %sub3A_1162 : i32
    %select_n3A_1164 = arith.select %and3A_1161, %sub3A_1163, %div3A_1142 : i32
    %jit3A_1165 = arith.constant 4096 : i32
    %eq3A_1166 = arith.constant 0 : i32
    %eq3A_1167 = arith.cmpi eq, %jit3A_1165, %eq3A_1166 : i32
    %jit3A_1168 = arith.constant 1 : i32
    %select_n3A_1169 = arith.select %eq3A_1167, %jit3A_1168, %jit3A_1165 : i32
    %rem3A_1170 = arith.remsi %add3A_1140, %select_n3A_1169 : i32
    %ne3A_1171 = arith.constant 0 : i32
    %ne3A_1172 = arith.cmpi ne, %rem3A_1170, %ne3A_1171 : i32
    %lt3A_1173 = arith.constant 0 : i32
    %lt3A_1174 = arith.cmpi slt, %rem3A_1170, %lt3A_1173 : i32
    %lt3A_1175 = arith.constant 0 : i32
    %lt3A_1176 = arith.cmpi slt, %select_n3A_1169, %lt3A_1175 : i32
    %ne3A_1177 = arith.xori %lt3A_1174, %lt3A_1176 : i1
    %and3A_1178 = arith.andi %ne3A_1177, %ne3A_1172 : i1
    %add3A_1179 = arith.addi %rem3A_1170, %select_n3A_1169 : i32
    %select_n3A_1180 = arith.select %and3A_1178, %add3A_1179, %rem3A_1170 : i32
    %dma_start3A_1181 = arith.constant 0 : i32
    %dma_start3A_1182 = tpu.memref_slice %arg4[%select_n3A_1164, %select_n3A_1180, %dma_start3A_1181] : memref<4x4096x1024xf32, #tpu.memory_space<hbm>> -> memref<1x16x1024xf32, #tpu.memory_space<hbm>>
    %dma_start3A_1183 = tpu.memref_squeeze %dma_start3A_1182 : memref<1x16x1024xf32, #tpu.memory_space<hbm>> -> memref<16x1024xf32, #tpu.memory_space<hbm>>
    %dma_start3A_1184 = arith.constant 0 : i32
    %dma_start3A_1185 = tpu.memref_slice %arg4[%select_n3A_1164, %select_n3A_1180, %dma_start3A_1184] : memref<4x4096x1024xf32, #tpu.memory_space<hbm>> -> memref<1x16x1024xf32, #tpu.memory_space<hbm>>
    %dma_start3A_1186 = tpu.memref_squeeze %dma_start3A_1185 : memref<1x16x1024xf32, #tpu.memory_space<hbm>> -> memref<16x1024xf32, #tpu.memory_space<hbm>>
    tpu.enqueue_dma source(%arg9 : memref<16x1024xf32, #tpu.memory_space<vmem>>) target(%dma_start3A_1186 : memref<16x1024xf32, #tpu.memory_space<hbm>>) target_semaphore(%arg23 : memref<!tpu.dma_semaphore, #tpu.memory_space<semaphore_mem>>)
    %dma_wait3A_1187 = arith.constant 0 : i32
    %dma_wait3A_1188 = tpu.memref_slice %arg4[%select_n3A_1036, %select_n3A_1052, %dma_wait3A_1187] : memref<4x4096x1024xf32, #tpu.memory_space<hbm>> -> memref<1x16x1024xf32, #tpu.memory_space<hbm>>
    %dma_wait3A_1189 = tpu.memref_squeeze %dma_wait3A_1188 : memref<1x16x1024xf32, #tpu.memory_space<hbm>> -> memref<16x1024xf32, #tpu.memory_space<hbm>>
    %dma_wait3A_1190 = arith.constant 0 : i32
    %dma_wait3A_1191 = tpu.memref_slice %arg4[%select_n3A_1036, %select_n3A_1052, %dma_wait3A_1190] : memref<4x4096x1024xf32, #tpu.memory_space<hbm>> -> memref<1x16x1024xf32, #tpu.memory_space<hbm>>
    %dma_wait3A_1192 = tpu.memref_squeeze %dma_wait3A_1191 : memref<1x16x1024xf32, #tpu.memory_space<hbm>> -> memref<16x1024xf32, #tpu.memory_space<hbm>>
    tpu.wait_dma2 semaphore(%arg21 : memref<!tpu.dma_semaphore, #tpu.memory_space<semaphore_mem>>) src(%arg7 : memref<16x1024xf32, #tpu.memory_space<vmem>>) dst(%dma_wait3A_1192 : memref<16x1024xf32, #tpu.memory_space<hbm>>)
    %dma_start3A_1193 = arith.constant 352 : i32
    %dma_start3A_1194 = tpu.memref_slice %arg5[%dma_start3A_1193] : memref<512xi32, #tpu.memory_space<vmem>> -> memref<16xi32, #tpu.memory_space<vmem>>
    %dma_start3A_1195 = arith.constant 0 : i32
    %dma_start3A_1196 = arith.constant 0 : i32
    %dma_start3A_1197 = tpu.memref_slice %arg3[%dma_start3A_1195, %dma_start3A_1196] : memref<100000x1024xf32, #tpu.memory_space<hbm>> -> memref<100000x1024xf32, #tpu.memory_space<hbm>>
    tpu.enqueue_indirect_dma source(%dma_start3A_1197 : memref<100000x1024xf32, #tpu.memory_space<hbm>>) target(%arg7 : memref<16x1024xf32, #tpu.memory_space<vmem>>) offsets(%dma_start3A_1194 : memref<16xi32, #tpu.memory_space<vmem>>) semaphore(%arg14 : memref<!tpu.dma_semaphore, #tpu.memory_space<semaphore_mem>>)
    %dma_wait3A_1198 = arith.constant 288 : i32
    %dma_wait3A_1199 = tpu.memref_slice %arg5[%dma_wait3A_1198] : memref<512xi32, #tpu.memory_space<vmem>> -> memref<16xi32, #tpu.memory_space<vmem>>
    %dma_wait3A_1200 = arith.constant 0 : i32
    %dma_wait3A_1201 = arith.constant 0 : i32
    %dma_wait3A_1202 = tpu.memref_slice %arg3[%dma_wait3A_1200, %dma_wait3A_1201] : memref<100000x1024xf32, #tpu.memory_space<hbm>> -> memref<100000x1024xf32, #tpu.memory_space<hbm>>
    tpu.wait_indirect_dma semaphore(%arg17 : memref<!tpu.dma_semaphore, #tpu.memory_space<semaphore_mem>>) src(%dma_wait3A_1202 : memref<100000x1024xf32, #tpu.memory_space<hbm>>) dst(%arg10 : memref<16x1024xf32, #tpu.memory_space<vmem>>)
    %add3A_1203 = arith.constant 288 : i32
    %add3A_1204 = arith.addi %mul3A_2, %add3A_1203 : i32
    %jit3A_1205 = arith.constant 4096 : i32
    %div3A_1206 = arith.divsi %add3A_1204, %jit3A_1205 : i32
    %sign3A_1207 = arith.constant 0 : i32
    %sign3A_1208 = arith.cmpi sgt, %add3A_1204, %sign3A_1207 : i32
    %sign3A_1209 = arith.extui %sign3A_1208 : i1 to i32
    %sign3A_1210 = arith.constant 0 : i32
    %sign3A_1211 = arith.cmpi slt, %add3A_1204, %sign3A_1210 : i32
    %sign3A_1212 = arith.extui %sign3A_1211 : i1 to i32
    %sign3A_1213 = arith.subi %sign3A_1209, %sign3A_1212 : i32
    %sign3A_1214 = arith.constant 0 : i32
    %sign3A_1215 = arith.cmpi sgt, %jit3A_1205, %sign3A_1214 : i32
    %sign3A_1216 = arith.extui %sign3A_1215 : i1 to i32
    %sign3A_1217 = arith.constant 0 : i32
    %sign3A_1218 = arith.cmpi slt, %jit3A_1205, %sign3A_1217 : i32
    %sign3A_1219 = arith.extui %sign3A_1218 : i1 to i32
    %sign3A_1220 = arith.subi %sign3A_1216, %sign3A_1219 : i32
    %ne3A_1221 = arith.cmpi ne, %sign3A_1213, %sign3A_1220 : i32
    %rem3A_1222 = arith.remsi %add3A_1204, %jit3A_1205 : i32
    %ne3A_1223 = arith.constant 0 : i32
    %ne3A_1224 = arith.cmpi ne, %rem3A_1222, %ne3A_1223 : i32
    %and3A_1225 = arith.andi %ne3A_1221, %ne3A_1224 : i1
    %sub3A_1226 = arith.constant 1 : i32
    %sub3A_1227 = arith.subi %div3A_1206, %sub3A_1226 : i32
    %select_n3A_1228 = arith.select %and3A_1225, %sub3A_1227, %div3A_1206 : i32
    %jit3A_1229 = arith.constant 4096 : i32
    %eq3A_1230 = arith.constant 0 : i32
    %eq3A_1231 = arith.cmpi eq, %jit3A_1229, %eq3A_1230 : i32
    %jit3A_1232 = arith.constant 1 : i32
    %select_n3A_1233 = arith.select %eq3A_1231, %jit3A_1232, %jit3A_1229 : i32
    %rem3A_1234 = arith.remsi %add3A_1204, %select_n3A_1233 : i32
    %ne3A_1235 = arith.constant 0 : i32
    %ne3A_1236 = arith.cmpi ne, %rem3A_1234, %ne3A_1235 : i32
    %lt3A_1237 = arith.constant 0 : i32
    %lt3A_1238 = arith.cmpi slt, %rem3A_1234, %lt3A_1237 : i32
    %lt3A_1239 = arith.constant 0 : i32
    %lt3A_1240 = arith.cmpi slt, %select_n3A_1233, %lt3A_1239 : i32
    %ne3A_1241 = arith.xori %lt3A_1238, %lt3A_1240 : i1
    %and3A_1242 = arith.andi %ne3A_1241, %ne3A_1236 : i1
    %add3A_1243 = arith.addi %rem3A_1234, %select_n3A_1233 : i32
    %select_n3A_1244 = arith.select %and3A_1242, %add3A_1243, %rem3A_1234 : i32
    %dma_start3A_1245 = arith.constant 0 : i32
    %dma_start3A_1246 = tpu.memref_slice %arg4[%select_n3A_1228, %select_n3A_1244, %dma_start3A_1245] : memref<4x4096x1024xf32, #tpu.memory_space<hbm>> -> memref<1x16x1024xf32, #tpu.memory_space<hbm>>
    %dma_start3A_1247 = tpu.memref_squeeze %dma_start3A_1246 : memref<1x16x1024xf32, #tpu.memory_space<hbm>> -> memref<16x1024xf32, #tpu.memory_space<hbm>>
    %dma_start3A_1248 = arith.constant 0 : i32
    %dma_start3A_1249 = tpu.memref_slice %arg4[%select_n3A_1228, %select_n3A_1244, %dma_start3A_1248] : memref<4x4096x1024xf32, #tpu.memory_space<hbm>> -> memref<1x16x1024xf32, #tpu.memory_space<hbm>>
    %dma_start3A_1250 = tpu.memref_squeeze %dma_start3A_1249 : memref<1x16x1024xf32, #tpu.memory_space<hbm>> -> memref<16x1024xf32, #tpu.memory_space<hbm>>
    tpu.enqueue_dma source(%arg10 : memref<16x1024xf32, #tpu.memory_space<vmem>>) target(%dma_start3A_1250 : memref<16x1024xf32, #tpu.memory_space<hbm>>) target_semaphore(%arg24 : memref<!tpu.dma_semaphore, #tpu.memory_space<semaphore_mem>>)
    %dma_wait3A_1251 = arith.constant 0 : i32
    %dma_wait3A_1252 = tpu.memref_slice %arg4[%select_n3A_1100, %select_n3A_1116, %dma_wait3A_1251] : memref<4x4096x1024xf32, #tpu.memory_space<hbm>> -> memref<1x16x1024xf32, #tpu.memory_space<hbm>>
    %dma_wait3A_1253 = tpu.memref_squeeze %dma_wait3A_1252 : memref<1x16x1024xf32, #tpu.memory_space<hbm>> -> memref<16x1024xf32, #tpu.memory_space<hbm>>
    %dma_wait3A_1254 = arith.constant 0 : i32
    %dma_wait3A_1255 = tpu.memref_slice %arg4[%select_n3A_1100, %select_n3A_1116, %dma_wait3A_1254] : memref<4x4096x1024xf32, #tpu.memory_space<hbm>> -> memref<1x16x1024xf32, #tpu.memory_space<hbm>>
    %dma_wait3A_1256 = tpu.memref_squeeze %dma_wait3A_1255 : memref<1x16x1024xf32, #tpu.memory_space<hbm>> -> memref<16x1024xf32, #tpu.memory_space<hbm>>
    tpu.wait_dma2 semaphore(%arg22 : memref<!tpu.dma_semaphore, #tpu.memory_space<semaphore_mem>>) src(%arg8 : memref<16x1024xf32, #tpu.memory_space<vmem>>) dst(%dma_wait3A_1256 : memref<16x1024xf32, #tpu.memory_space<hbm>>)
    %dma_start3A_1257 = arith.constant 368 : i32
    %dma_start3A_1258 = tpu.memref_slice %arg5[%dma_start3A_1257] : memref<512xi32, #tpu.memory_space<vmem>> -> memref<16xi32, #tpu.memory_space<vmem>>
    %dma_start3A_1259 = arith.constant 0 : i32
    %dma_start3A_1260 = arith.constant 0 : i32
    %dma_start3A_1261 = tpu.memref_slice %arg3[%dma_start3A_1259, %dma_start3A_1260] : memref<100000x1024xf32, #tpu.memory_space<hbm>> -> memref<100000x1024xf32, #tpu.memory_space<hbm>>
    tpu.enqueue_indirect_dma source(%dma_start3A_1261 : memref<100000x1024xf32, #tpu.memory_space<hbm>>) target(%arg8 : memref<16x1024xf32, #tpu.memory_space<vmem>>) offsets(%dma_start3A_1258 : memref<16xi32, #tpu.memory_space<vmem>>) semaphore(%arg15 : memref<!tpu.dma_semaphore, #tpu.memory_space<semaphore_mem>>)
    %dma_wait3A_1262 = arith.constant 304 : i32
    %dma_wait3A_1263 = tpu.memref_slice %arg5[%dma_wait3A_1262] : memref<512xi32, #tpu.memory_space<vmem>> -> memref<16xi32, #tpu.memory_space<vmem>>
    %dma_wait3A_1264 = arith.constant 0 : i32
    %dma_wait3A_1265 = arith.constant 0 : i32
    %dma_wait3A_1266 = tpu.memref_slice %arg3[%dma_wait3A_1264, %dma_wait3A_1265] : memref<100000x1024xf32, #tpu.memory_space<hbm>> -> memref<100000x1024xf32, #tpu.memory_space<hbm>>
    tpu.wait_indirect_dma semaphore(%arg18 : memref<!tpu.dma_semaphore, #tpu.memory_space<semaphore_mem>>) src(%dma_wait3A_1266 : memref<100000x1024xf32, #tpu.memory_space<hbm>>) dst(%arg11 : memref<16x1024xf32, #tpu.memory_space<vmem>>)
    %add3A_1267 = arith.constant 304 : i32
    %add3A_1268 = arith.addi %mul3A_2, %add3A_1267 : i32
    %jit3A_1269 = arith.constant 4096 : i32
    %div3A_1270 = arith.divsi %add3A_1268, %jit3A_1269 : i32
    %sign3A_1271 = arith.constant 0 : i32
    %sign3A_1272 = arith.cmpi sgt, %add3A_1268, %sign3A_1271 : i32
    %sign3A_1273 = arith.extui %sign3A_1272 : i1 to i32
    %sign3A_1274 = arith.constant 0 : i32
    %sign3A_1275 = arith.cmpi slt, %add3A_1268, %sign3A_1274 : i32
    %sign3A_1276 = arith.extui %sign3A_1275 : i1 to i32
    %sign3A_1277 = arith.subi %sign3A_1273, %sign3A_1276 : i32
    %sign3A_1278 = arith.constant 0 : i32
    %sign3A_1279 = arith.cmpi sgt, %jit3A_1269, %sign3A_1278 : i32
    %sign3A_1280 = arith.extui %sign3A_1279 : i1 to i32
    %sign3A_1281 = arith.constant 0 : i32
    %sign3A_1282 = arith.cmpi slt, %jit3A_1269, %sign3A_1281 : i32
    %sign3A_1283 = arith.extui %sign3A_1282 : i1 to i32
    %sign3A_1284 = arith.subi %sign3A_1280, %sign3A_1283 : i32
    %ne3A_1285 = arith.cmpi ne, %sign3A_1277, %sign3A_1284 : i32
    %rem3A_1286 = arith.remsi %add3A_1268, %jit3A_1269 : i32
    %ne3A_1287 = arith.constant 0 : i32
    %ne3A_1288 = arith.cmpi ne, %rem3A_1286, %ne3A_1287 : i32
    %and3A_1289 = arith.andi %ne3A_1285, %ne3A_1288 : i1
    %sub3A_1290 = arith.constant 1 : i32
    %sub3A_1291 = arith.subi %div3A_1270, %sub3A_1290 : i32
    %select_n3A_1292 = arith.select %and3A_1289, %sub3A_1291, %div3A_1270 : i32
    %jit3A_1293 = arith.constant 4096 : i32
    %eq3A_1294 = arith.constant 0 : i32
    %eq3A_1295 = arith.cmpi eq, %jit3A_1293, %eq3A_1294 : i32
    %jit3A_1296 = arith.constant 1 : i32
    %select_n3A_1297 = arith.select %eq3A_1295, %jit3A_1296, %jit3A_1293 : i32
    %rem3A_1298 = arith.remsi %add3A_1268, %select_n3A_1297 : i32
    %ne3A_1299 = arith.constant 0 : i32
    %ne3A_1300 = arith.cmpi ne, %rem3A_1298, %ne3A_1299 : i32
    %lt3A_1301 = arith.constant 0 : i32
    %lt3A_1302 = arith.cmpi slt, %rem3A_1298, %lt3A_1301 : i32
    %lt3A_1303 = arith.constant 0 : i32
    %lt3A_1304 = arith.cmpi slt, %select_n3A_1297, %lt3A_1303 : i32
    %ne3A_1305 = arith.xori %lt3A_1302, %lt3A_1304 : i1
    %and3A_1306 = arith.andi %ne3A_1305, %ne3A_1300 : i1
    %add3A_1307 = arith.addi %rem3A_1298, %select_n3A_1297 : i32
    %select_n3A_1308 = arith.select %and3A_1306, %add3A_1307, %rem3A_1298 : i32
    %dma_start3A_1309 = arith.constant 0 : i32
    %dma_start3A_1310 = tpu.memref_slice %arg4[%select_n3A_1292, %select_n3A_1308, %dma_start3A_1309] : memref<4x4096x1024xf32, #tpu.memory_space<hbm>> -> memref<1x16x1024xf32, #tpu.memory_space<hbm>>
    %dma_start3A_1311 = tpu.memref_squeeze %dma_start3A_1310 : memref<1x16x1024xf32, #tpu.memory_space<hbm>> -> memref<16x1024xf32, #tpu.memory_space<hbm>>
    %dma_start3A_1312 = arith.constant 0 : i32
    %dma_start3A_1313 = tpu.memref_slice %arg4[%select_n3A_1292, %select_n3A_1308, %dma_start3A_1312] : memref<4x4096x1024xf32, #tpu.memory_space<hbm>> -> memref<1x16x1024xf32, #tpu.memory_space<hbm>>
    %dma_start3A_1314 = tpu.memref_squeeze %dma_start3A_1313 : memref<1x16x1024xf32, #tpu.memory_space<hbm>> -> memref<16x1024xf32, #tpu.memory_space<hbm>>
    tpu.enqueue_dma source(%arg11 : memref<16x1024xf32, #tpu.memory_space<vmem>>) target(%dma_start3A_1314 : memref<16x1024xf32, #tpu.memory_space<hbm>>) target_semaphore(%arg25 : memref<!tpu.dma_semaphore, #tpu.memory_space<semaphore_mem>>)
    %dma_wait3A_1315 = arith.constant 0 : i32
    %dma_wait3A_1316 = tpu.memref_slice %arg4[%select_n3A_1164, %select_n3A_1180, %dma_wait3A_1315] : memref<4x4096x1024xf32, #tpu.memory_space<hbm>> -> memref<1x16x1024xf32, #tpu.memory_space<hbm>>
    %dma_wait3A_1317 = tpu.memref_squeeze %dma_wait3A_1316 : memref<1x16x1024xf32, #tpu.memory_space<hbm>> -> memref<16x1024xf32, #tpu.memory_space<hbm>>
    %dma_wait3A_1318 = arith.constant 0 : i32
    %dma_wait3A_1319 = tpu.memref_slice %arg4[%select_n3A_1164, %select_n3A_1180, %dma_wait3A_1318] : memref<4x4096x1024xf32, #tpu.memory_space<hbm>> -> memref<1x16x1024xf32, #tpu.memory_space<hbm>>
    %dma_wait3A_1320 = tpu.memref_squeeze %dma_wait3A_1319 : memref<1x16x1024xf32, #tpu.memory_space<hbm>> -> memref<16x1024xf32, #tpu.memory_space<hbm>>
    tpu.wait_dma2 semaphore(%arg23 : memref<!tpu.dma_semaphore, #tpu.memory_space<semaphore_mem>>) src(%arg9 : memref<16x1024xf32, #tpu.memory_space<vmem>>) dst(%dma_wait3A_1320 : memref<16x1024xf32, #tpu.memory_space<hbm>>)
    %dma_start3A_1321 = arith.constant 384 : i32
    %dma_start3A_1322 = tpu.memref_slice %arg5[%dma_start3A_1321] : memref<512xi32, #tpu.memory_space<vmem>> -> memref<16xi32, #tpu.memory_space<vmem>>
    %dma_start3A_1323 = arith.constant 0 : i32
    %dma_start3A_1324 = arith.constant 0 : i32
    %dma_start3A_1325 = tpu.memref_slice %arg3[%dma_start3A_1323, %dma_start3A_1324] : memref<100000x1024xf32, #tpu.memory_space<hbm>> -> memref<100000x1024xf32, #tpu.memory_space<hbm>>
    tpu.enqueue_indirect_dma source(%dma_start3A_1325 : memref<100000x1024xf32, #tpu.memory_space<hbm>>) target(%arg9 : memref<16x1024xf32, #tpu.memory_space<vmem>>) offsets(%dma_start3A_1322 : memref<16xi32, #tpu.memory_space<vmem>>) semaphore(%arg16 : memref<!tpu.dma_semaphore, #tpu.memory_space<semaphore_mem>>)
    %dma_wait3A_1326 = arith.constant 320 : i32
    %dma_wait3A_1327 = tpu.memref_slice %arg5[%dma_wait3A_1326] : memref<512xi32, #tpu.memory_space<vmem>> -> memref<16xi32, #tpu.memory_space<vmem>>
    %dma_wait3A_1328 = arith.constant 0 : i32
    %dma_wait3A_1329 = arith.constant 0 : i32
    %dma_wait3A_1330 = tpu.memref_slice %arg3[%dma_wait3A_1328, %dma_wait3A_1329] : memref<100000x1024xf32, #tpu.memory_space<hbm>> -> memref<100000x1024xf32, #tpu.memory_space<hbm>>
    tpu.wait_indirect_dma semaphore(%arg19 : memref<!tpu.dma_semaphore, #tpu.memory_space<semaphore_mem>>) src(%dma_wait3A_1330 : memref<100000x1024xf32, #tpu.memory_space<hbm>>) dst(%arg12 : memref<16x1024xf32, #tpu.memory_space<vmem>>)
    %add3A_1331 = arith.constant 320 : i32
    %add3A_1332 = arith.addi %mul3A_2, %add3A_1331 : i32
    %jit3A_1333 = arith.constant 4096 : i32
    %div3A_1334 = arith.divsi %add3A_1332, %jit3A_1333 : i32
    %sign3A_1335 = arith.constant 0 : i32
    %sign3A_1336 = arith.cmpi sgt, %add3A_1332, %sign3A_1335 : i32
    %sign3A_1337 = arith.extui %sign3A_1336 : i1 to i32
    %sign3A_1338 = arith.constant 0 : i32
    %sign3A_1339 = arith.cmpi slt, %add3A_1332, %sign3A_1338 : i32
    %sign3A_1340 = arith.extui %sign3A_1339 : i1 to i32
    %sign3A_1341 = arith.subi %sign3A_1337, %sign3A_1340 : i32
    %sign3A_1342 = arith.constant 0 : i32
    %sign3A_1343 = arith.cmpi sgt, %jit3A_1333, %sign3A_1342 : i32
    %sign3A_1344 = arith.extui %sign3A_1343 : i1 to i32
    %sign3A_1345 = arith.constant 0 : i32
    %sign3A_1346 = arith.cmpi slt, %jit3A_1333, %sign3A_1345 : i32
    %sign3A_1347 = arith.extui %sign3A_1346 : i1 to i32
    %sign3A_1348 = arith.subi %sign3A_1344, %sign3A_1347 : i32
    %ne3A_1349 = arith.cmpi ne, %sign3A_1341, %sign3A_1348 : i32
    %rem3A_1350 = arith.remsi %add3A_1332, %jit3A_1333 : i32
    %ne3A_1351 = arith.constant 0 : i32
    %ne3A_1352 = arith.cmpi ne, %rem3A_1350, %ne3A_1351 : i32
    %and3A_1353 = arith.andi %ne3A_1349, %ne3A_1352 : i1
    %sub3A_1354 = arith.constant 1 : i32
    %sub3A_1355 = arith.subi %div3A_1334, %sub3A_1354 : i32
    %select_n3A_1356 = arith.select %and3A_1353, %sub3A_1355, %div3A_1334 : i32
    %jit3A_1357 = arith.constant 4096 : i32
    %eq3A_1358 = arith.constant 0 : i32
    %eq3A_1359 = arith.cmpi eq, %jit3A_1357, %eq3A_1358 : i32
    %jit3A_1360 = arith.constant 1 : i32
    %select_n3A_1361 = arith.select %eq3A_1359, %jit3A_1360, %jit3A_1357 : i32
    %rem3A_1362 = arith.remsi %add3A_1332, %select_n3A_1361 : i32
    %ne3A_1363 = arith.constant 0 : i32
    %ne3A_1364 = arith.cmpi ne, %rem3A_1362, %ne3A_1363 : i32
    %lt3A_1365 = arith.constant 0 : i32
    %lt3A_1366 = arith.cmpi slt, %rem3A_1362, %lt3A_1365 : i32
    %lt3A_1367 = arith.constant 0 : i32
    %lt3A_1368 = arith.cmpi slt, %select_n3A_1361, %lt3A_1367 : i32
    %ne3A_1369 = arith.xori %lt3A_1366, %lt3A_1368 : i1
    %and3A_1370 = arith.andi %ne3A_1369, %ne3A_1364 : i1
    %add3A_1371 = arith.addi %rem3A_1362, %select_n3A_1361 : i32
    %select_n3A_1372 = arith.select %and3A_1370, %add3A_1371, %rem3A_1362 : i32
    %dma_start3A_1373 = arith.constant 0 : i32
    %dma_start3A_1374 = tpu.memref_slice %arg4[%select_n3A_1356, %select_n3A_1372, %dma_start3A_1373] : memref<4x4096x1024xf32, #tpu.memory_space<hbm>> -> memref<1x16x1024xf32, #tpu.memory_space<hbm>>
    %dma_start3A_1375 = tpu.memref_squeeze %dma_start3A_1374 : memref<1x16x1024xf32, #tpu.memory_space<hbm>> -> memref<16x1024xf32, #tpu.memory_space<hbm>>
    %dma_start3A_1376 = arith.constant 0 : i32
    %dma_start3A_1377 = tpu.memref_slice %arg4[%select_n3A_1356, %select_n3A_1372, %dma_start3A_1376] : memref<4x4096x1024xf32, #tpu.memory_space<hbm>> -> memref<1x16x1024xf32, #tpu.memory_space<hbm>>
    %dma_start3A_1378 = tpu.memref_squeeze %dma_start3A_1377 : memref<1x16x1024xf32, #tpu.memory_space<hbm>> -> memref<16x1024xf32, #tpu.memory_space<hbm>>
    tpu.enqueue_dma source(%arg12 : memref<16x1024xf32, #tpu.memory_space<vmem>>) target(%dma_start3A_1378 : memref<16x1024xf32, #tpu.memory_space<hbm>>) target_semaphore(%arg26 : memref<!tpu.dma_semaphore, #tpu.memory_space<semaphore_mem>>)
    %dma_wait3A_1379 = arith.constant 0 : i32
    %dma_wait3A_1380 = tpu.memref_slice %arg4[%select_n3A_1228, %select_n3A_1244, %dma_wait3A_1379] : memref<4x4096x1024xf32, #tpu.memory_space<hbm>> -> memref<1x16x1024xf32, #tpu.memory_space<hbm>>
    %dma_wait3A_1381 = tpu.memref_squeeze %dma_wait3A_1380 : memref<1x16x1024xf32, #tpu.memory_space<hbm>> -> memref<16x1024xf32, #tpu.memory_space<hbm>>
    %dma_wait3A_1382 = arith.constant 0 : i32
    %dma_wait3A_1383 = tpu.memref_slice %arg4[%select_n3A_1228, %select_n3A_1244, %dma_wait3A_1382] : memref<4x4096x1024xf32, #tpu.memory_space<hbm>> -> memref<1x16x1024xf32, #tpu.memory_space<hbm>>
    %dma_wait3A_1384 = tpu.memref_squeeze %dma_wait3A_1383 : memref<1x16x1024xf32, #tpu.memory_space<hbm>> -> memref<16x1024xf32, #tpu.memory_space<hbm>>
    tpu.wait_dma2 semaphore(%arg24 : memref<!tpu.dma_semaphore, #tpu.memory_space<semaphore_mem>>) src(%arg10 : memref<16x1024xf32, #tpu.memory_space<vmem>>) dst(%dma_wait3A_1384 : memref<16x1024xf32, #tpu.memory_space<hbm>>)
    %dma_start3A_1385 = arith.constant 400 : i32
    %dma_start3A_1386 = tpu.memref_slice %arg5[%dma_start3A_1385] : memref<512xi32, #tpu.memory_space<vmem>> -> memref<16xi32, #tpu.memory_space<vmem>>
    %dma_start3A_1387 = arith.constant 0 : i32
    %dma_start3A_1388 = arith.constant 0 : i32
    %dma_start3A_1389 = tpu.memref_slice %arg3[%dma_start3A_1387, %dma_start3A_1388] : memref<100000x1024xf32, #tpu.memory_space<hbm>> -> memref<100000x1024xf32, #tpu.memory_space<hbm>>
    tpu.enqueue_indirect_dma source(%dma_start3A_1389 : memref<100000x1024xf32, #tpu.memory_space<hbm>>) target(%arg10 : memref<16x1024xf32, #tpu.memory_space<vmem>>) offsets(%dma_start3A_1386 : memref<16xi32, #tpu.memory_space<vmem>>) semaphore(%arg17 : memref<!tpu.dma_semaphore, #tpu.memory_space<semaphore_mem>>)
    %dma_wait3A_1390 = arith.constant 336 : i32
    %dma_wait3A_1391 = tpu.memref_slice %arg5[%dma_wait3A_1390] : memref<512xi32, #tpu.memory_space<vmem>> -> memref<16xi32, #tpu.memory_space<vmem>>
    %dma_wait3A_1392 = arith.constant 0 : i32
    %dma_wait3A_1393 = arith.constant 0 : i32
    %dma_wait3A_1394 = tpu.memref_slice %arg3[%dma_wait3A_1392, %dma_wait3A_1393] : memref<100000x1024xf32, #tpu.memory_space<hbm>> -> memref<100000x1024xf32, #tpu.memory_space<hbm>>
    tpu.wait_indirect_dma semaphore(%arg13 : memref<!tpu.dma_semaphore, #tpu.memory_space<semaphore_mem>>) src(%dma_wait3A_1394 : memref<100000x1024xf32, #tpu.memory_space<hbm>>) dst(%arg6 : memref<16x1024xf32, #tpu.memory_space<vmem>>)
    %add3A_1395 = arith.constant 336 : i32
    %add3A_1396 = arith.addi %mul3A_2, %add3A_1395 : i32
    %jit3A_1397 = arith.constant 4096 : i32
    %div3A_1398 = arith.divsi %add3A_1396, %jit3A_1397 : i32
    %sign3A_1399 = arith.constant 0 : i32
    %sign3A_1400 = arith.cmpi sgt, %add3A_1396, %sign3A_1399 : i32
    %sign3A_1401 = arith.extui %sign3A_1400 : i1 to i32
    %sign3A_1402 = arith.constant 0 : i32
    %sign3A_1403 = arith.cmpi slt, %add3A_1396, %sign3A_1402 : i32
    %sign3A_1404 = arith.extui %sign3A_1403 : i1 to i32
    %sign3A_1405 = arith.subi %sign3A_1401, %sign3A_1404 : i32
    %sign3A_1406 = arith.constant 0 : i32
    %sign3A_1407 = arith.cmpi sgt, %jit3A_1397, %sign3A_1406 : i32
    %sign3A_1408 = arith.extui %sign3A_1407 : i1 to i32
    %sign3A_1409 = arith.constant 0 : i32
    %sign3A_1410 = arith.cmpi slt, %jit3A_1397, %sign3A_1409 : i32
    %sign3A_1411 = arith.extui %sign3A_1410 : i1 to i32
    %sign3A_1412 = arith.subi %sign3A_1408, %sign3A_1411 : i32
    %ne3A_1413 = arith.cmpi ne, %sign3A_1405, %sign3A_1412 : i32
    %rem3A_1414 = arith.remsi %add3A_1396, %jit3A_1397 : i32
    %ne3A_1415 = arith.constant 0 : i32
    %ne3A_1416 = arith.cmpi ne, %rem3A_1414, %ne3A_1415 : i32
    %and3A_1417 = arith.andi %ne3A_1413, %ne3A_1416 : i1
    %sub3A_1418 = arith.constant 1 : i32
    %sub3A_1419 = arith.subi %div3A_1398, %sub3A_1418 : i32
    %select_n3A_1420 = arith.select %and3A_1417, %sub3A_1419, %div3A_1398 : i32
    %jit3A_1421 = arith.constant 4096 : i32
    %eq3A_1422 = arith.constant 0 : i32
    %eq3A_1423 = arith.cmpi eq, %jit3A_1421, %eq3A_1422 : i32
    %jit3A_1424 = arith.constant 1 : i32
    %select_n3A_1425 = arith.select %eq3A_1423, %jit3A_1424, %jit3A_1421 : i32
    %rem3A_1426 = arith.remsi %add3A_1396, %select_n3A_1425 : i32
    %ne3A_1427 = arith.constant 0 : i32
    %ne3A_1428 = arith.cmpi ne, %rem3A_1426, %ne3A_1427 : i32
    %lt3A_1429 = arith.constant 0 : i32
    %lt3A_1430 = arith.cmpi slt, %rem3A_1426, %lt3A_1429 : i32
    %lt3A_1431 = arith.constant 0 : i32
    %lt3A_1432 = arith.cmpi slt, %select_n3A_1425, %lt3A_1431 : i32
    %ne3A_1433 = arith.xori %lt3A_1430, %lt3A_1432 : i1
    %and3A_1434 = arith.andi %ne3A_1433, %ne3A_1428 : i1
    %add3A_1435 = arith.addi %rem3A_1426, %select_n3A_1425 : i32
    %select_n3A_1436 = arith.select %and3A_1434, %add3A_1435, %rem3A_1426 : i32
    %dma_start3A_1437 = arith.constant 0 : i32
    %dma_start3A_1438 = tpu.memref_slice %arg4[%select_n3A_1420, %select_n3A_1436, %dma_start3A_1437] : memref<4x4096x1024xf32, #tpu.memory_space<hbm>> -> memref<1x16x1024xf32, #tpu.memory_space<hbm>>
    %dma_start3A_1439 = tpu.memref_squeeze %dma_start3A_1438 : memref<1x16x1024xf32, #tpu.memory_space<hbm>> -> memref<16x1024xf32, #tpu.memory_space<hbm>>
    %dma_start3A_1440 = arith.constant 0 : i32
    %dma_start3A_1441 = tpu.memref_slice %arg4[%select_n3A_1420, %select_n3A_1436, %dma_start3A_1440] : memref<4x4096x1024xf32, #tpu.memory_space<hbm>> -> memref<1x16x1024xf32, #tpu.memory_space<hbm>>
    %dma_start3A_1442 = tpu.memref_squeeze %dma_start3A_1441 : memref<1x16x1024xf32, #tpu.memory_space<hbm>> -> memref<16x1024xf32, #tpu.memory_space<hbm>>
    tpu.enqueue_dma source(%arg6 : memref<16x1024xf32, #tpu.memory_space<vmem>>) target(%dma_start3A_1442 : memref<16x1024xf32, #tpu.memory_space<hbm>>) target_semaphore(%arg20 : memref<!tpu.dma_semaphore, #tpu.memory_space<semaphore_mem>>)
    %dma_wait3A_1443 = arith.constant 0 : i32
    %dma_wait3A_1444 = tpu.memref_slice %arg4[%select_n3A_1292, %select_n3A_1308, %dma_wait3A_1443] : memref<4x4096x1024xf32, #tpu.memory_space<hbm>> -> memref<1x16x1024xf32, #tpu.memory_space<hbm>>
    %dma_wait3A_1445 = tpu.memref_squeeze %dma_wait3A_1444 : memref<1x16x1024xf32, #tpu.memory_space<hbm>> -> memref<16x1024xf32, #tpu.memory_space<hbm>>
    %dma_wait3A_1446 = arith.constant 0 : i32
    %dma_wait3A_1447 = tpu.memref_slice %arg4[%select_n3A_1292, %select_n3A_1308, %dma_wait3A_1446] : memref<4x4096x1024xf32, #tpu.memory_space<hbm>> -> memref<1x16x1024xf32, #tpu.memory_space<hbm>>
    %dma_wait3A_1448 = tpu.memref_squeeze %dma_wait3A_1447 : memref<1x16x1024xf32, #tpu.memory_space<hbm>> -> memref<16x1024xf32, #tpu.memory_space<hbm>>
    tpu.wait_dma2 semaphore(%arg25 : memref<!tpu.dma_semaphore, #tpu.memory_space<semaphore_mem>>) src(%arg11 : memref<16x1024xf32, #tpu.memory_space<vmem>>) dst(%dma_wait3A_1448 : memref<16x1024xf32, #tpu.memory_space<hbm>>)
    %dma_start3A_1449 = arith.constant 416 : i32
    %dma_start3A_1450 = tpu.memref_slice %arg5[%dma_start3A_1449] : memref<512xi32, #tpu.memory_space<vmem>> -> memref<16xi32, #tpu.memory_space<vmem>>
    %dma_start3A_1451 = arith.constant 0 : i32
    %dma_start3A_1452 = arith.constant 0 : i32
    %dma_start3A_1453 = tpu.memref_slice %arg3[%dma_start3A_1451, %dma_start3A_1452] : memref<100000x1024xf32, #tpu.memory_space<hbm>> -> memref<100000x1024xf32, #tpu.memory_space<hbm>>
    tpu.enqueue_indirect_dma source(%dma_start3A_1453 : memref<100000x1024xf32, #tpu.memory_space<hbm>>) target(%arg11 : memref<16x1024xf32, #tpu.memory_space<vmem>>) offsets(%dma_start3A_1450 : memref<16xi32, #tpu.memory_space<vmem>>) semaphore(%arg18 : memref<!tpu.dma_semaphore, #tpu.memory_space<semaphore_mem>>)
    %dma_wait3A_1454 = arith.constant 352 : i32
    %dma_wait3A_1455 = tpu.memref_slice %arg5[%dma_wait3A_1454] : memref<512xi32, #tpu.memory_space<vmem>> -> memref<16xi32, #tpu.memory_space<vmem>>
    %dma_wait3A_1456 = arith.constant 0 : i32
    %dma_wait3A_1457 = arith.constant 0 : i32
    %dma_wait3A_1458 = tpu.memref_slice %arg3[%dma_wait3A_1456, %dma_wait3A_1457] : memref<100000x1024xf32, #tpu.memory_space<hbm>> -> memref<100000x1024xf32, #tpu.memory_space<hbm>>
    tpu.wait_indirect_dma semaphore(%arg14 : memref<!tpu.dma_semaphore, #tpu.memory_space<semaphore_mem>>) src(%dma_wait3A_1458 : memref<100000x1024xf32, #tpu.memory_space<hbm>>) dst(%arg7 : memref<16x1024xf32, #tpu.memory_space<vmem>>)
    %add3A_1459 = arith.constant 352 : i32
    %add3A_1460 = arith.addi %mul3A_2, %add3A_1459 : i32
    %jit3A_1461 = arith.constant 4096 : i32
    %div3A_1462 = arith.divsi %add3A_1460, %jit3A_1461 : i32
    %sign3A_1463 = arith.constant 0 : i32
    %sign3A_1464 = arith.cmpi sgt, %add3A_1460, %sign3A_1463 : i32
    %sign3A_1465 = arith.extui %sign3A_1464 : i1 to i32
    %sign3A_1466 = arith.constant 0 : i32
    %sign3A_1467 = arith.cmpi slt, %add3A_1460, %sign3A_1466 : i32
    %sign3A_1468 = arith.extui %sign3A_1467 : i1 to i32
    %sign3A_1469 = arith.subi %sign3A_1465, %sign3A_1468 : i32
    %sign3A_1470 = arith.constant 0 : i32
    %sign3A_1471 = arith.cmpi sgt, %jit3A_1461, %sign3A_1470 : i32
    %sign3A_1472 = arith.extui %sign3A_1471 : i1 to i32
    %sign3A_1473 = arith.constant 0 : i32
    %sign3A_1474 = arith.cmpi slt, %jit3A_1461, %sign3A_1473 : i32
    %sign3A_1475 = arith.extui %sign3A_1474 : i1 to i32
    %sign3A_1476 = arith.subi %sign3A_1472, %sign3A_1475 : i32
    %ne3A_1477 = arith.cmpi ne, %sign3A_1469, %sign3A_1476 : i32
    %rem3A_1478 = arith.remsi %add3A_1460, %jit3A_1461 : i32
    %ne3A_1479 = arith.constant 0 : i32
    %ne3A_1480 = arith.cmpi ne, %rem3A_1478, %ne3A_1479 : i32
    %and3A_1481 = arith.andi %ne3A_1477, %ne3A_1480 : i1
    %sub3A_1482 = arith.constant 1 : i32
    %sub3A_1483 = arith.subi %div3A_1462, %sub3A_1482 : i32
    %select_n3A_1484 = arith.select %and3A_1481, %sub3A_1483, %div3A_1462 : i32
    %jit3A_1485 = arith.constant 4096 : i32
    %eq3A_1486 = arith.constant 0 : i32
    %eq3A_1487 = arith.cmpi eq, %jit3A_1485, %eq3A_1486 : i32
    %jit3A_1488 = arith.constant 1 : i32
    %select_n3A_1489 = arith.select %eq3A_1487, %jit3A_1488, %jit3A_1485 : i32
    %rem3A_1490 = arith.remsi %add3A_1460, %select_n3A_1489 : i32
    %ne3A_1491 = arith.constant 0 : i32
    %ne3A_1492 = arith.cmpi ne, %rem3A_1490, %ne3A_1491 : i32
    %lt3A_1493 = arith.constant 0 : i32
    %lt3A_1494 = arith.cmpi slt, %rem3A_1490, %lt3A_1493 : i32
    %lt3A_1495 = arith.constant 0 : i32
    %lt3A_1496 = arith.cmpi slt, %select_n3A_1489, %lt3A_1495 : i32
    %ne3A_1497 = arith.xori %lt3A_1494, %lt3A_1496 : i1
    %and3A_1498 = arith.andi %ne3A_1497, %ne3A_1492 : i1
    %add3A_1499 = arith.addi %rem3A_1490, %select_n3A_1489 : i32
    %select_n3A_1500 = arith.select %and3A_1498, %add3A_1499, %rem3A_1490 : i32
    %dma_start3A_1501 = arith.constant 0 : i32
    %dma_start3A_1502 = tpu.memref_slice %arg4[%select_n3A_1484, %select_n3A_1500, %dma_start3A_1501] : memref<4x4096x1024xf32, #tpu.memory_space<hbm>> -> memref<1x16x1024xf32, #tpu.memory_space<hbm>>
    %dma_start3A_1503 = tpu.memref_squeeze %dma_start3A_1502 : memref<1x16x1024xf32, #tpu.memory_space<hbm>> -> memref<16x1024xf32, #tpu.memory_space<hbm>>
    %dma_start3A_1504 = arith.constant 0 : i32
    %dma_start3A_1505 = tpu.memref_slice %arg4[%select_n3A_1484, %select_n3A_1500, %dma_start3A_1504] : memref<4x4096x1024xf32, #tpu.memory_space<hbm>> -> memref<1x16x1024xf32, #tpu.memory_space<hbm>>
    %dma_start3A_1506 = tpu.memref_squeeze %dma_start3A_1505 : memref<1x16x1024xf32, #tpu.memory_space<hbm>> -> memref<16x1024xf32, #tpu.memory_space<hbm>>
    tpu.enqueue_dma source(%arg7 : memref<16x1024xf32, #tpu.memory_space<vmem>>) target(%dma_start3A_1506 : memref<16x1024xf32, #tpu.memory_space<hbm>>) target_semaphore(%arg21 : memref<!tpu.dma_semaphore, #tpu.memory_space<semaphore_mem>>)
    %dma_wait3A_1507 = arith.constant 0 : i32
    %dma_wait3A_1508 = tpu.memref_slice %arg4[%select_n3A_1356, %select_n3A_1372, %dma_wait3A_1507] : memref<4x4096x1024xf32, #tpu.memory_space<hbm>> -> memref<1x16x1024xf32, #tpu.memory_space<hbm>>
    %dma_wait3A_1509 = tpu.memref_squeeze %dma_wait3A_1508 : memref<1x16x1024xf32, #tpu.memory_space<hbm>> -> memref<16x1024xf32, #tpu.memory_space<hbm>>
    %dma_wait3A_1510 = arith.constant 0 : i32
    %dma_wait3A_1511 = tpu.memref_slice %arg4[%select_n3A_1356, %select_n3A_1372, %dma_wait3A_1510] : memref<4x4096x1024xf32, #tpu.memory_space<hbm>> -> memref<1x16x1024xf32, #tpu.memory_space<hbm>>
    %dma_wait3A_1512 = tpu.memref_squeeze %dma_wait3A_1511 : memref<1x16x1024xf32, #tpu.memory_space<hbm>> -> memref<16x1024xf32, #tpu.memory_space<hbm>>
    tpu.wait_dma2 semaphore(%arg26 : memref<!tpu.dma_semaphore, #tpu.memory_space<semaphore_mem>>) src(%arg12 : memref<16x1024xf32, #tpu.memory_space<vmem>>) dst(%dma_wait3A_1512 : memref<16x1024xf32, #tpu.memory_space<hbm>>)
    %dma_start3A_1513 = arith.constant 432 : i32
    %dma_start3A_1514 = tpu.memref_slice %arg5[%dma_start3A_1513] : memref<512xi32, #tpu.memory_space<vmem>> -> memref<16xi32, #tpu.memory_space<vmem>>
    %dma_start3A_1515 = arith.constant 0 : i32
    %dma_start3A_1516 = arith.constant 0 : i32
    %dma_start3A_1517 = tpu.memref_slice %arg3[%dma_start3A_1515, %dma_start3A_1516] : memref<100000x1024xf32, #tpu.memory_space<hbm>> -> memref<100000x1024xf32, #tpu.memory_space<hbm>>
    tpu.enqueue_indirect_dma source(%dma_start3A_1517 : memref<100000x1024xf32, #tpu.memory_space<hbm>>) target(%arg12 : memref<16x1024xf32, #tpu.memory_space<vmem>>) offsets(%dma_start3A_1514 : memref<16xi32, #tpu.memory_space<vmem>>) semaphore(%arg19 : memref<!tpu.dma_semaphore, #tpu.memory_space<semaphore_mem>>)
    %dma_wait3A_1518 = arith.constant 368 : i32
    %dma_wait3A_1519 = tpu.memref_slice %arg5[%dma_wait3A_1518] : memref<512xi32, #tpu.memory_space<vmem>> -> memref<16xi32, #tpu.memory_space<vmem>>
    %dma_wait3A_1520 = arith.constant 0 : i32
    %dma_wait3A_1521 = arith.constant 0 : i32
    %dma_wait3A_1522 = tpu.memref_slice %arg3[%dma_wait3A_1520, %dma_wait3A_1521] : memref<100000x1024xf32, #tpu.memory_space<hbm>> -> memref<100000x1024xf32, #tpu.memory_space<hbm>>
    tpu.wait_indirect_dma semaphore(%arg15 : memref<!tpu.dma_semaphore, #tpu.memory_space<semaphore_mem>>) src(%dma_wait3A_1522 : memref<100000x1024xf32, #tpu.memory_space<hbm>>) dst(%arg8 : memref<16x1024xf32, #tpu.memory_space<vmem>>)
    %add3A_1523 = arith.constant 368 : i32
    %add3A_1524 = arith.addi %mul3A_2, %add3A_1523 : i32
    %jit3A_1525 = arith.constant 4096 : i32
    %div3A_1526 = arith.divsi %add3A_1524, %jit3A_1525 : i32
    %sign3A_1527 = arith.constant 0 : i32
    %sign3A_1528 = arith.cmpi sgt, %add3A_1524, %sign3A_1527 : i32
    %sign3A_1529 = arith.extui %sign3A_1528 : i1 to i32
    %sign3A_1530 = arith.constant 0 : i32
    %sign3A_1531 = arith.cmpi slt, %add3A_1524, %sign3A_1530 : i32
    %sign3A_1532 = arith.extui %sign3A_1531 : i1 to i32
    %sign3A_1533 = arith.subi %sign3A_1529, %sign3A_1532 : i32
    %sign3A_1534 = arith.constant 0 : i32
    %sign3A_1535 = arith.cmpi sgt, %jit3A_1525, %sign3A_1534 : i32
    %sign3A_1536 = arith.extui %sign3A_1535 : i1 to i32
    %sign3A_1537 = arith.constant 0 : i32
    %sign3A_1538 = arith.cmpi slt, %jit3A_1525, %sign3A_1537 : i32
    %sign3A_1539 = arith.extui %sign3A_1538 : i1 to i32
    %sign3A_1540 = arith.subi %sign3A_1536, %sign3A_1539 : i32
    %ne3A_1541 = arith.cmpi ne, %sign3A_1533, %sign3A_1540 : i32
    %rem3A_1542 = arith.remsi %add3A_1524, %jit3A_1525 : i32
    %ne3A_1543 = arith.constant 0 : i32
    %ne3A_1544 = arith.cmpi ne, %rem3A_1542, %ne3A_1543 : i32
    %and3A_1545 = arith.andi %ne3A_1541, %ne3A_1544 : i1
    %sub3A_1546 = arith.constant 1 : i32
    %sub3A_1547 = arith.subi %div3A_1526, %sub3A_1546 : i32
    %select_n3A_1548 = arith.select %and3A_1545, %sub3A_1547, %div3A_1526 : i32
    %jit3A_1549 = arith.constant 4096 : i32
    %eq3A_1550 = arith.constant 0 : i32
    %eq3A_1551 = arith.cmpi eq, %jit3A_1549, %eq3A_1550 : i32
    %jit3A_1552 = arith.constant 1 : i32
    %select_n3A_1553 = arith.select %eq3A_1551, %jit3A_1552, %jit3A_1549 : i32
    %rem3A_1554 = arith.remsi %add3A_1524, %select_n3A_1553 : i32
    %ne3A_1555 = arith.constant 0 : i32
    %ne3A_1556 = arith.cmpi ne, %rem3A_1554, %ne3A_1555 : i32
    %lt3A_1557 = arith.constant 0 : i32
    %lt3A_1558 = arith.cmpi slt, %rem3A_1554, %lt3A_1557 : i32
    %lt3A_1559 = arith.constant 0 : i32
    %lt3A_1560 = arith.cmpi slt, %select_n3A_1553, %lt3A_1559 : i32
    %ne3A_1561 = arith.xori %lt3A_1558, %lt3A_1560 : i1
    %and3A_1562 = arith.andi %ne3A_1561, %ne3A_1556 : i1
    %add3A_1563 = arith.addi %rem3A_1554, %select_n3A_1553 : i32
    %select_n3A_1564 = arith.select %and3A_1562, %add3A_1563, %rem3A_1554 : i32
    %dma_start3A_1565 = arith.constant 0 : i32
    %dma_start3A_1566 = tpu.memref_slice %arg4[%select_n3A_1548, %select_n3A_1564, %dma_start3A_1565] : memref<4x4096x1024xf32, #tpu.memory_space<hbm>> -> memref<1x16x1024xf32, #tpu.memory_space<hbm>>
    %dma_start3A_1567 = tpu.memref_squeeze %dma_start3A_1566 : memref<1x16x1024xf32, #tpu.memory_space<hbm>> -> memref<16x1024xf32, #tpu.memory_space<hbm>>
    %dma_start3A_1568 = arith.constant 0 : i32
    %dma_start3A_1569 = tpu.memref_slice %arg4[%select_n3A_1548, %select_n3A_1564, %dma_start3A_1568] : memref<4x4096x1024xf32, #tpu.memory_space<hbm>> -> memref<1x16x1024xf32, #tpu.memory_space<hbm>>
    %dma_start3A_1570 = tpu.memref_squeeze %dma_start3A_1569 : memref<1x16x1024xf32, #tpu.memory_space<hbm>> -> memref<16x1024xf32, #tpu.memory_space<hbm>>
    tpu.enqueue_dma source(%arg8 : memref<16x1024xf32, #tpu.memory_space<vmem>>) target(%dma_start3A_1570 : memref<16x1024xf32, #tpu.memory_space<hbm>>) target_semaphore(%arg22 : memref<!tpu.dma_semaphore, #tpu.memory_space<semaphore_mem>>)
    %dma_wait3A_1571 = arith.constant 0 : i32
    %dma_wait3A_1572 = tpu.memref_slice %arg4[%select_n3A_1420, %select_n3A_1436, %dma_wait3A_1571] : memref<4x4096x1024xf32, #tpu.memory_space<hbm>> -> memref<1x16x1024xf32, #tpu.memory_space<hbm>>
    %dma_wait3A_1573 = tpu.memref_squeeze %dma_wait3A_1572 : memref<1x16x1024xf32, #tpu.memory_space<hbm>> -> memref<16x1024xf32, #tpu.memory_space<hbm>>
    %dma_wait3A_1574 = arith.constant 0 : i32
    %dma_wait3A_1575 = tpu.memref_slice %arg4[%select_n3A_1420, %select_n3A_1436, %dma_wait3A_1574] : memref<4x4096x1024xf32, #tpu.memory_space<hbm>> -> memref<1x16x1024xf32, #tpu.memory_space<hbm>>
    %dma_wait3A_1576 = tpu.memref_squeeze %dma_wait3A_1575 : memref<1x16x1024xf32, #tpu.memory_space<hbm>> -> memref<16x1024xf32, #tpu.memory_space<hbm>>
    tpu.wait_dma2 semaphore(%arg20 : memref<!tpu.dma_semaphore, #tpu.memory_space<semaphore_mem>>) src(%arg6 : memref<16x1024xf32, #tpu.memory_space<vmem>>) dst(%dma_wait3A_1576 : memref<16x1024xf32, #tpu.memory_space<hbm>>)
    %dma_start3A_1577 = arith.constant 448 : i32
    %dma_start3A_1578 = tpu.memref_slice %arg5[%dma_start3A_1577] : memref<512xi32, #tpu.memory_space<vmem>> -> memref<16xi32, #tpu.memory_space<vmem>>
    %dma_start3A_1579 = arith.constant 0 : i32
    %dma_start3A_1580 = arith.constant 0 : i32
    %dma_start3A_1581 = tpu.memref_slice %arg3[%dma_start3A_1579, %dma_start3A_1580] : memref<100000x1024xf32, #tpu.memory_space<hbm>> -> memref<100000x1024xf32, #tpu.memory_space<hbm>>
    tpu.enqueue_indirect_dma source(%dma_start3A_1581 : memref<100000x1024xf32, #tpu.memory_space<hbm>>) target(%arg6 : memref<16x1024xf32, #tpu.memory_space<vmem>>) offsets(%dma_start3A_1578 : memref<16xi32, #tpu.memory_space<vmem>>) semaphore(%arg13 : memref<!tpu.dma_semaphore, #tpu.memory_space<semaphore_mem>>)
    %dma_wait3A_1582 = arith.constant 384 : i32
    %dma_wait3A_1583 = tpu.memref_slice %arg5[%dma_wait3A_1582] : memref<512xi32, #tpu.memory_space<vmem>> -> memref<16xi32, #tpu.memory_space<vmem>>
    %dma_wait3A_1584 = arith.constant 0 : i32
    %dma_wait3A_1585 = arith.constant 0 : i32
    %dma_wait3A_1586 = tpu.memref_slice %arg3[%dma_wait3A_1584, %dma_wait3A_1585] : memref<100000x1024xf32, #tpu.memory_space<hbm>> -> memref<100000x1024xf32, #tpu.memory_space<hbm>>
    tpu.wait_indirect_dma semaphore(%arg16 : memref<!tpu.dma_semaphore, #tpu.memory_space<semaphore_mem>>) src(%dma_wait3A_1586 : memref<100000x1024xf32, #tpu.memory_space<hbm>>) dst(%arg9 : memref<16x1024xf32, #tpu.memory_space<vmem>>)
    %add3A_1587 = arith.constant 384 : i32
    %add3A_1588 = arith.addi %mul3A_2, %add3A_1587 : i32
    %jit3A_1589 = arith.constant 4096 : i32
    %div3A_1590 = arith.divsi %add3A_1588, %jit3A_1589 : i32
    %sign3A_1591 = arith.constant 0 : i32
    %sign3A_1592 = arith.cmpi sgt, %add3A_1588, %sign3A_1591 : i32
    %sign3A_1593 = arith.extui %sign3A_1592 : i1 to i32
    %sign3A_1594 = arith.constant 0 : i32
    %sign3A_1595 = arith.cmpi slt, %add3A_1588, %sign3A_1594 : i32
    %sign3A_1596 = arith.extui %sign3A_1595 : i1 to i32
    %sign3A_1597 = arith.subi %sign3A_1593, %sign3A_1596 : i32
    %sign3A_1598 = arith.constant 0 : i32
    %sign3A_1599 = arith.cmpi sgt, %jit3A_1589, %sign3A_1598 : i32
    %sign3A_1600 = arith.extui %sign3A_1599 : i1 to i32
    %sign3A_1601 = arith.constant 0 : i32
    %sign3A_1602 = arith.cmpi slt, %jit3A_1589, %sign3A_1601 : i32
    %sign3A_1603 = arith.extui %sign3A_1602 : i1 to i32
    %sign3A_1604 = arith.subi %sign3A_1600, %sign3A_1603 : i32
    %ne3A_1605 = arith.cmpi ne, %sign3A_1597, %sign3A_1604 : i32
    %rem3A_1606 = arith.remsi %add3A_1588, %jit3A_1589 : i32
    %ne3A_1607 = arith.constant 0 : i32
    %ne3A_1608 = arith.cmpi ne, %rem3A_1606, %ne3A_1607 : i32
    %and3A_1609 = arith.andi %ne3A_1605, %ne3A_1608 : i1
    %sub3A_1610 = arith.constant 1 : i32
    %sub3A_1611 = arith.subi %div3A_1590, %sub3A_1610 : i32
    %select_n3A_1612 = arith.select %and3A_1609, %sub3A_1611, %div3A_1590 : i32
    %jit3A_1613 = arith.constant 4096 : i32
    %eq3A_1614 = arith.constant 0 : i32
    %eq3A_1615 = arith.cmpi eq, %jit3A_1613, %eq3A_1614 : i32
    %jit3A_1616 = arith.constant 1 : i32
    %select_n3A_1617 = arith.select %eq3A_1615, %jit3A_1616, %jit3A_1613 : i32
    %rem3A_1618 = arith.remsi %add3A_1588, %select_n3A_1617 : i32
    %ne3A_1619 = arith.constant 0 : i32
    %ne3A_1620 = arith.cmpi ne, %rem3A_1618, %ne3A_1619 : i32
    %lt3A_1621 = arith.constant 0 : i32
    %lt3A_1622 = arith.cmpi slt, %rem3A_1618, %lt3A_1621 : i32
    %lt3A_1623 = arith.constant 0 : i32
    %lt3A_1624 = arith.cmpi slt, %select_n3A_1617, %lt3A_1623 : i32
    %ne3A_1625 = arith.xori %lt3A_1622, %lt3A_1624 : i1
    %and3A_1626 = arith.andi %ne3A_1625, %ne3A_1620 : i1
    %add3A_1627 = arith.addi %rem3A_1618, %select_n3A_1617 : i32
    %select_n3A_1628 = arith.select %and3A_1626, %add3A_1627, %rem3A_1618 : i32
    %dma_start3A_1629 = arith.constant 0 : i32
    %dma_start3A_1630 = tpu.memref_slice %arg4[%select_n3A_1612, %select_n3A_1628, %dma_start3A_1629] : memref<4x4096x1024xf32, #tpu.memory_space<hbm>> -> memref<1x16x1024xf32, #tpu.memory_space<hbm>>
    %dma_start3A_1631 = tpu.memref_squeeze %dma_start3A_1630 : memref<1x16x1024xf32, #tpu.memory_space<hbm>> -> memref<16x1024xf32, #tpu.memory_space<hbm>>
    %dma_start3A_1632 = arith.constant 0 : i32
    %dma_start3A_1633 = tpu.memref_slice %arg4[%select_n3A_1612, %select_n3A_1628, %dma_start3A_1632] : memref<4x4096x1024xf32, #tpu.memory_space<hbm>> -> memref<1x16x1024xf32, #tpu.memory_space<hbm>>
    %dma_start3A_1634 = tpu.memref_squeeze %dma_start3A_1633 : memref<1x16x1024xf32, #tpu.memory_space<hbm>> -> memref<16x1024xf32, #tpu.memory_space<hbm>>
    tpu.enqueue_dma source(%arg9 : memref<16x1024xf32, #tpu.memory_space<vmem>>) target(%dma_start3A_1634 : memref<16x1024xf32, #tpu.memory_space<hbm>>) target_semaphore(%arg23 : memref<!tpu.dma_semaphore, #tpu.memory_space<semaphore_mem>>)
    %dma_wait3A_1635 = arith.constant 0 : i32
    %dma_wait3A_1636 = tpu.memref_slice %arg4[%select_n3A_1484, %select_n3A_1500, %dma_wait3A_1635] : memref<4x4096x1024xf32, #tpu.memory_space<hbm>> -> memref<1x16x1024xf32, #tpu.memory_space<hbm>>
    %dma_wait3A_1637 = tpu.memref_squeeze %dma_wait3A_1636 : memref<1x16x1024xf32, #tpu.memory_space<hbm>> -> memref<16x1024xf32, #tpu.memory_space<hbm>>
    %dma_wait3A_1638 = arith.constant 0 : i32
    %dma_wait3A_1639 = tpu.memref_slice %arg4[%select_n3A_1484, %select_n3A_1500, %dma_wait3A_1638] : memref<4x4096x1024xf32, #tpu.memory_space<hbm>> -> memref<1x16x1024xf32, #tpu.memory_space<hbm>>
    %dma_wait3A_1640 = tpu.memref_squeeze %dma_wait3A_1639 : memref<1x16x1024xf32, #tpu.memory_space<hbm>> -> memref<16x1024xf32, #tpu.memory_space<hbm>>
    tpu.wait_dma2 semaphore(%arg21 : memref<!tpu.dma_semaphore, #tpu.memory_space<semaphore_mem>>) src(%arg7 : memref<16x1024xf32, #tpu.memory_space<vmem>>) dst(%dma_wait3A_1640 : memref<16x1024xf32, #tpu.memory_space<hbm>>)
    %dma_start3A_1641 = arith.constant 464 : i32
    %dma_start3A_1642 = tpu.memref_slice %arg5[%dma_start3A_1641] : memref<512xi32, #tpu.memory_space<vmem>> -> memref<16xi32, #tpu.memory_space<vmem>>
    %dma_start3A_1643 = arith.constant 0 : i32
    %dma_start3A_1644 = arith.constant 0 : i32
    %dma_start3A_1645 = tpu.memref_slice %arg3[%dma_start3A_1643, %dma_start3A_1644] : memref<100000x1024xf32, #tpu.memory_space<hbm>> -> memref<100000x1024xf32, #tpu.memory_space<hbm>>
    tpu.enqueue_indirect_dma source(%dma_start3A_1645 : memref<100000x1024xf32, #tpu.memory_space<hbm>>) target(%arg7 : memref<16x1024xf32, #tpu.memory_space<vmem>>) offsets(%dma_start3A_1642 : memref<16xi32, #tpu.memory_space<vmem>>) semaphore(%arg14 : memref<!tpu.dma_semaphore, #tpu.memory_space<semaphore_mem>>)
    %dma_wait3A_1646 = arith.constant 400 : i32
    %dma_wait3A_1647 = tpu.memref_slice %arg5[%dma_wait3A_1646] : memref<512xi32, #tpu.memory_space<vmem>> -> memref<16xi32, #tpu.memory_space<vmem>>
    %dma_wait3A_1648 = arith.constant 0 : i32
    %dma_wait3A_1649 = arith.constant 0 : i32
    %dma_wait3A_1650 = tpu.memref_slice %arg3[%dma_wait3A_1648, %dma_wait3A_1649] : memref<100000x1024xf32, #tpu.memory_space<hbm>> -> memref<100000x1024xf32, #tpu.memory_space<hbm>>
    tpu.wait_indirect_dma semaphore(%arg17 : memref<!tpu.dma_semaphore, #tpu.memory_space<semaphore_mem>>) src(%dma_wait3A_1650 : memref<100000x1024xf32, #tpu.memory_space<hbm>>) dst(%arg10 : memref<16x1024xf32, #tpu.memory_space<vmem>>)
    %add3A_1651 = arith.constant 400 : i32
    %add3A_1652 = arith.addi %mul3A_2, %add3A_1651 : i32
    %jit3A_1653 = arith.constant 4096 : i32
    %div3A_1654 = arith.divsi %add3A_1652, %jit3A_1653 : i32
    %sign3A_1655 = arith.constant 0 : i32
    %sign3A_1656 = arith.cmpi sgt, %add3A_1652, %sign3A_1655 : i32
    %sign3A_1657 = arith.extui %sign3A_1656 : i1 to i32
    %sign3A_1658 = arith.constant 0 : i32
    %sign3A_1659 = arith.cmpi slt, %add3A_1652, %sign3A_1658 : i32
    %sign3A_1660 = arith.extui %sign3A_1659 : i1 to i32
    %sign3A_1661 = arith.subi %sign3A_1657, %sign3A_1660 : i32
    %sign3A_1662 = arith.constant 0 : i32
    %sign3A_1663 = arith.cmpi sgt, %jit3A_1653, %sign3A_1662 : i32
    %sign3A_1664 = arith.extui %sign3A_1663 : i1 to i32
    %sign3A_1665 = arith.constant 0 : i32
    %sign3A_1666 = arith.cmpi slt, %jit3A_1653, %sign3A_1665 : i32
    %sign3A_1667 = arith.extui %sign3A_1666 : i1 to i32
    %sign3A_1668 = arith.subi %sign3A_1664, %sign3A_1667 : i32
    %ne3A_1669 = arith.cmpi ne, %sign3A_1661, %sign3A_1668 : i32
    %rem3A_1670 = arith.remsi %add3A_1652, %jit3A_1653 : i32
    %ne3A_1671 = arith.constant 0 : i32
    %ne3A_1672 = arith.cmpi ne, %rem3A_1670, %ne3A_1671 : i32
    %and3A_1673 = arith.andi %ne3A_1669, %ne3A_1672 : i1
    %sub3A_1674 = arith.constant 1 : i32
    %sub3A_1675 = arith.subi %div3A_1654, %sub3A_1674 : i32
    %select_n3A_1676 = arith.select %and3A_1673, %sub3A_1675, %div3A_1654 : i32
    %jit3A_1677 = arith.constant 4096 : i32
    %eq3A_1678 = arith.constant 0 : i32
    %eq3A_1679 = arith.cmpi eq, %jit3A_1677, %eq3A_1678 : i32
    %jit3A_1680 = arith.constant 1 : i32
    %select_n3A_1681 = arith.select %eq3A_1679, %jit3A_1680, %jit3A_1677 : i32
    %rem3A_1682 = arith.remsi %add3A_1652, %select_n3A_1681 : i32
    %ne3A_1683 = arith.constant 0 : i32
    %ne3A_1684 = arith.cmpi ne, %rem3A_1682, %ne3A_1683 : i32
    %lt3A_1685 = arith.constant 0 : i32
    %lt3A_1686 = arith.cmpi slt, %rem3A_1682, %lt3A_1685 : i32
    %lt3A_1687 = arith.constant 0 : i32
    %lt3A_1688 = arith.cmpi slt, %select_n3A_1681, %lt3A_1687 : i32
    %ne3A_1689 = arith.xori %lt3A_1686, %lt3A_1688 : i1
    %and3A_1690 = arith.andi %ne3A_1689, %ne3A_1684 : i1
    %add3A_1691 = arith.addi %rem3A_1682, %select_n3A_1681 : i32
    %select_n3A_1692 = arith.select %and3A_1690, %add3A_1691, %rem3A_1682 : i32
    %dma_start3A_1693 = arith.constant 0 : i32
    %dma_start3A_1694 = tpu.memref_slice %arg4[%select_n3A_1676, %select_n3A_1692, %dma_start3A_1693] : memref<4x4096x1024xf32, #tpu.memory_space<hbm>> -> memref<1x16x1024xf32, #tpu.memory_space<hbm>>
    %dma_start3A_1695 = tpu.memref_squeeze %dma_start3A_1694 : memref<1x16x1024xf32, #tpu.memory_space<hbm>> -> memref<16x1024xf32, #tpu.memory_space<hbm>>
    %dma_start3A_1696 = arith.constant 0 : i32
    %dma_start3A_1697 = tpu.memref_slice %arg4[%select_n3A_1676, %select_n3A_1692, %dma_start3A_1696] : memref<4x4096x1024xf32, #tpu.memory_space<hbm>> -> memref<1x16x1024xf32, #tpu.memory_space<hbm>>
    %dma_start3A_1698 = tpu.memref_squeeze %dma_start3A_1697 : memref<1x16x1024xf32, #tpu.memory_space<hbm>> -> memref<16x1024xf32, #tpu.memory_space<hbm>>
    tpu.enqueue_dma source(%arg10 : memref<16x1024xf32, #tpu.memory_space<vmem>>) target(%dma_start3A_1698 : memref<16x1024xf32, #tpu.memory_space<hbm>>) target_semaphore(%arg24 : memref<!tpu.dma_semaphore, #tpu.memory_space<semaphore_mem>>)
    %dma_wait3A_1699 = arith.constant 0 : i32
    %dma_wait3A_1700 = tpu.memref_slice %arg4[%select_n3A_1548, %select_n3A_1564, %dma_wait3A_1699] : memref<4x4096x1024xf32, #tpu.memory_space<hbm>> -> memref<1x16x1024xf32, #tpu.memory_space<hbm>>
    %dma_wait3A_1701 = tpu.memref_squeeze %dma_wait3A_1700 : memref<1x16x1024xf32, #tpu.memory_space<hbm>> -> memref<16x1024xf32, #tpu.memory_space<hbm>>
    %dma_wait3A_1702 = arith.constant 0 : i32
    %dma_wait3A_1703 = tpu.memref_slice %arg4[%select_n3A_1548, %select_n3A_1564, %dma_wait3A_1702] : memref<4x4096x1024xf32, #tpu.memory_space<hbm>> -> memref<1x16x1024xf32, #tpu.memory_space<hbm>>
    %dma_wait3A_1704 = tpu.memref_squeeze %dma_wait3A_1703 : memref<1x16x1024xf32, #tpu.memory_space<hbm>> -> memref<16x1024xf32, #tpu.memory_space<hbm>>
    tpu.wait_dma2 semaphore(%arg22 : memref<!tpu.dma_semaphore, #tpu.memory_space<semaphore_mem>>) src(%arg8 : memref<16x1024xf32, #tpu.memory_space<vmem>>) dst(%dma_wait3A_1704 : memref<16x1024xf32, #tpu.memory_space<hbm>>)
    %dma_start3A_1705 = arith.constant 480 : i32
    %dma_start3A_1706 = tpu.memref_slice %arg5[%dma_start3A_1705] : memref<512xi32, #tpu.memory_space<vmem>> -> memref<16xi32, #tpu.memory_space<vmem>>
    %dma_start3A_1707 = arith.constant 0 : i32
    %dma_start3A_1708 = arith.constant 0 : i32
    %dma_start3A_1709 = tpu.memref_slice %arg3[%dma_start3A_1707, %dma_start3A_1708] : memref<100000x1024xf32, #tpu.memory_space<hbm>> -> memref<100000x1024xf32, #tpu.memory_space<hbm>>
    tpu.enqueue_indirect_dma source(%dma_start3A_1709 : memref<100000x1024xf32, #tpu.memory_space<hbm>>) target(%arg8 : memref<16x1024xf32, #tpu.memory_space<vmem>>) offsets(%dma_start3A_1706 : memref<16xi32, #tpu.memory_space<vmem>>) semaphore(%arg15 : memref<!tpu.dma_semaphore, #tpu.memory_space<semaphore_mem>>)
    %dma_wait3A_1710 = arith.constant 416 : i32
    %dma_wait3A_1711 = tpu.memref_slice %arg5[%dma_wait3A_1710] : memref<512xi32, #tpu.memory_space<vmem>> -> memref<16xi32, #tpu.memory_space<vmem>>
    %dma_wait3A_1712 = arith.constant 0 : i32
    %dma_wait3A_1713 = arith.constant 0 : i32
    %dma_wait3A_1714 = tpu.memref_slice %arg3[%dma_wait3A_1712, %dma_wait3A_1713] : memref<100000x1024xf32, #tpu.memory_space<hbm>> -> memref<100000x1024xf32, #tpu.memory_space<hbm>>
    tpu.wait_indirect_dma semaphore(%arg18 : memref<!tpu.dma_semaphore, #tpu.memory_space<semaphore_mem>>) src(%dma_wait3A_1714 : memref<100000x1024xf32, #tpu.memory_space<hbm>>) dst(%arg11 : memref<16x1024xf32, #tpu.memory_space<vmem>>)
    %add3A_1715 = arith.constant 416 : i32
    %add3A_1716 = arith.addi %mul3A_2, %add3A_1715 : i32
    %jit3A_1717 = arith.constant 4096 : i32
    %div3A_1718 = arith.divsi %add3A_1716, %jit3A_1717 : i32
    %sign3A_1719 = arith.constant 0 : i32
    %sign3A_1720 = arith.cmpi sgt, %add3A_1716, %sign3A_1719 : i32
    %sign3A_1721 = arith.extui %sign3A_1720 : i1 to i32
    %sign3A_1722 = arith.constant 0 : i32
    %sign3A_1723 = arith.cmpi slt, %add3A_1716, %sign3A_1722 : i32
    %sign3A_1724 = arith.extui %sign3A_1723 : i1 to i32
    %sign3A_1725 = arith.subi %sign3A_1721, %sign3A_1724 : i32
    %sign3A_1726 = arith.constant 0 : i32
    %sign3A_1727 = arith.cmpi sgt, %jit3A_1717, %sign3A_1726 : i32
    %sign3A_1728 = arith.extui %sign3A_1727 : i1 to i32
    %sign3A_1729 = arith.constant 0 : i32
    %sign3A_1730 = arith.cmpi slt, %jit3A_1717, %sign3A_1729 : i32
    %sign3A_1731 = arith.extui %sign3A_1730 : i1 to i32
    %sign3A_1732 = arith.subi %sign3A_1728, %sign3A_1731 : i32
    %ne3A_1733 = arith.cmpi ne, %sign3A_1725, %sign3A_1732 : i32
    %rem3A_1734 = arith.remsi %add3A_1716, %jit3A_1717 : i32
    %ne3A_1735 = arith.constant 0 : i32
    %ne3A_1736 = arith.cmpi ne, %rem3A_1734, %ne3A_1735 : i32
    %and3A_1737 = arith.andi %ne3A_1733, %ne3A_1736 : i1
    %sub3A_1738 = arith.constant 1 : i32
    %sub3A_1739 = arith.subi %div3A_1718, %sub3A_1738 : i32
    %select_n3A_1740 = arith.select %and3A_1737, %sub3A_1739, %div3A_1718 : i32
    %jit3A_1741 = arith.constant 4096 : i32
    %eq3A_1742 = arith.constant 0 : i32
    %eq3A_1743 = arith.cmpi eq, %jit3A_1741, %eq3A_1742 : i32
    %jit3A_1744 = arith.constant 1 : i32
    %select_n3A_1745 = arith.select %eq3A_1743, %jit3A_1744, %jit3A_1741 : i32
    %rem3A_1746 = arith.remsi %add3A_1716, %select_n3A_1745 : i32
    %ne3A_1747 = arith.constant 0 : i32
    %ne3A_1748 = arith.cmpi ne, %rem3A_1746, %ne3A_1747 : i32
    %lt3A_1749 = arith.constant 0 : i32
    %lt3A_1750 = arith.cmpi slt, %rem3A_1746, %lt3A_1749 : i32
    %lt3A_1751 = arith.constant 0 : i32
    %lt3A_1752 = arith.cmpi slt, %select_n3A_1745, %lt3A_1751 : i32
    %ne3A_1753 = arith.xori %lt3A_1750, %lt3A_1752 : i1
    %and3A_1754 = arith.andi %ne3A_1753, %ne3A_1748 : i1
    %add3A_1755 = arith.addi %rem3A_1746, %select_n3A_1745 : i32
    %select_n3A_1756 = arith.select %and3A_1754, %add3A_1755, %rem3A_1746 : i32
    %dma_start3A_1757 = arith.constant 0 : i32
    %dma_start3A_1758 = tpu.memref_slice %arg4[%select_n3A_1740, %select_n3A_1756, %dma_start3A_1757] : memref<4x4096x1024xf32, #tpu.memory_space<hbm>> -> memref<1x16x1024xf32, #tpu.memory_space<hbm>>
    %dma_start3A_1759 = tpu.memref_squeeze %dma_start3A_1758 : memref<1x16x1024xf32, #tpu.memory_space<hbm>> -> memref<16x1024xf32, #tpu.memory_space<hbm>>
    %dma_start3A_1760 = arith.constant 0 : i32
    %dma_start3A_1761 = tpu.memref_slice %arg4[%select_n3A_1740, %select_n3A_1756, %dma_start3A_1760] : memref<4x4096x1024xf32, #tpu.memory_space<hbm>> -> memref<1x16x1024xf32, #tpu.memory_space<hbm>>
    %dma_start3A_1762 = tpu.memref_squeeze %dma_start3A_1761 : memref<1x16x1024xf32, #tpu.memory_space<hbm>> -> memref<16x1024xf32, #tpu.memory_space<hbm>>
    tpu.enqueue_dma source(%arg11 : memref<16x1024xf32, #tpu.memory_space<vmem>>) target(%dma_start3A_1762 : memref<16x1024xf32, #tpu.memory_space<hbm>>) target_semaphore(%arg25 : memref<!tpu.dma_semaphore, #tpu.memory_space<semaphore_mem>>)
    %dma_wait3A_1763 = arith.constant 0 : i32
    %dma_wait3A_1764 = tpu.memref_slice %arg4[%select_n3A_1612, %select_n3A_1628, %dma_wait3A_1763] : memref<4x4096x1024xf32, #tpu.memory_space<hbm>> -> memref<1x16x1024xf32, #tpu.memory_space<hbm>>
    %dma_wait3A_1765 = tpu.memref_squeeze %dma_wait3A_1764 : memref<1x16x1024xf32, #tpu.memory_space<hbm>> -> memref<16x1024xf32, #tpu.memory_space<hbm>>
    %dma_wait3A_1766 = arith.constant 0 : i32
    %dma_wait3A_1767 = tpu.memref_slice %arg4[%select_n3A_1612, %select_n3A_1628, %dma_wait3A_1766] : memref<4x4096x1024xf32, #tpu.memory_space<hbm>> -> memref<1x16x1024xf32, #tpu.memory_space<hbm>>
    %dma_wait3A_1768 = tpu.memref_squeeze %dma_wait3A_1767 : memref<1x16x1024xf32, #tpu.memory_space<hbm>> -> memref<16x1024xf32, #tpu.memory_space<hbm>>
    tpu.wait_dma2 semaphore(%arg23 : memref<!tpu.dma_semaphore, #tpu.memory_space<semaphore_mem>>) src(%arg9 : memref<16x1024xf32, #tpu.memory_space<vmem>>) dst(%dma_wait3A_1768 : memref<16x1024xf32, #tpu.memory_space<hbm>>)
    %dma_start3A_1769 = arith.constant 496 : i32
    %dma_start3A_1770 = tpu.memref_slice %arg5[%dma_start3A_1769] : memref<512xi32, #tpu.memory_space<vmem>> -> memref<16xi32, #tpu.memory_space<vmem>>
    %dma_start3A_1771 = arith.constant 0 : i32
    %dma_start3A_1772 = arith.constant 0 : i32
    %dma_start3A_1773 = tpu.memref_slice %arg3[%dma_start3A_1771, %dma_start3A_1772] : memref<100000x1024xf32, #tpu.memory_space<hbm>> -> memref<100000x1024xf32, #tpu.memory_space<hbm>>
    tpu.enqueue_indirect_dma source(%dma_start3A_1773 : memref<100000x1024xf32, #tpu.memory_space<hbm>>) target(%arg9 : memref<16x1024xf32, #tpu.memory_space<vmem>>) offsets(%dma_start3A_1770 : memref<16xi32, #tpu.memory_space<vmem>>) semaphore(%arg16 : memref<!tpu.dma_semaphore, #tpu.memory_space<semaphore_mem>>)
    %dma_wait3A_1774 = arith.constant 432 : i32
    %dma_wait3A_1775 = tpu.memref_slice %arg5[%dma_wait3A_1774] : memref<512xi32, #tpu.memory_space<vmem>> -> memref<16xi32, #tpu.memory_space<vmem>>
    %dma_wait3A_1776 = arith.constant 0 : i32
    %dma_wait3A_1777 = arith.constant 0 : i32
    %dma_wait3A_1778 = tpu.memref_slice %arg3[%dma_wait3A_1776, %dma_wait3A_1777] : memref<100000x1024xf32, #tpu.memory_space<hbm>> -> memref<100000x1024xf32, #tpu.memory_space<hbm>>
    tpu.wait_indirect_dma semaphore(%arg19 : memref<!tpu.dma_semaphore, #tpu.memory_space<semaphore_mem>>) src(%dma_wait3A_1778 : memref<100000x1024xf32, #tpu.memory_space<hbm>>) dst(%arg12 : memref<16x1024xf32, #tpu.memory_space<vmem>>)
    %add3A_1779 = arith.constant 432 : i32
    %add3A_1780 = arith.addi %mul3A_2, %add3A_1779 : i32
    %jit3A_1781 = arith.constant 4096 : i32
    %div3A_1782 = arith.divsi %add3A_1780, %jit3A_1781 : i32
    %sign3A_1783 = arith.constant 0 : i32
    %sign3A_1784 = arith.cmpi sgt, %add3A_1780, %sign3A_1783 : i32
    %sign3A_1785 = arith.extui %sign3A_1784 : i1 to i32
    %sign3A_1786 = arith.constant 0 : i32
    %sign3A_1787 = arith.cmpi slt, %add3A_1780, %sign3A_1786 : i32
    %sign3A_1788 = arith.extui %sign3A_1787 : i1 to i32
    %sign3A_1789 = arith.subi %sign3A_1785, %sign3A_1788 : i32
    %sign3A_1790 = arith.constant 0 : i32
    %sign3A_1791 = arith.cmpi sgt, %jit3A_1781, %sign3A_1790 : i32
    %sign3A_1792 = arith.extui %sign3A_1791 : i1 to i32
    %sign3A_1793 = arith.constant 0 : i32
    %sign3A_1794 = arith.cmpi slt, %jit3A_1781, %sign3A_1793 : i32
    %sign3A_1795 = arith.extui %sign3A_1794 : i1 to i32
    %sign3A_1796 = arith.subi %sign3A_1792, %sign3A_1795 : i32
    %ne3A_1797 = arith.cmpi ne, %sign3A_1789, %sign3A_1796 : i32
    %rem3A_1798 = arith.remsi %add3A_1780, %jit3A_1781 : i32
    %ne3A_1799 = arith.constant 0 : i32
    %ne3A_1800 = arith.cmpi ne, %rem3A_1798, %ne3A_1799 : i32
    %and3A_1801 = arith.andi %ne3A_1797, %ne3A_1800 : i1
    %sub3A_1802 = arith.constant 1 : i32
    %sub3A_1803 = arith.subi %div3A_1782, %sub3A_1802 : i32
    %select_n3A_1804 = arith.select %and3A_1801, %sub3A_1803, %div3A_1782 : i32
    %jit3A_1805 = arith.constant 4096 : i32
    %eq3A_1806 = arith.constant 0 : i32
    %eq3A_1807 = arith.cmpi eq, %jit3A_1805, %eq3A_1806 : i32
    %jit3A_1808 = arith.constant 1 : i32
    %select_n3A_1809 = arith.select %eq3A_1807, %jit3A_1808, %jit3A_1805 : i32
    %rem3A_1810 = arith.remsi %add3A_1780, %select_n3A_1809 : i32
    %ne3A_1811 = arith.constant 0 : i32
    %ne3A_1812 = arith.cmpi ne, %rem3A_1810, %ne3A_1811 : i32
    %lt3A_1813 = arith.constant 0 : i32
    %lt3A_1814 = arith.cmpi slt, %rem3A_1810, %lt3A_1813 : i32
    %lt3A_1815 = arith.constant 0 : i32
    %lt3A_1816 = arith.cmpi slt, %select_n3A_1809, %lt3A_1815 : i32
    %ne3A_1817 = arith.xori %lt3A_1814, %lt3A_1816 : i1
    %and3A_1818 = arith.andi %ne3A_1817, %ne3A_1812 : i1
    %add3A_1819 = arith.addi %rem3A_1810, %select_n3A_1809 : i32
    %select_n3A_1820 = arith.select %and3A_1818, %add3A_1819, %rem3A_1810 : i32
    %dma_start3A_1821 = arith.constant 0 : i32
    %dma_start3A_1822 = tpu.memref_slice %arg4[%select_n3A_1804, %select_n3A_1820, %dma_start3A_1821] : memref<4x4096x1024xf32, #tpu.memory_space<hbm>> -> memref<1x16x1024xf32, #tpu.memory_space<hbm>>
    %dma_start3A_1823 = tpu.memref_squeeze %dma_start3A_1822 : memref<1x16x1024xf32, #tpu.memory_space<hbm>> -> memref<16x1024xf32, #tpu.memory_space<hbm>>
    %dma_start3A_1824 = arith.constant 0 : i32
    %dma_start3A_1825 = tpu.memref_slice %arg4[%select_n3A_1804, %select_n3A_1820, %dma_start3A_1824] : memref<4x4096x1024xf32, #tpu.memory_space<hbm>> -> memref<1x16x1024xf32, #tpu.memory_space<hbm>>
    %dma_start3A_1826 = tpu.memref_squeeze %dma_start3A_1825 : memref<1x16x1024xf32, #tpu.memory_space<hbm>> -> memref<16x1024xf32, #tpu.memory_space<hbm>>
    tpu.enqueue_dma source(%arg12 : memref<16x1024xf32, #tpu.memory_space<vmem>>) target(%dma_start3A_1826 : memref<16x1024xf32, #tpu.memory_space<hbm>>) target_semaphore(%arg26 : memref<!tpu.dma_semaphore, #tpu.memory_space<semaphore_mem>>)
    %dma_wait3A_1827 = arith.constant 448 : i32
    %dma_wait3A_1828 = tpu.memref_slice %arg5[%dma_wait3A_1827] : memref<512xi32, #tpu.memory_space<vmem>> -> memref<16xi32, #tpu.memory_space<vmem>>
    %dma_wait3A_1829 = arith.constant 0 : i32
    %dma_wait3A_1830 = arith.constant 0 : i32
    %dma_wait3A_1831 = tpu.memref_slice %arg3[%dma_wait3A_1829, %dma_wait3A_1830] : memref<100000x1024xf32, #tpu.memory_space<hbm>> -> memref<100000x1024xf32, #tpu.memory_space<hbm>>
    tpu.wait_indirect_dma semaphore(%arg13 : memref<!tpu.dma_semaphore, #tpu.memory_space<semaphore_mem>>) src(%dma_wait3A_1831 : memref<100000x1024xf32, #tpu.memory_space<hbm>>) dst(%arg6 : memref<16x1024xf32, #tpu.memory_space<vmem>>)
    %add3A_1832 = arith.constant 448 : i32
    %add3A_1833 = arith.addi %mul3A_2, %add3A_1832 : i32
    %jit3A_1834 = arith.constant 4096 : i32
    %div3A_1835 = arith.divsi %add3A_1833, %jit3A_1834 : i32
    %sign3A_1836 = arith.constant 0 : i32
    %sign3A_1837 = arith.cmpi sgt, %add3A_1833, %sign3A_1836 : i32
    %sign3A_1838 = arith.extui %sign3A_1837 : i1 to i32
    %sign3A_1839 = arith.constant 0 : i32
    %sign3A_1840 = arith.cmpi slt, %add3A_1833, %sign3A_1839 : i32
    %sign3A_1841 = arith.extui %sign3A_1840 : i1 to i32
    %sign3A_1842 = arith.subi %sign3A_1838, %sign3A_1841 : i32
    %sign3A_1843 = arith.constant 0 : i32
    %sign3A_1844 = arith.cmpi sgt, %jit3A_1834, %sign3A_1843 : i32
    %sign3A_1845 = arith.extui %sign3A_1844 : i1 to i32
    %sign3A_1846 = arith.constant 0 : i32
    %sign3A_1847 = arith.cmpi slt, %jit3A_1834, %sign3A_1846 : i32
    %sign3A_1848 = arith.extui %sign3A_1847 : i1 to i32
    %sign3A_1849 = arith.subi %sign3A_1845, %sign3A_1848 : i32
    %ne3A_1850 = arith.cmpi ne, %sign3A_1842, %sign3A_1849 : i32
    %rem3A_1851 = arith.remsi %add3A_1833, %jit3A_1834 : i32
    %ne3A_1852 = arith.constant 0 : i32
    %ne3A_1853 = arith.cmpi ne, %rem3A_1851, %ne3A_1852 : i32
    %and3A_1854 = arith.andi %ne3A_1850, %ne3A_1853 : i1
    %sub3A_1855 = arith.constant 1 : i32
    %sub3A_1856 = arith.subi %div3A_1835, %sub3A_1855 : i32
    %select_n3A_1857 = arith.select %and3A_1854, %sub3A_1856, %div3A_1835 : i32
    %jit3A_1858 = arith.constant 4096 : i32
    %eq3A_1859 = arith.constant 0 : i32
    %eq3A_1860 = arith.cmpi eq, %jit3A_1858, %eq3A_1859 : i32
    %jit3A_1861 = arith.constant 1 : i32
    %select_n3A_1862 = arith.select %eq3A_1860, %jit3A_1861, %jit3A_1858 : i32
    %rem3A_1863 = arith.remsi %add3A_1833, %select_n3A_1862 : i32
    %ne3A_1864 = arith.constant 0 : i32
    %ne3A_1865 = arith.cmpi ne, %rem3A_1863, %ne3A_1864 : i32
    %lt3A_1866 = arith.constant 0 : i32
    %lt3A_1867 = arith.cmpi slt, %rem3A_1863, %lt3A_1866 : i32
    %lt3A_1868 = arith.constant 0 : i32
    %lt3A_1869 = arith.cmpi slt, %select_n3A_1862, %lt3A_1868 : i32
    %ne3A_1870 = arith.xori %lt3A_1867, %lt3A_1869 : i1
    %and3A_1871 = arith.andi %ne3A_1870, %ne3A_1865 : i1
    %add3A_1872 = arith.addi %rem3A_1863, %select_n3A_1862 : i32
    %select_n3A_1873 = arith.select %and3A_1871, %add3A_1872, %rem3A_1863 : i32
    %dma_start3A_1874 = arith.constant 0 : i32
    %dma_start3A_1875 = tpu.memref_slice %arg4[%select_n3A_1857, %select_n3A_1873, %dma_start3A_1874] : memref<4x4096x1024xf32, #tpu.memory_space<hbm>> -> memref<1x16x1024xf32, #tpu.memory_space<hbm>>
    %dma_start3A_1876 = tpu.memref_squeeze %dma_start3A_1875 : memref<1x16x1024xf32, #tpu.memory_space<hbm>> -> memref<16x1024xf32, #tpu.memory_space<hbm>>
    %dma_start3A_1877 = arith.constant 0 : i32
    %dma_start3A_1878 = tpu.memref_slice %arg4[%select_n3A_1857, %select_n3A_1873, %dma_start3A_1877] : memref<4x4096x1024xf32, #tpu.memory_space<hbm>> -> memref<1x16x1024xf32, #tpu.memory_space<hbm>>
    %dma_start3A_1879 = tpu.memref_squeeze %dma_start3A_1878 : memref<1x16x1024xf32, #tpu.memory_space<hbm>> -> memref<16x1024xf32, #tpu.memory_space<hbm>>
    tpu.enqueue_dma source(%arg6 : memref<16x1024xf32, #tpu.memory_space<vmem>>) target(%dma_start3A_1879 : memref<16x1024xf32, #tpu.memory_space<hbm>>) target_semaphore(%arg20 : memref<!tpu.dma_semaphore, #tpu.memory_space<semaphore_mem>>)
    %dma_wait3A_1880 = arith.constant 464 : i32
    %dma_wait3A_1881 = tpu.memref_slice %arg5[%dma_wait3A_1880] : memref<512xi32, #tpu.memory_space<vmem>> -> memref<16xi32, #tpu.memory_space<vmem>>
    %dma_wait3A_1882 = arith.constant 0 : i32
    %dma_wait3A_1883 = arith.constant 0 : i32
    %dma_wait3A_1884 = tpu.memref_slice %arg3[%dma_wait3A_1882, %dma_wait3A_1883] : memref<100000x1024xf32, #tpu.memory_space<hbm>> -> memref<100000x1024xf32, #tpu.memory_space<hbm>>
    tpu.wait_indirect_dma semaphore(%arg14 : memref<!tpu.dma_semaphore, #tpu.memory_space<semaphore_mem>>) src(%dma_wait3A_1884 : memref<100000x1024xf32, #tpu.memory_space<hbm>>) dst(%arg7 : memref<16x1024xf32, #tpu.memory_space<vmem>>)
    %add3A_1885 = arith.constant 464 : i32
    %add3A_1886 = arith.addi %mul3A_2, %add3A_1885 : i32
    %jit3A_1887 = arith.constant 4096 : i32
    %div3A_1888 = arith.divsi %add3A_1886, %jit3A_1887 : i32
    %sign3A_1889 = arith.constant 0 : i32
    %sign3A_1890 = arith.cmpi sgt, %add3A_1886, %sign3A_1889 : i32
    %sign3A_1891 = arith.extui %sign3A_1890 : i1 to i32
    %sign3A_1892 = arith.constant 0 : i32
    %sign3A_1893 = arith.cmpi slt, %add3A_1886, %sign3A_1892 : i32
    %sign3A_1894 = arith.extui %sign3A_1893 : i1 to i32
    %sign3A_1895 = arith.subi %sign3A_1891, %sign3A_1894 : i32
    %sign3A_1896 = arith.constant 0 : i32
    %sign3A_1897 = arith.cmpi sgt, %jit3A_1887, %sign3A_1896 : i32
    %sign3A_1898 = arith.extui %sign3A_1897 : i1 to i32
    %sign3A_1899 = arith.constant 0 : i32
    %sign3A_1900 = arith.cmpi slt, %jit3A_1887, %sign3A_1899 : i32
    %sign3A_1901 = arith.extui %sign3A_1900 : i1 to i32
    %sign3A_1902 = arith.subi %sign3A_1898, %sign3A_1901 : i32
    %ne3A_1903 = arith.cmpi ne, %sign3A_1895, %sign3A_1902 : i32
    %rem3A_1904 = arith.remsi %add3A_1886, %jit3A_1887 : i32
    %ne3A_1905 = arith.constant 0 : i32
    %ne3A_1906 = arith.cmpi ne, %rem3A_1904, %ne3A_1905 : i32
    %and3A_1907 = arith.andi %ne3A_1903, %ne3A_1906 : i1
    %sub3A_1908 = arith.constant 1 : i32
    %sub3A_1909 = arith.subi %div3A_1888, %sub3A_1908 : i32
    %select_n3A_1910 = arith.select %and3A_1907, %sub3A_1909, %div3A_1888 : i32
    %jit3A_1911 = arith.constant 4096 : i32
    %eq3A_1912 = arith.constant 0 : i32
    %eq3A_1913 = arith.cmpi eq, %jit3A_1911, %eq3A_1912 : i32
    %jit3A_1914 = arith.constant 1 : i32
    %select_n3A_1915 = arith.select %eq3A_1913, %jit3A_1914, %jit3A_1911 : i32
    %rem3A_1916 = arith.remsi %add3A_1886, %select_n3A_1915 : i32
    %ne3A_1917 = arith.constant 0 : i32
    %ne3A_1918 = arith.cmpi ne, %rem3A_1916, %ne3A_1917 : i32
    %lt3A_1919 = arith.constant 0 : i32
    %lt3A_1920 = arith.cmpi slt, %rem3A_1916, %lt3A_1919 : i32
    %lt3A_1921 = arith.constant 0 : i32
    %lt3A_1922 = arith.cmpi slt, %select_n3A_1915, %lt3A_1921 : i32
    %ne3A_1923 = arith.xori %lt3A_1920, %lt3A_1922 : i1
    %and3A_1924 = arith.andi %ne3A_1923, %ne3A_1918 : i1
    %add3A_1925 = arith.addi %rem3A_1916, %select_n3A_1915 : i32
    %select_n3A_1926 = arith.select %and3A_1924, %add3A_1925, %rem3A_1916 : i32
    %dma_start3A_1927 = arith.constant 0 : i32
    %dma_start3A_1928 = tpu.memref_slice %arg4[%select_n3A_1910, %select_n3A_1926, %dma_start3A_1927] : memref<4x4096x1024xf32, #tpu.memory_space<hbm>> -> memref<1x16x1024xf32, #tpu.memory_space<hbm>>
    %dma_start3A_1929 = tpu.memref_squeeze %dma_start3A_1928 : memref<1x16x1024xf32, #tpu.memory_space<hbm>> -> memref<16x1024xf32, #tpu.memory_space<hbm>>
    %dma_start3A_1930 = arith.constant 0 : i32
    %dma_start3A_1931 = tpu.memref_slice %arg4[%select_n3A_1910, %select_n3A_1926, %dma_start3A_1930] : memref<4x4096x1024xf32, #tpu.memory_space<hbm>> -> memref<1x16x1024xf32, #tpu.memory_space<hbm>>
    %dma_start3A_1932 = tpu.memref_squeeze %dma_start3A_1931 : memref<1x16x1024xf32, #tpu.memory_space<hbm>> -> memref<16x1024xf32, #tpu.memory_space<hbm>>
    tpu.enqueue_dma source(%arg7 : memref<16x1024xf32, #tpu.memory_space<vmem>>) target(%dma_start3A_1932 : memref<16x1024xf32, #tpu.memory_space<hbm>>) target_semaphore(%arg21 : memref<!tpu.dma_semaphore, #tpu.memory_space<semaphore_mem>>)
    %dma_wait3A_1933 = arith.constant 480 : i32
    %dma_wait3A_1934 = tpu.memref_slice %arg5[%dma_wait3A_1933] : memref<512xi32, #tpu.memory_space<vmem>> -> memref<16xi32, #tpu.memory_space<vmem>>
    %dma_wait3A_1935 = arith.constant 0 : i32
    %dma_wait3A_1936 = arith.constant 0 : i32
    %dma_wait3A_1937 = tpu.memref_slice %arg3[%dma_wait3A_1935, %dma_wait3A_1936] : memref<100000x1024xf32, #tpu.memory_space<hbm>> -> memref<100000x1024xf32, #tpu.memory_space<hbm>>
    tpu.wait_indirect_dma semaphore(%arg15 : memref<!tpu.dma_semaphore, #tpu.memory_space<semaphore_mem>>) src(%dma_wait3A_1937 : memref<100000x1024xf32, #tpu.memory_space<hbm>>) dst(%arg8 : memref<16x1024xf32, #tpu.memory_space<vmem>>)
    %add3A_1938 = arith.constant 480 : i32
    %add3A_1939 = arith.addi %mul3A_2, %add3A_1938 : i32
    %jit3A_1940 = arith.constant 4096 : i32
    %div3A_1941 = arith.divsi %add3A_1939, %jit3A_1940 : i32
    %sign3A_1942 = arith.constant 0 : i32
    %sign3A_1943 = arith.cmpi sgt, %add3A_1939, %sign3A_1942 : i32
    %sign3A_1944 = arith.extui %sign3A_1943 : i1 to i32
    %sign3A_1945 = arith.constant 0 : i32
    %sign3A_1946 = arith.cmpi slt, %add3A_1939, %sign3A_1945 : i32
    %sign3A_1947 = arith.extui %sign3A_1946 : i1 to i32
    %sign3A_1948 = arith.subi %sign3A_1944, %sign3A_1947 : i32
    %sign3A_1949 = arith.constant 0 : i32
    %sign3A_1950 = arith.cmpi sgt, %jit3A_1940, %sign3A_1949 : i32
    %sign3A_1951 = arith.extui %sign3A_1950 : i1 to i32
    %sign3A_1952 = arith.constant 0 : i32
    %sign3A_1953 = arith.cmpi slt, %jit3A_1940, %sign3A_1952 : i32
    %sign3A_1954 = arith.extui %sign3A_1953 : i1 to i32
    %sign3A_1955 = arith.subi %sign3A_1951, %sign3A_1954 : i32
    %ne3A_1956 = arith.cmpi ne, %sign3A_1948, %sign3A_1955 : i32
    %rem3A_1957 = arith.remsi %add3A_1939, %jit3A_1940 : i32
    %ne3A_1958 = arith.constant 0 : i32
    %ne3A_1959 = arith.cmpi ne, %rem3A_1957, %ne3A_1958 : i32
    %and3A_1960 = arith.andi %ne3A_1956, %ne3A_1959 : i1
    %sub3A_1961 = arith.constant 1 : i32
    %sub3A_1962 = arith.subi %div3A_1941, %sub3A_1961 : i32
    %select_n3A_1963 = arith.select %and3A_1960, %sub3A_1962, %div3A_1941 : i32
    %jit3A_1964 = arith.constant 4096 : i32
    %eq3A_1965 = arith.constant 0 : i32
    %eq3A_1966 = arith.cmpi eq, %jit3A_1964, %eq3A_1965 : i32
    %jit3A_1967 = arith.constant 1 : i32
    %select_n3A_1968 = arith.select %eq3A_1966, %jit3A_1967, %jit3A_1964 : i32
    %rem3A_1969 = arith.remsi %add3A_1939, %select_n3A_1968 : i32
    %ne3A_1970 = arith.constant 0 : i32
    %ne3A_1971 = arith.cmpi ne, %rem3A_1969, %ne3A_1970 : i32
    %lt3A_1972 = arith.constant 0 : i32
    %lt3A_1973 = arith.cmpi slt, %rem3A_1969, %lt3A_1972 : i32
    %lt3A_1974 = arith.constant 0 : i32
    %lt3A_1975 = arith.cmpi slt, %select_n3A_1968, %lt3A_1974 : i32
    %ne3A_1976 = arith.xori %lt3A_1973, %lt3A_1975 : i1
    %and3A_1977 = arith.andi %ne3A_1976, %ne3A_1971 : i1
    %add3A_1978 = arith.addi %rem3A_1969, %select_n3A_1968 : i32
    %select_n3A_1979 = arith.select %and3A_1977, %add3A_1978, %rem3A_1969 : i32
    %dma_start3A_1980 = arith.constant 0 : i32
    %dma_start3A_1981 = tpu.memref_slice %arg4[%select_n3A_1963, %select_n3A_1979, %dma_start3A_1980] : memref<4x4096x1024xf32, #tpu.memory_space<hbm>> -> memref<1x16x1024xf32, #tpu.memory_space<hbm>>
    %dma_start3A_1982 = tpu.memref_squeeze %dma_start3A_1981 : memref<1x16x1024xf32, #tpu.memory_space<hbm>> -> memref<16x1024xf32, #tpu.memory_space<hbm>>
    %dma_start3A_1983 = arith.constant 0 : i32
    %dma_start3A_1984 = tpu.memref_slice %arg4[%select_n3A_1963, %select_n3A_1979, %dma_start3A_1983] : memref<4x4096x1024xf32, #tpu.memory_space<hbm>> -> memref<1x16x1024xf32, #tpu.memory_space<hbm>>
    %dma_start3A_1985 = tpu.memref_squeeze %dma_start3A_1984 : memref<1x16x1024xf32, #tpu.memory_space<hbm>> -> memref<16x1024xf32, #tpu.memory_space<hbm>>
    tpu.enqueue_dma source(%arg8 : memref<16x1024xf32, #tpu.memory_space<vmem>>) target(%dma_start3A_1985 : memref<16x1024xf32, #tpu.memory_space<hbm>>) target_semaphore(%arg22 : memref<!tpu.dma_semaphore, #tpu.memory_space<semaphore_mem>>)
    %dma_wait3A_1986 = arith.constant 496 : i32
    %dma_wait3A_1987 = tpu.memref_slice %arg5[%dma_wait3A_1986] : memref<512xi32, #tpu.memory_space<vmem>> -> memref<16xi32, #tpu.memory_space<vmem>>
    %dma_wait3A_1988 = arith.constant 0 : i32
    %dma_wait3A_1989 = arith.constant 0 : i32
    %dma_wait3A_1990 = tpu.memref_slice %arg3[%dma_wait3A_1988, %dma_wait3A_1989] : memref<100000x1024xf32, #tpu.memory_space<hbm>> -> memref<100000x1024xf32, #tpu.memory_space<hbm>>
    tpu.wait_indirect_dma semaphore(%arg16 : memref<!tpu.dma_semaphore, #tpu.memory_space<semaphore_mem>>) src(%dma_wait3A_1990 : memref<100000x1024xf32, #tpu.memory_space<hbm>>) dst(%arg9 : memref<16x1024xf32, #tpu.memory_space<vmem>>)
    %add3A_1991 = arith.constant 496 : i32
    %add3A_1992 = arith.addi %mul3A_2, %add3A_1991 : i32
    %jit3A_1993 = arith.constant 4096 : i32
    %div3A_1994 = arith.divsi %add3A_1992, %jit3A_1993 : i32
    %sign3A_1995 = arith.constant 0 : i32
    %sign3A_1996 = arith.cmpi sgt, %add3A_1992, %sign3A_1995 : i32
    %sign3A_1997 = arith.extui %sign3A_1996 : i1 to i32
    %sign3A_1998 = arith.constant 0 : i32
    %sign3A_1999 = arith.cmpi slt, %add3A_1992, %sign3A_1998 : i32
    %sign3A_2000 = arith.extui %sign3A_1999 : i1 to i32
    %sign3A_2001 = arith.subi %sign3A_1997, %sign3A_2000 : i32
    %sign3A_2002 = arith.constant 0 : i32
    %sign3A_2003 = arith.cmpi sgt, %jit3A_1993, %sign3A_2002 : i32
    %sign3A_2004 = arith.extui %sign3A_2003 : i1 to i32
    %sign3A_2005 = arith.constant 0 : i32
    %sign3A_2006 = arith.cmpi slt, %jit3A_1993, %sign3A_2005 : i32
    %sign3A_2007 = arith.extui %sign3A_2006 : i1 to i32
    %sign3A_2008 = arith.subi %sign3A_2004, %sign3A_2007 : i32
    %ne3A_2009 = arith.cmpi ne, %sign3A_2001, %sign3A_2008 : i32
    %rem3A_2010 = arith.remsi %add3A_1992, %jit3A_1993 : i32
    %ne3A_2011 = arith.constant 0 : i32
    %ne3A_2012 = arith.cmpi ne, %rem3A_2010, %ne3A_2011 : i32
    %and3A_2013 = arith.andi %ne3A_2009, %ne3A_2012 : i1
    %sub3A_2014 = arith.constant 1 : i32
    %sub3A_2015 = arith.subi %div3A_1994, %sub3A_2014 : i32
    %select_n3A_2016 = arith.select %and3A_2013, %sub3A_2015, %div3A_1994 : i32
    %jit3A_2017 = arith.constant 4096 : i32
    %eq3A_2018 = arith.constant 0 : i32
    %eq3A_2019 = arith.cmpi eq, %jit3A_2017, %eq3A_2018 : i32
    %jit3A_2020 = arith.constant 1 : i32
    %select_n3A_2021 = arith.select %eq3A_2019, %jit3A_2020, %jit3A_2017 : i32
    %rem3A_2022 = arith.remsi %add3A_1992, %select_n3A_2021 : i32
    %ne3A_2023 = arith.constant 0 : i32
    %ne3A_2024 = arith.cmpi ne, %rem3A_2022, %ne3A_2023 : i32
    %lt3A_2025 = arith.constant 0 : i32
    %lt3A_2026 = arith.cmpi slt, %rem3A_2022, %lt3A_2025 : i32
    %lt3A_2027 = arith.constant 0 : i32
    %lt3A_2028 = arith.cmpi slt, %select_n3A_2021, %lt3A_2027 : i32
    %ne3A_2029 = arith.xori %lt3A_2026, %lt3A_2028 : i1
    %and3A_2030 = arith.andi %ne3A_2029, %ne3A_2024 : i1
    %add3A_2031 = arith.addi %rem3A_2022, %select_n3A_2021 : i32
    %select_n3A_2032 = arith.select %and3A_2030, %add3A_2031, %rem3A_2022 : i32
    %dma_start3A_2033 = arith.constant 0 : i32
    %dma_start3A_2034 = tpu.memref_slice %arg4[%select_n3A_2016, %select_n3A_2032, %dma_start3A_2033] : memref<4x4096x1024xf32, #tpu.memory_space<hbm>> -> memref<1x16x1024xf32, #tpu.memory_space<hbm>>
    %dma_start3A_2035 = tpu.memref_squeeze %dma_start3A_2034 : memref<1x16x1024xf32, #tpu.memory_space<hbm>> -> memref<16x1024xf32, #tpu.memory_space<hbm>>
    %dma_start3A_2036 = arith.constant 0 : i32
    %dma_start3A_2037 = tpu.memref_slice %arg4[%select_n3A_2016, %select_n3A_2032, %dma_start3A_2036] : memref<4x4096x1024xf32, #tpu.memory_space<hbm>> -> memref<1x16x1024xf32, #tpu.memory_space<hbm>>
    %dma_start3A_2038 = tpu.memref_squeeze %dma_start3A_2037 : memref<1x16x1024xf32, #tpu.memory_space<hbm>> -> memref<16x1024xf32, #tpu.memory_space<hbm>>
    tpu.enqueue_dma source(%arg9 : memref<16x1024xf32, #tpu.memory_space<vmem>>) target(%dma_start3A_2038 : memref<16x1024xf32, #tpu.memory_space<hbm>>) target_semaphore(%arg23 : memref<!tpu.dma_semaphore, #tpu.memory_space<semaphore_mem>>)
    %dma_wait3A_2039 = arith.constant 0 : i32
    %dma_wait3A_2040 = tpu.memref_slice %arg4[%select_n3A_1676, %select_n3A_1692, %dma_wait3A_2039] : memref<4x4096x1024xf32, #tpu.memory_space<hbm>> -> memref<1x16x1024xf32, #tpu.memory_space<hbm>>
    %dma_wait3A_2041 = tpu.memref_squeeze %dma_wait3A_2040 : memref<1x16x1024xf32, #tpu.memory_space<hbm>> -> memref<16x1024xf32, #tpu.memory_space<hbm>>
    %dma_wait3A_2042 = arith.constant 0 : i32
    %dma_wait3A_2043 = tpu.memref_slice %arg4[%select_n3A_1676, %select_n3A_1692, %dma_wait3A_2042] : memref<4x4096x1024xf32, #tpu.memory_space<hbm>> -> memref<1x16x1024xf32, #tpu.memory_space<hbm>>
    %dma_wait3A_2044 = tpu.memref_squeeze %dma_wait3A_2043 : memref<1x16x1024xf32, #tpu.memory_space<hbm>> -> memref<16x1024xf32, #tpu.memory_space<hbm>>
    tpu.wait_dma2 semaphore(%arg24 : memref<!tpu.dma_semaphore, #tpu.memory_space<semaphore_mem>>) src(%arg10 : memref<16x1024xf32, #tpu.memory_space<vmem>>) dst(%dma_wait3A_2044 : memref<16x1024xf32, #tpu.memory_space<hbm>>)
    %dma_wait3A_2045 = arith.constant 0 : i32
    %dma_wait3A_2046 = tpu.memref_slice %arg4[%select_n3A_1740, %select_n3A_1756, %dma_wait3A_2045] : memref<4x4096x1024xf32, #tpu.memory_space<hbm>> -> memref<1x16x1024xf32, #tpu.memory_space<hbm>>
    %dma_wait3A_2047 = tpu.memref_squeeze %dma_wait3A_2046 : memref<1x16x1024xf32, #tpu.memory_space<hbm>> -> memref<16x1024xf32, #tpu.memory_space<hbm>>
    %dma_wait3A_2048 = arith.constant 0 : i32
    %dma_wait3A_2049 = tpu.memref_slice %arg4[%select_n3A_1740, %select_n3A_1756, %dma_wait3A_2048] : memref<4x4096x1024xf32, #tpu.memory_space<hbm>> -> memref<1x16x1024xf32, #tpu.memory_space<hbm>>
    %dma_wait3A_2050 = tpu.memref_squeeze %dma_wait3A_2049 : memref<1x16x1024xf32, #tpu.memory_space<hbm>> -> memref<16x1024xf32, #tpu.memory_space<hbm>>
    tpu.wait_dma2 semaphore(%arg25 : memref<!tpu.dma_semaphore, #tpu.memory_space<semaphore_mem>>) src(%arg11 : memref<16x1024xf32, #tpu.memory_space<vmem>>) dst(%dma_wait3A_2050 : memref<16x1024xf32, #tpu.memory_space<hbm>>)
    %dma_wait3A_2051 = arith.constant 0 : i32
    %dma_wait3A_2052 = tpu.memref_slice %arg4[%select_n3A_1804, %select_n3A_1820, %dma_wait3A_2051] : memref<4x4096x1024xf32, #tpu.memory_space<hbm>> -> memref<1x16x1024xf32, #tpu.memory_space<hbm>>
    %dma_wait3A_2053 = tpu.memref_squeeze %dma_wait3A_2052 : memref<1x16x1024xf32, #tpu.memory_space<hbm>> -> memref<16x1024xf32, #tpu.memory_space<hbm>>
    %dma_wait3A_2054 = arith.constant 0 : i32
    %dma_wait3A_2055 = tpu.memref_slice %arg4[%select_n3A_1804, %select_n3A_1820, %dma_wait3A_2054] : memref<4x4096x1024xf32, #tpu.memory_space<hbm>> -> memref<1x16x1024xf32, #tpu.memory_space<hbm>>
    %dma_wait3A_2056 = tpu.memref_squeeze %dma_wait3A_2055 : memref<1x16x1024xf32, #tpu.memory_space<hbm>> -> memref<16x1024xf32, #tpu.memory_space<hbm>>
    tpu.wait_dma2 semaphore(%arg26 : memref<!tpu.dma_semaphore, #tpu.memory_space<semaphore_mem>>) src(%arg12 : memref<16x1024xf32, #tpu.memory_space<vmem>>) dst(%dma_wait3A_2056 : memref<16x1024xf32, #tpu.memory_space<hbm>>)
    %dma_wait3A_2057 = arith.constant 0 : i32
    %dma_wait3A_2058 = tpu.memref_slice %arg4[%select_n3A_1857, %select_n3A_1873, %dma_wait3A_2057] : memref<4x4096x1024xf32, #tpu.memory_space<hbm>> -> memref<1x16x1024xf32, #tpu.memory_space<hbm>>
    %dma_wait3A_2059 = tpu.memref_squeeze %dma_wait3A_2058 : memref<1x16x1024xf32, #tpu.memory_space<hbm>> -> memref<16x1024xf32, #tpu.memory_space<hbm>>
    %dma_wait3A_2060 = arith.constant 0 : i32
    %dma_wait3A_2061 = tpu.memref_slice %arg4[%select_n3A_1857, %select_n3A_1873, %dma_wait3A_2060] : memref<4x4096x1024xf32, #tpu.memory_space<hbm>> -> memref<1x16x1024xf32, #tpu.memory_space<hbm>>
    %dma_wait3A_2062 = tpu.memref_squeeze %dma_wait3A_2061 : memref<1x16x1024xf32, #tpu.memory_space<hbm>> -> memref<16x1024xf32, #tpu.memory_space<hbm>>
    tpu.wait_dma2 semaphore(%arg20 : memref<!tpu.dma_semaphore, #tpu.memory_space<semaphore_mem>>) src(%arg6 : memref<16x1024xf32, #tpu.memory_space<vmem>>) dst(%dma_wait3A_2062 : memref<16x1024xf32, #tpu.memory_space<hbm>>)
    %dma_wait3A_2063 = arith.constant 0 : i32
    %dma_wait3A_2064 = tpu.memref_slice %arg4[%select_n3A_1910, %select_n3A_1926, %dma_wait3A_2063] : memref<4x4096x1024xf32, #tpu.memory_space<hbm>> -> memref<1x16x1024xf32, #tpu.memory_space<hbm>>
    %dma_wait3A_2065 = tpu.memref_squeeze %dma_wait3A_2064 : memref<1x16x1024xf32, #tpu.memory_space<hbm>> -> memref<16x1024xf32, #tpu.memory_space<hbm>>
    %dma_wait3A_2066 = arith.constant 0 : i32
    %dma_wait3A_2067 = tpu.memref_slice %arg4[%select_n3A_1910, %select_n3A_1926, %dma_wait3A_2066] : memref<4x4096x1024xf32, #tpu.memory_space<hbm>> -> memref<1x16x1024xf32, #tpu.memory_space<hbm>>
    %dma_wait3A_2068 = tpu.memref_squeeze %dma_wait3A_2067 : memref<1x16x1024xf32, #tpu.memory_space<hbm>> -> memref<16x1024xf32, #tpu.memory_space<hbm>>
    tpu.wait_dma2 semaphore(%arg21 : memref<!tpu.dma_semaphore, #tpu.memory_space<semaphore_mem>>) src(%arg7 : memref<16x1024xf32, #tpu.memory_space<vmem>>) dst(%dma_wait3A_2068 : memref<16x1024xf32, #tpu.memory_space<hbm>>)
    %dma_wait3A_2069 = arith.constant 0 : i32
    %dma_wait3A_2070 = tpu.memref_slice %arg4[%select_n3A_1963, %select_n3A_1979, %dma_wait3A_2069] : memref<4x4096x1024xf32, #tpu.memory_space<hbm>> -> memref<1x16x1024xf32, #tpu.memory_space<hbm>>
    %dma_wait3A_2071 = tpu.memref_squeeze %dma_wait3A_2070 : memref<1x16x1024xf32, #tpu.memory_space<hbm>> -> memref<16x1024xf32, #tpu.memory_space<hbm>>
    %dma_wait3A_2072 = arith.constant 0 : i32
    %dma_wait3A_2073 = tpu.memref_slice %arg4[%select_n3A_1963, %select_n3A_1979, %dma_wait3A_2072] : memref<4x4096x1024xf32, #tpu.memory_space<hbm>> -> memref<1x16x1024xf32, #tpu.memory_space<hbm>>
    %dma_wait3A_2074 = tpu.memref_squeeze %dma_wait3A_2073 : memref<1x16x1024xf32, #tpu.memory_space<hbm>> -> memref<16x1024xf32, #tpu.memory_space<hbm>>
    tpu.wait_dma2 semaphore(%arg22 : memref<!tpu.dma_semaphore, #tpu.memory_space<semaphore_mem>>) src(%arg8 : memref<16x1024xf32, #tpu.memory_space<vmem>>) dst(%dma_wait3A_2074 : memref<16x1024xf32, #tpu.memory_space<hbm>>)
    %dma_wait3A_2075 = arith.constant 0 : i32
    %dma_wait3A_2076 = tpu.memref_slice %arg4[%select_n3A_2016, %select_n3A_2032, %dma_wait3A_2075] : memref<4x4096x1024xf32, #tpu.memory_space<hbm>> -> memref<1x16x1024xf32, #tpu.memory_space<hbm>>
    %dma_wait3A_2077 = tpu.memref_squeeze %dma_wait3A_2076 : memref<1x16x1024xf32, #tpu.memory_space<hbm>> -> memref<16x1024xf32, #tpu.memory_space<hbm>>
    %dma_wait3A_2078 = arith.constant 0 : i32
    %dma_wait3A_2079 = tpu.memref_slice %arg4[%select_n3A_2016, %select_n3A_2032, %dma_wait3A_2078] : memref<4x4096x1024xf32, #tpu.memory_space<hbm>> -> memref<1x16x1024xf32, #tpu.memory_space<hbm>>
    %dma_wait3A_2080 = tpu.memref_squeeze %dma_wait3A_2079 : memref<1x16x1024xf32, #tpu.memory_space<hbm>> -> memref<16x1024xf32, #tpu.memory_space<hbm>>
    tpu.wait_dma2 semaphore(%arg23 : memref<!tpu.dma_semaphore, #tpu.memory_space<semaphore_mem>>) src(%arg9 : memref<16x1024xf32, #tpu.memory_space<vmem>>) dst(%dma_wait3A_2080 : memref<16x1024xf32, #tpu.memory_space<hbm>>)
    return
  }
}

</mosaic_0001>

<sc_bundles>
// kernel: kernel.3.cloned.1.call-start
scs
__scs_entry_jumppad:
0x0: {  	(pc) =	sbr.rel $0x88, $3  }
0x1: {  	(tag) =	ssettag $0x0;
	lr =	simm.s32 $0x1  }
0x2: {  	[smem:$0x3F9F] =	sst lr;
	_ =	strace $0xD0000000  }
0x3: {  	_ = 	snop  }
0x4: {  	_ = 	snop  }
0x5: {  	_ = 	snop  }
0x6: {  	_ = 	snop  }
0x7: {  	_ = 	snop  }
__scs_overlays_trampoline_lowered:
0x8: {  	[smem:$0x3FAE] =	sst s0  }
0x9: {  	[smem:$0x3FAF] =	sst s1  }
0xa: {  	[smem:$0x3FB0] =	sst s2  }
0xb: {  	[smem:$0x3FB1] =	sst s3  }
0xc: {  	[smem:$0x3FB2] =	sst s4  }
0xd: {  	[smem:$0x3FB3] =	sst s5  }
0xe: {  	[smem:$0x3FB4] =	sst s6  }
0xf: {  	[smem:$0x3FB5] =	sst s7  }
0x10: {  	[smem:$0x3FB6] =	sst s8  }
0x11: {  	[smem:$0x3FB7] =	sst s9;
	s0 =	simm.s32 @!p0 $0x0  }
0x12: {  	s1 =	sld [smem:$0x3F9D];
	s0 =	simm.s32 @p0 $0x1  }
0x13: {  	[smem:$0x3FB8] =	sst s0;
	s0 =	simm.s32 @!p1 $0x0  }
0x14: {  	s2 =	sld [smem:$0x3F9C];
	s0 =	simm.s32 @p1 $0x1  }
0x15: {  	[smem:$0x3FB9] =	sst s0;
	s0 =	simm.s32 @!p2 $0x0  }
0x16: {  	s3 =	sld [smem:$0x3FDB];
	s0 =	simm.s32 @p2 $0x1  }
0x17: {  	s4 =	simm.s32 $0x1BF5;
	[smem:$0x3FBB] =	sst s0  }
0x18: {  	s0 =	sld [smem:$0x3F9E];
	_ =	swait.ge [sflag:s4], $0x0  }
0x19: {  	s7 =	sld [smem:$0x3F9F]  }
0x1a: {  	s8 =	sadd.s32 $0xFFFFE003, lr  }
0x1b: {  	s9 =	sadd.s32 $0xFFFFFEF7, lr;
	s5 =	simm.s32 $0xFFFFFFFF;
	p2 =	slt.u32 s8, $0xFFFFF086  }
0x1c: {  	p1 =	slt.u32 s9, $0xF7A;
	s5 =	simm.s32 @!p2 $0x0  }
0x1d: {  	s5 =	simm.s32 @p1 $0x1;
	p0 =	seq.s32 s7, s2  }
0x1e: {  	s7 =	smul.u32 @!p0 $0xF7A, s2;
	p2 =	seq.s32 @!p0 s5, $0x0  }
0x1f: {  	s9 =	smul.u32 $0xF7A, s1;
	s8 =	simm.s32 @!p0 $0x1BF5;
	p2 =	por !p2, p0  }
0x20: {  	[sflag:s8] =	ssyncset.s32 @!p0 $0xFFFFF086;
	s6 =	sadd.s32 @!p0 s3, s7;
	s7 =	simm.s32 @!p0 $0x108  }
0x21: {  	s3 =	sadd.s32 s3, s9;
	s6 =	sadd.s32 @!p0 $0x88, s6;
	s7 =	simm.s32 @p2 $0x1082  }
0x22: {  	[simem:s7], [sflag:s8] =	dma.local @!p0 [hbm:s6], $0xF7A  }
0x23: {  	s9 =	sor.u32 $0xD0000000, s2;
	s6 =	simm.s32 $0x108;
	_ =	swait.ge @!p0 [sflag:s8], $0x0  }
0x24: {  	s3 =	sadd.s32 $0x88, s3;
	s6 =	simm.s32 @!p1 $0x1082;
	[sflag:s4] =	ssyncset.s32 $0xFFFFF086  }
0x25: {  	[simem:s6], [sflag:s4] =	dma.local [hbm:s3], $0xF7A  }
0x26: {  	[smem:$0x3F9F] =	sst s1;
	(tag) =	ssettag s2;
	_ =	strace s9  }
0x27: {  	s1 =	sld [smem:$0x3FAF]  }
0x28: {  	s2 =	sld [smem:$0x3FB0]  }
0x29: {  	s4 =	sld [smem:$0x3FB2]  }
0x2a: {  	p0 =	seq.s32 s5, $0x0;
	s5 =	sld [smem:$0x3FB3]  }
0x2b: {  	s6 =	sld [smem:$0x3FB4]  }
0x2c: {  	s7 =	sld [smem:$0x3FB5]  }
0x2d: {  	s3 =	simm.s32 $0x108;
	s8 =	sld [smem:$0x3FB6]  }
0x2e: {  	s3 =	simm.s32 @!p0 $0x1082;
	s9 =	sld [smem:$0x3FB7]  }
0x2f: {  	lr =	sadd.s32 s0, s3;
	s0 =	sld [smem:$0x3FAE]  }
0x30: {  	s3 =	sld [smem:$0x3FB1]  }
0x31: {  	[smem:$0x3FBA] =	sst s10  }
0x32: {  	s10 =	sld [smem:$0x3FB8];
	_ =	sdelay $0x3  }
0x33: {  	p0 =	seq.s32 s10, $0x1;
	s10 =	sld [smem:$0x3FBA];
	_ =	sdelay $0x3  }
0x34: {  	[smem:$0x3FBA] =	sst s10  }
0x35: {  	s10 =	sld [smem:$0x3FB9];
	_ =	sdelay $0x3  }
0x36: {  	p1 =	seq.s32 s10, $0x1;
	s10 =	sld [smem:$0x3FBA];
	_ =	sdelay $0x3  }
0x37: {  	[smem:$0x3FBA] =	sst s10  }
0x38: {  	s10 =	sld [smem:$0x3FBB]  }
0x39: {  	_ = 	snop;
	(pc) =	sbr.ind lr, $3  }
0x3a: {  	_ = 	snop  }
0x3b: {  	_ = 	snop  }
0x3c: {  	p2 =	seq.s32 s10, $0x1;
	s10 =	sld [smem:$0x3FBA]  }
0x3d: {  	_ =	shalt  }
0x3e: {  	_ =	shalt  }
0x3f: {  	_ =	shalt  }
0x40: {  	_ =	shalt  }
0x41: {  	_ =	shalt  }
0x42: {  	_ =	shalt  }
0x43: {  	_ =	shalt  }
0x44: {  	_ =	shalt  }
0x45: {  	_ =	shalt  }
0x46: {  	_ =	shalt  }
0x47: {  	_ =	shalt  }
0x48: {  	_ =	shalt  }
0x49: {  	_ =	shalt  }
0x4a: {  	_ =	shalt  }
0x4b: {  	_ =	shalt  }
0x4c: {  	_ =	shalt  }
0x4d: {  	_ =	shalt  }
0x4e: {  	_ =	shalt  }
0x4f: {  	_ =	shalt  }
0x50: {  	_ =	shalt  }
0x51: {  	_ =	shalt  }
0x52: {  	_ =	shalt  }
0x53: {  	_ =	shalt  }
0x54: {  	_ =	shalt  }
0x55: {  	_ =	shalt  }
0x56: {  	_ =	shalt  }
0x57: {  	_ =	shalt  }
0x58: {  	_ =	shalt  }
0x59: {  	_ =	shalt  }
0x5a: {  	_ =	shalt  }
0x5b: {  	_ =	shalt  }
0x5c: {  	_ =	shalt  }
0x5d: {  	_ =	shalt  }
0x5e: {  	_ =	shalt  }
0x5f: {  	_ =	shalt  }
0x60: {  	_ =	shalt  }
0x61: {  	_ =	shalt  }
0x62: {  	_ =	shalt  }
0x63: {  	_ =	shalt  }
0x64: {  	_ =	shalt  }
0x65: {  	_ =	shalt  }
0x66: {  	_ =	shalt  }
0x67: {  	_ =	shalt  }
0x68: {  	_ =	shalt  }
0x69: {  	_ =	shalt  }
0x6a: {  	_ =	shalt  }
0x6b: {  	_ =	shalt  }
0x6c: {  	_ =	shalt  }
0x6d: {  	_ =	shalt  }
0x6e: {  	_ =	shalt  }
0x6f: {  	_ =	shalt  }
0x70: {  	_ =	shalt  }
0x71: {  	_ =	shalt  }
0x72: {  	_ =	shalt  }
0x73: {  	_ =	shalt  }
0x74: {  	_ =	shalt  }
0x75: {  	_ =	shalt  }
0x76: {  	_ =	shalt  }
0x77: {  	_ =	shalt  }
0x78: {  	_ =	shalt  }
0x79: {  	_ =	shalt  }
0x7a: {  	_ =	shalt  }
0x7b: {  	_ =	shalt  }
0x7c: {  	_ =	shalt  }
0x7d: {  	_ =	shalt  }
0x7e: {  	_ =	shalt  }
0x7f: {  	_ =	shalt  }
0x80: {  	_ =	shalt  }
0x81: {  	_ =	shalt  }
0x82: {  	_ =	shalt  }
0x83: {  	_ =	shalt  }
0x84: {  	_ =	shalt  }
0x85: {  	_ =	shalt  }
0x86: {  	_ =	shalt  }
0x87: {  	_ =	shalt  }
.Lfunc_end0:
.L_simem_size_0:
called_computation_lowered:
.L_overlay_start_0:
0x88: {  	s2 =	sld [smem:$0x3FD9]  }
0x89: {  	s3 =	sld [smem:$0x3FFE];
	_ =	sdelay $0x1  }
0x8a: {  	s1 =	srdreg.scid  }
0x8b: {  	s0 =	sand.u32 $0x1, s1  }
0x8c: {  	s18 =	sshll.u32 s0, $0xA;
	s2 =	sadd.s32 s3, s2  }
0x8d: {  	s2 =	sadd.s32 s2, s18  }
0x8e: {  	[smem:$0x3FC6] =	sst s2  }
0x8f: {  	_ = 	snop  }
0x90: {  	s2 =	sld [smem:$0x3FC9]  }
0x91: {  	s19 =	sld [smem:$0x3FC8]  }
0x92: {  	s4 =	sld [smem:$0x3FD0];
	(tm) =	ssettm $0x1  }
0x93: {  	s5 =	sld [smem:$0x3FFB];
	_ =	sdelay $0x3  }
0x94: {  	_ =	strace s5  }
0x95: {  	s5 =	sld [smem:$0x3FFC];
	_ =	sdelay $0x3  }
0x96: {  	_ =	strace s5  }
0x97: {  	s5 =	sld [smem:$0x3FFD];
	_ =	sdelay $0x3  }
0x98: {  	_ =	strace s5  }
0x99: {  	_ =	strace $0x8FFFFFFF  }
0x9a: {  	s20 =	sld [smem:$0x3FDB];
	_ =	sdelay $0x1  }
0x9b: {  	s6 =	simm.s32 $_scs_section_size  }
0x9c: {  	s7 =	simm.s32 $_size__tile_overlayer_lowered;
	s8 =	simm.s32 $_tile_overlayer_lowered  }
0x9d: {  	s23 =	simm.s32 $0x1BFF;
	s22 =	sshll.u32 s8, $0x1;
	s5 =	sadd.s32 s6, s20  }
0x9e: {  	s9 =	simm.s32 $0x0;
	s21 =	sshll.u32 s7, $0x1;
	s7 =	sadd.s32 s22, s5  }
0x9f: {  	[timem:s9], [sflag:s23] =	dma.local [hbm:s7], s21  }
0xa0: {  	_ =	swait.ge [sflag:s23], s21  }
0xa1: {  	s6 =	ssub.s32 $0x0, s21;
	[sflag:s23] =	ssyncset.done $0x0  }
0xa2: {  	[sflag:s23] =	ssyncadd.s32 s6;
	_ =	sdelay $0x1  }
0xa3: {  	s24 =	simm.s32 $0x1B8B  }
0xa4: {  	_ =	swait.ge [sflag:s24], $0x1  }
0xa5: {  	[sflag:s24] =	ssyncset.done $0x0  }
0xa6: {  	s25 =	simm.s32 $0x1B8E;
	[sflag:s24] =	ssyncadd.s32 $0xFFFFFFFF  }
0xa7: {  	s26 =	simm.s32 $execute0_lowered;
	[smem:$0x3FD2] =	sst s25  }
0xa8: {  	s6 =	sshll.u32 s26, $0x1;
	_ =	strace $0x80000046;
	[dreg:$0x1] =	wrdreg $0xFFFFFFFF  }
0xa9: {  	s28 =	simm.s32 $_size_execute0_lowered;
	s5 =	sadd.s32 s5, s6;
	[dreg:$0x0] =	wrdreg $0x0  }
0xaa: {  	s6 =	sshll.u32 s28, $0x1;
	[dreg:$0x2] =	wrdreg s5  }
0xab: {  	[dreg:$0x3] =	wrdreg s6  }
0xac: {  	[dreg:$0x4] =	wrdreg $0xC0  }
0xad: {  	_ =	task [dreg:s9], $0x5FFFF  }
0xae: {  	[dreg:$0x1] =	wrdreg $0xFFFFFFFF  }
0xaf: {  	[dreg:$0x0] =	wrdreg $0x60  }
0xb0: {  	[dreg:$0x2] =	wrdreg s2  }
0xb1: {  	[dreg:$0x3] =	wrdreg s19  }
0xb2: {  	[dreg:$0x4] =	wrdreg s4  }
0xb3: {  	[dreg:$0x5] =	wrdreg $0x9  }
0xb4: {  	_ =	task.clear_ibuf [dreg:s9], $0x6FFFF;
	_ =	strace $0x90000046  }
0xb5: {  	s29 =	simm.s32 $0x9;
	_ =	strace $0x80000048  }
0xb6: {  	_ =	swait.ge [sflag:s29], $0x1  }
0xb7: {  	[sflag:s29] =	ssyncadd.s32 $0xFFFFFFFF  }
0xb8: {  	_ =	strace $0x90000048  }
0xb9: {  	_ =	sfence  }
0xba: {  	s30 =	sld [smem:$0x0];
	_ =	sdelay $0x2  }
0xbb: {  	s31 =	sshll.u32 s1, $0xD;
	s1 =	sshrl.u32 s1, $0x2  }
0xbc: {  	s3 =	sand.u32 $0x4000, s31;
	s1 =	sadd.s32 s1, s30  }
0xbd: {  	s0 =	sor.u32 s3, s0;
	s1 =	sshll.u32 s1, $0x11  }
0xbe: {  	s0 =	sor.u32 s1, s0  }
0xbf: {  	s0 =	sadd.s32 $0x8F2B, s0  }
0xc0: {  	[sflag:s0] =	ssyncadd.remote.s32 $0x1  }
0xc1: {  	_ =	sfence.sel $0xFFFF  }
0xc2: {  	[dreg:$0x0] =	wrdreg $0xFFFFFFFF;
	(pc) =	sbr.abs _section_cstart, $3  }
0xc3: {  	[dreg:$0x1] =	wrdreg $0xFFFFFFFF  }
0xc4: {  	_ =	task.clear_ibuf [dreg:s9], $0x2FFFF;
	_ =	strace $0x9FFFFFFF  }
0xc5: {  	(tm) =	ssettm $0x7FFFFFFF  }
tec
execute0_lowered:
.L_overlay_start_1:
0x0: {  	(tag) =	ssettag $0x1  }
0x1: {  	s1 =	rddreg [dreg:$0x0]  }
0x2: {  	s2 =	rddreg [dreg:$0x1]  }
0x3: {  	s4 =	rddreg [dreg:$0x2]  }
0x4: {  	s0 =	srdreg.scid;
	s6 =	stileid.u32  }
0x5: {  	s3 =	simm.s32 $0x0;
	s0 =	sand.u32 $0x1, s0;
	s5 =	sshll.u32 s6, $0x1  }
0x6: {  	s6 =	sshll.u32 s6, $0x2;
	[smem:$0x7FF] =	sst s3;
	s5 =	sor.u32 s0, s5  }
0x7: {  	s6 =	sand.u32 $0x30, s6;
	s7 =	sshll.u32 s5, $0x8;
	s5 =	sshll.u32 s5, $0x10  }
0x8: {  	s1 =	sadd.s32 s1, s6;
	s7 =	sand.u32 $0x700, s7;
	s8 =	sadd.s32 s4, s5  }
0x9: {  	_ =	strace $0x80000047;
	s1 =	sadd.s32 s7, s1;
	[smem:$0x7FB] =	sst s8  }
0xa: {  	s16 =	sadd.s32 $0x800, s8;
	[dreg:$0x4] =	wrdreg s1  }
0xb: {  	s17 =	sadd.s32 $0x1000, s8;
	[dreg:$0x5] =	wrdreg s16  }
0xc: {  	s18 =	sadd.s32 $0x1800, s8;
	[dreg:$0x6] =	wrdreg s17  }
0xd: {  	s19 =	sadd.s32 $0x2000, s8;
	[dreg:$0x7] =	wrdreg s18  }
0xe: {  	s20 =	sadd.s32 $0x2800, s8;
	[dreg:$0x8] =	wrdreg s19  }
0xf: {  	s21 =	sadd.s32 $0x3000, s8;
	[dreg:$0x9] =	wrdreg s20  }
0x10: {  	s22 =	sadd.s32 $0x3800, s8;
	[dreg:$0xa] =	wrdreg s21  }
0x11: {  	s23 =	sadd.s32 $0x4000, s8;
	[dreg:$0xb] =	wrdreg s22  }
0x12: {  	s24 =	sadd.s32 $0x4800, s8;
	[dreg:$0xc] =	wrdreg s23  }
0x13: {  	s25 =	sadd.s32 $0x5000, s8;
	[dreg:$0xd] =	wrdreg s24  }
0x14: {  	s26 =	sadd.s32 $0x5800, s8;
	[dreg:$0xe] =	wrdreg s25  }
0x15: {  	s4 =	sadd.s32 $0x6000, s8;
	[dreg:$0xf] =	wrdreg s26  }
0x16: {  	s5 =	sadd.s32 $0x6800, s8;
	[dreg:$0x10] =	wrdreg s4  }
0x17: {  	s6 =	sadd.s32 $0x7000, s8;
	[dreg:$0x11] =	wrdreg s5  }
0x18: {  	s7 =	sadd.s32 $0x7800, s8;
	[dreg:$0x12] =	wrdreg s6  }
0x19: {  	s9 =	sadd.s32 $0x8000, s8;
	[dreg:$0x13] =	wrdreg s7  }
0x1a: {  	s10 =	sadd.s32 $0x8800, s8;
	[dreg:$0x14] =	wrdreg s9  }
0x1b: {  	s11 =	sadd.s32 $0x9000, s8;
	[dreg:$0x15] =	wrdreg s10  }
0x1c: {  	s12 =	sadd.s32 $0x9800, s8;
	[dreg:$0x16] =	wrdreg s11  }
0x1d: {  	s13 =	sadd.s32 $0xA000, s8;
	[dreg:$0x17] =	wrdreg s12  }
0x1e: {  	s14 =	sadd.s32 $0xA800, s8;
	[dreg:$0x18] =	wrdreg s13  }
0x1f: {  	s28 =	simm.s32 $0x4;
	s15 =	sadd.s32 $0xB000, s8;
	[dreg:$0x19] =	wrdreg s14  }
0x20: {  	s29 =	simm.s32 $0x9;
	[dreg:$0x1a] =	wrdreg s15;
	s16 =	sadd.s32 $0xB800, s8  }
0x21: {  	s31 =	simm.s32 $0xA;
	s17 =	sadd.s32 $0xC000, s8;
	[dreg:$0x1b] =	wrdreg s16  }
0x22: {  	s30 =	simm.s32 $0x200;
	s18 =	sadd.s32 $0xC800, s8;
	[dreg:$0x1c] =	wrdreg s17  }
0x23: {  	s0 =	ssub.s32 $0x2, s0;
	s19 =	sadd.s32 $0xD000, s8;
	[dreg:$0x1d] =	wrdreg s18  }
0x24: {  	s20 =	sshrl.u32 s0, $0x1;
	s21 =	sadd.s32 $0xD800, s8;
	[dreg:$0x1e] =	wrdreg s19  }
0x25: {  	s22 =	sadd.s32 $0xE000, s8;
	s5 =	sadd.s32 $0x100, s2;
	[dreg:$0x1f] =	wrdreg s21  }
0x26: {  	s23 =	sadd.s32 $0xE800, s8;
	s6 =	sadd.s32 $0x200, s2;
	[smem:$0x7F8] =	sst s22  }
0x27: {  	s24 =	sadd.s32 $0xF000, s8;
	s7 =	sadd.s32 $0x300, s2;
	[smem:$0x7F9] =	sst s23  }
0x28: {  	s25 =	sadd.s32 $0xF800, s8;
	s26 =	simm.s32 $0x80;
	[smem:$0x7FA] =	sst s24  }
0x29: {  	v2 =	vlaneseq.u32;
	s1 =	simm.s32 $0xB;
	s0 =	ssub.s32 s0, s20;
	[smem:$0x7FC] =	sst s25  }
0x2a: {  	vm0 =	vmmov $0xffff;
	v1 =	vshrl.u32 v2, $0x3;
	[smem:$0x7FD] =	sst s26;
	s20 =	simm.s32 $0x1;
	s22 =	simm.s32 $0x2  }
0x2b: {  	v0 =	vand.u32 $0x7, v2;
	v2 =	vor.u32 $0x8, v2;
	v1 =	vmul.u32 $0x8, v1;
	s24 =	simm.s32 $0x3;
	s25 =	simm.s32 $0x8;
	s18 =	smax.u32 s0, $0x1  }
.LBB2_1:
0x2c: {  	s15 =	sld [smem:$0x7FD];
	_ =	sdelay $0x1  }
0x2d: {  	s14 =	rddreg [dreg:$0x4];
	s17 =	simm.s32 $0xF  }
0x2e: {  	[tilespmem:s3], [sflag:$0xF] =	stream.strided.gather [hbm4b:s14+s15], $0x200, s30, s15, $0x38;
	[tilespmem:$0x1C200] =	vst v63  }
0x2f: {  	_ =	swait.ge [sflag:s17], $0x200  }
0x30: {  	[sflag:s17] =	ssyncset.done $0x0  }
0x31: {  	[sflag:s17] =	ssyncadd.s32 $0xFFFFFE00  }
0x32: {  	v3 =	vld [tilespmem:$0x0];
	_ =	sdelay $0x4  }
0x33: {  	v4 =	vshll.u32 v3, $0x3  }
0x34: {  	v3 =	vand.u32 $0x7, v3;
	v4 =	vand.u32 $0xFFFFFFC0, v4  }
0x35: {  	v3 =	vor.u32 v3, v4  }
0x36: {  	v4 =	vperm.xlane v3, v0;
	_ =	sdelay $0x1  }
0x37: {  	v4 =	vadd.s32 v1, v4;
	_ =	sdelay $0x4  }
0x38: {  	[tilespmem:s30], [sflag:$0x1] =	stream.indirect_vreg.gather [hbm4b:s2+s3], $0x80, v4, vm0, $0xb8;
	[tilespmem:$0x1C200] =	vst v63  }
0x39: {  	s4 =	simm.s32 $0xA00;
	v3 =	vperm.xlane v3, v2  }
0x3a: {  	[tilespmem:s4], [sflag:$0x1] =	stream.indirect_vreg.gather [hbm4b:s5+s3], $0x80, v4, vm0, $0xb8;
	[tilespmem:$0x1C200] =	vst v63  }
0x3b: {  	s19 =	simm.s32 $0x1200;
	v3 =	vadd.s32 v1, v3  }
0x3c: {  	[tilespmem:s19], [sflag:$0x1] =	stream.indirect_vreg.gather [hbm4b:s6+s3], $0x80, v4, vm0, $0xb8;
	[tilespmem:$0x1C200] =	vst v63  }
0x3d: {  	s21 =	simm.s32 $0x1A00  }
0x3e: {  	[tilespmem:s21], [sflag:$0x1] =	stream.indirect_vreg.gather [hbm4b:s7+s3], $0x80, v4, vm0, $0xb8;
	[tilespmem:$0x1C200] =	vst v63  }
0x3f: {  	s23 =	simm.s32 $0x2200  }
0x40: {  	[tilespmem:s23], [sflag:$0x1] =	stream.indirect_vreg.gather [hbm4b:s2+s3], $0x80, v3, vm0, $0xb8;
	[tilespmem:$0x1C200] =	vst v63  }
0x41: {  	s26 =	simm.s32 $0x2A00  }
0x42: {  	[tilespmem:s26], [sflag:$0x1] =	stream.indirect_vreg.gather [hbm4b:s5+s3], $0x80, v3, vm0, $0xb8;
	[tilespmem:$0x1C200] =	vst v63  }
0x43: {  	s0 =	simm.s32 $0x3200  }
0x44: {  	[tilespmem:s0], [sflag:$0x1] =	stream.indirect_vreg.gather [hbm4b:s6+s3], $0x80, v3, vm0, $0xb8;
	[tilespmem:$0x1C200] =	vst v63  }
0x45: {  	s8 =	simm.s32 $0x3A00  }
0x46: {  	[tilespmem:s8], [sflag:$0x1] =	stream.indirect_vreg.gather [hbm4b:s7+s3], $0x80, v3, vm0, $0xb8;
	[tilespmem:$0x1C200] =	vst v63  }
0x47: {  	v3 =	vld [tilespmem:$0x10];
	_ =	sdelay $0x4  }
0x48: {  	v33 =	vshll.u32 v3, $0x3  }
0x49: {  	v3 =	vand.u32 $0x7, v3;
	v4 =	vand.u32 $0xFFFFFFC0, v33  }
0x4a: {  	v3 =	vor.u32 v3, v4  }
0x4b: {  	v4 =	vperm.xlane v3, v0;
	_ =	sdelay $0x1  }
0x4c: {  	v4 =	vadd.s32 v1, v4;
	_ =	sdelay $0x3  }
0x4d: {  	s0 =	simm.s32 $0x4200  }
0x4e: {  	[tilespmem:s0], [sflag:$0x2] =	stream.indirect_vreg.gather [hbm4b:s2+s3], $0x80, v4, vm0, $0xb8;
	[tilespmem:$0x1C200] =	vst v63  }
0x4f: {  	s11 =	simm.s32 $0x4A00;
	v3 =	vperm.xlane v3, v2  }
0x50: {  	[tilespmem:s11], [sflag:$0x2] =	stream.indirect_vreg.gather [hbm4b:s5+s3], $0x80, v4, vm0, $0xb8;
	[tilespmem:$0x1C200] =	vst v63  }
0x51: {  	s13 =	simm.s32 $0x5200;
	v3 =	vadd.s32 v1, v3  }
0x52: {  	[tilespmem:s13], [sflag:$0x2] =	stream.indirect_vreg.gather [hbm4b:s6+s3], $0x80, v4, vm0, $0xb8;
	[tilespmem:$0x1C200] =	vst v63  }
0x53: {  	s14 =	simm.s32 $0x5A00  }
0x54: {  	[tilespmem:s14], [sflag:$0x2] =	stream.indirect_vreg.gather [hbm4b:s7+s3], $0x80, v4, vm0, $0xb8;
	[tilespmem:$0x1C200] =	vst v63  }
0x55: {  	s15 =	simm.s32 $0x6200  }
0x56: {  	[tilespmem:s15], [sflag:$0x2] =	stream.indirect_vreg.gather [hbm4b:s2+s3], $0x80, v3, vm0, $0xb8;
	[tilespmem:$0x1C200] =	vst v63  }
0x57: {  	s21 =	simm.s32 $0x6A00  }
0x58: {  	[tilespmem:s21], [sflag:$0x2] =	stream.indirect_vreg.gather [hbm4b:s5+s3], $0x80, v3, vm0, $0xb8;
	[tilespmem:$0x1C200] =	vst v63  }
0x59: {  	s26 =	simm.s32 $0x7200  }
0x5a: {  	[tilespmem:s26], [sflag:$0x2] =	stream.indirect_vreg.gather [hbm4b:s6+s3], $0x80, v3, vm0, $0xb8;
	[tilespmem:$0x1C200] =	vst v63  }
0x5b: {  	s0 =	simm.s32 $0x7A00  }
0x5c: {  	[tilespmem:s0], [sflag:$0x2] =	stream.indirect_vreg.gather [hbm4b:s7+s3], $0x80, v3, vm0, $0xb8;
	[tilespmem:$0x1C200] =	vst v63  }
0x5d: {  	v3 =	vld [tilespmem:$0x20];
	_ =	sdelay $0x4  }
0x5e: {  	v34 =	vshll.u32 v3, $0x3  }
0x5f: {  	v3 =	vand.u32 $0x7, v3;
	v4 =	vand.u32 $0xFFFFFFC0, v34  }
0x60: {  	v3 =	vor.u32 v3, v4  }
0x61: {  	v4 =	vperm.xlane v3, v0;
	_ =	sdelay $0x1  }
0x62: {  	v4 =	vadd.s32 v1, v4;
	_ =	sdelay $0x3  }
0x63: {  	s8 =	simm.s32 $0x8200  }
0x64: {  	[tilespmem:s8], [sflag:$0x3] =	stream.indirect_vreg.gather [hbm4b:s2+s3], $0x80, v4, vm0, $0xb8;
	[tilespmem:$0x1C200] =	vst v63  }
0x65: {  	s11 =	simm.s32 $0x8A00;
	v3 =	vperm.xlane v3, v2  }
0x66: {  	[tilespmem:s11], [sflag:$0x3] =	stream.indirect_vreg.gather [hbm4b:s5+s3], $0x80, v4, vm0, $0xb8;
	[tilespmem:$0x1C200] =	vst v63  }
0x67: {  	s13 =	simm.s32 $0x9200;
	v3 =	vadd.s32 v1, v3  }
0x68: {  	[tilespmem:s13], [sflag:$0x3] =	stream.indirect_vreg.gather [hbm4b:s6+s3], $0x80, v4, vm0, $0xb8;
	[tilespmem:$0x1C200] =	vst v63  }
0x69: {  	s15 =	simm.s32 $0x9A00  }
0x6a: {  	[tilespmem:s15], [sflag:$0x3] =	stream.indirect_vreg.gather [hbm4b:s7+s3], $0x80, v4, vm0, $0xb8;
	[tilespmem:$0x1C200] =	vst v63  }
0x6b: {  	s21 =	simm.s32 $0xA200  }
0x6c: {  	[tilespmem:s21], [sflag:$0x3] =	stream.indirect_vreg.gather [hbm4b:s2+s3], $0x80, v3, vm0, $0xb8;
	[tilespmem:$0x1C200] =	vst v63  }
0x6d: {  	s0 =	simm.s32 $0xAA00  }
0x6e: {  	[tilespmem:s0], [sflag:$0x3] =	stream.indirect_vreg.gather [hbm4b:s5+s3], $0x80, v3, vm0, $0xb8;
	[tilespmem:$0x1C200] =	vst v63  }
0x6f: {  	s4 =	simm.s32 $0xB200  }
0x70: {  	[tilespmem:s4], [sflag:$0x3] =	stream.indirect_vreg.gather [hbm4b:s6+s3], $0x80, v3, vm0, $0xb8;
	[tilespmem:$0x1C200] =	vst v63  }
0x71: {  	s8 =	simm.s32 $0xBA00  }
0x72: {  	[tilespmem:s8], [sflag:$0x3] =	stream.indirect_vreg.gather [hbm4b:s7+s3], $0x80, v3, vm0, $0xb8;
	[tilespmem:$0x1C200] =	vst v63  }
0x73: {  	v3 =	vld [tilespmem:$0x30];
	_ =	sdelay $0x4  }
0x74: {  	v35 =	vshll.u32 v3, $0x3  }
0x75: {  	v3 =	vand.u32 $0x7, v3;
	v4 =	vand.u32 $0xFFFFFFC0, v35  }
0x76: {  	v3 =	vor.u32 v3, v4  }
0x77: {  	v4 =	vperm.xlane v3, v0;
	_ =	sdelay $0x1  }
0x78: {  	v4 =	vadd.s32 v1, v4;
	_ =	sdelay $0x3  }
0x79: {  	s11 =	simm.s32 $0xC200  }
0x7a: {  	[tilespmem:s11], [sflag:$0x4] =	stream.indirect_vreg.gather [hbm4b:s2+s3], $0x80, v4, vm0, $0xb8;
	[tilespmem:$0x1C200] =	vst v63  }
0x7b: {  	s13 =	simm.s32 $0xCA00;
	v3 =	vperm.xlane v3, v2  }
0x7c: {  	[tilespmem:s13], [sflag:$0x4] =	stream.indirect_vreg.gather [hbm4b:s5+s3], $0x80, v4, vm0, $0xb8;
	[tilespmem:$0x1C200] =	vst v63  }
0x7d: {  	s15 =	simm.s32 $0xD200;
	v3 =	vadd.s32 v1, v3  }
0x7e: {  	[tilespmem:s15], [sflag:$0x4] =	stream.indirect_vreg.gather [hbm4b:s6+s3], $0x80, v4, vm0, $0xb8;
	[tilespmem:$0x1C200] =	vst v63  }
0x7f: {  	s21 =	simm.s32 $0xDA00  }
0x80: {  	[tilespmem:s21], [sflag:$0x4] =	stream.indirect_vreg.gather [hbm4b:s7+s3], $0x80, v4, vm0, $0xb8;
	[tilespmem:$0x1C200] =	vst v63  }
0x81: {  	s0 =	simm.s32 $0xE200  }
0x82: {  	[tilespmem:s0], [sflag:$0x4] =	stream.indirect_vreg.gather [hbm4b:s2+s3], $0x80, v3, vm0, $0xb8;
	[tilespmem:$0x1C200] =	vst v63  }
0x83: {  	s4 =	simm.s32 $0xEA00  }
0x84: {  	[tilespmem:s4], [sflag:$0x4] =	stream.indirect_vreg.gather [hbm4b:s5+s3], $0x80, v3, vm0, $0xb8;
	[tilespmem:$0x1C200] =	vst v63  }
0x85: {  	s8 =	simm.s32 $0xF200  }
0x86: {  	[tilespmem:s8], [sflag:$0x4] =	stream.indirect_vreg.gather [hbm4b:s6+s3], $0x80, v3, vm0, $0xb8;
	[tilespmem:$0x1C200] =	vst v63  }
0x87: {  	s11 =	simm.s32 $0xFA00  }
0x88: {  	[tilespmem:s11], [sflag:$0x4] =	stream.indirect_vreg.gather [hbm4b:s7+s3], $0x80, v3, vm0, $0xb8;
	[tilespmem:$0x1C200] =	vst v63  }
0x89: {  	v3 =	vld [tilespmem:$0x40];
	_ =	sdelay $0x4  }
0x8a: {  	v36 =	vshll.u32 v3, $0x3  }
0x8b: {  	v3 =	vand.u32 $0x7, v3;
	v4 =	vand.u32 $0xFFFFFFC0, v36  }
0x8c: {  	v3 =	vor.u32 v3, v4  }
0x8d: {  	v4 =	vperm.xlane v3, v0;
	_ =	sdelay $0x1  }
0x8e: {  	v4 =	vadd.s32 v1, v4;
	_ =	sdelay $0x3  }
0x8f: {  	s13 =	simm.s32 $0x10200  }
0x90: {  	[tilespmem:s13], [sflag:$0x5] =	stream.indirect_vreg.gather [hbm4b:s2+s3], $0x80, v4, vm0, $0xb8;
	[tilespmem:$0x1C200] =	vst v63  }
0x91: {  	s14 =	simm.s32 $0x10A00;
	v3 =	vperm.xlane v3, v2  }
0x92: {  	[tilespmem:s14], [sflag:$0x5] =	stream.indirect_vreg.gather [hbm4b:s5+s3], $0x80, v4, vm0, $0xb8;
	[tilespmem:$0x1C200] =	vst v63  }
0x93: {  	s21 =	simm.s32 $0x11200;
	v3 =	vadd.s32 v1, v3  }
0x94: {  	[tilespmem:s21], [sflag:$0x5] =	stream.indirect_vreg.gather [hbm4b:s6+s3], $0x80, v4, vm0, $0xb8;
	[tilespmem:$0x1C200] =	vst v63  }
0x95: {  	s4 =	simm.s32 $0x11A00  }
0x96: {  	[tilespmem:s4], [sflag:$0x5] =	stream.indirect_vreg.gather [hbm4b:s7+s3], $0x80, v4, vm0, $0xb8;
	[tilespmem:$0x1C200] =	vst v63  }
0x97: {  	s8 =	simm.s32 $0x12200  }
0x98: {  	[tilespmem:s8], [sflag:$0x5] =	stream.indirect_vreg.gather [hbm4b:s2+s3], $0x80, v3, vm0, $0xb8;
	[tilespmem:$0x1C200] =	vst v63  }
0x99: {  	s11 =	simm.s32 $0x12A00  }
0x9a: {  	[tilespmem:s11], [sflag:$0x5] =	stream.indirect_vreg.gather [hbm4b:s5+s3], $0x80, v3, vm0, $0xb8;
	[tilespmem:$0x1C200] =	vst v63  }
0x9b: {  	s14 =	simm.s32 $0x13200  }
0x9c: {  	[tilespmem:s14], [sflag:$0x5] =	stream.indirect_vreg.gather [hbm4b:s6+s3], $0x80, v3, vm0, $0xb8;
	[tilespmem:$0x1C200] =	vst v63  }
0x9d: {  	s21 =	simm.s32 $0x13A00  }
0x9e: {  	[tilespmem:s21], [sflag:$0x5] =	stream.indirect_vreg.gather [hbm4b:s7+s3], $0x80, v3, vm0, $0xb8;
	[tilespmem:$0x1C200] =	vst v63  }
0x9f: {  	_ =	swait.ge [sflag:s20], $0x4000  }
0xa0: {  	s0 =	sld [smem:$0x7FB]  }
0xa1: {  	[sflag:s20] =	ssyncset.done $0x0  }
0xa2: {  	[sflag:s20] =	ssyncadd.s32 $0xFFFFC000  }
0xa3: {  	[hbm4b:s0+s3] =	stream.linear.scatter [tilespmem:s30], [sflag:$0x8], $0x4000, $0x38;
	[tilespmem:$0x1C200] =	vst v63  }
0xa4: {  	v3 =	vld [tilespmem:$0x50];
	_ =	sdelay $0x4  }
0xa5: {  	v37 =	vshll.u32 v3, $0x3  }
0xa6: {  	v3 =	vand.u32 $0x7, v3;
	v4 =	vand.u32 $0xFFFFFFC0, v37  }
0xa7: {  	v3 =	vor.u32 v3, v4  }
0xa8: {  	v4 =	vperm.xlane v3, v0;
	_ =	sdelay $0x1  }
0xa9: {  	v4 =	vadd.s32 v1, v4;
	_ =	sdelay $0x3  }
0xaa: {  	s4 =	simm.s32 $0x14200  }
0xab: {  	[tilespmem:s4], [sflag:$0x6] =	stream.indirect_vreg.gather [hbm4b:s2+s3], $0x80, v4, vm0, $0xb8;
	[tilespmem:$0x1C200] =	vst v63  }
0xac: {  	s8 =	simm.s32 $0x14A00;
	v3 =	vperm.xlane v3, v2  }
0xad: {  	[tilespmem:s8], [sflag:$0x6] =	stream.indirect_vreg.gather [hbm4b:s5+s3], $0x80, v4, vm0, $0xb8;
	[tilespmem:$0x1C200] =	vst v63  }
0xae: {  	s14 =	simm.s32 $0x15200;
	v3 =	vadd.s32 v1, v3  }
0xaf: {  	[tilespmem:s14], [sflag:$0x6] =	stream.indirect_vreg.gather [hbm4b:s6+s3], $0x80, v4, vm0, $0xb8;
	[tilespmem:$0x1C200] =	vst v63  }
0xb0: {  	s21 =	simm.s32 $0x15A00  }
0xb1: {  	[tilespmem:s21], [sflag:$0x6] =	stream.indirect_vreg.gather [hbm4b:s7+s3], $0x80, v4, vm0, $0xb8;
	[tilespmem:$0x1C200] =	vst v63  }
0xb2: {  	s4 =	simm.s32 $0x16200  }
0xb3: {  	[tilespmem:s4], [sflag:$0x6] =	stream.indirect_vreg.gather [hbm4b:s2+s3], $0x80, v3, vm0, $0xb8;
	[tilespmem:$0x1C200] =	vst v63  }
0xb4: {  	s8 =	simm.s32 $0x16A00  }
0xb5: {  	[tilespmem:s8], [sflag:$0x6] =	stream.indirect_vreg.gather [hbm4b:s5+s3], $0x80, v3, vm0, $0xb8;
	[tilespmem:$0x1C200] =	vst v63  }
0xb6: {  	s14 =	simm.s32 $0x17200  }
0xb7: {  	[tilespmem:s14], [sflag:$0x6] =	stream.indirect_vreg.gather [hbm4b:s6+s3], $0x80, v3, vm0, $0xb8;
	[tilespmem:$0x1C200] =	vst v63  }
0xb8: {  	s21 =	simm.s32 $0x17A00  }
0xb9: {  	[tilespmem:s21], [sflag:$0x6] =	stream.indirect_vreg.gather [hbm4b:s7+s3], $0x80, v3, vm0, $0xb8;
	[tilespmem:$0x1C200] =	vst v63  }
0xba: {  	_ =	swait.ge [sflag:s22], $0x4000  }
0xbb: {  	[sflag:s22] =	ssyncset.done $0x0  }
0xbc: {  	s8 =	simm.s32 $0x4200;
	s0 =	rddreg [dreg:$0x5];
	[sflag:s22] =	ssyncadd.s32 $0xFFFFC000  }
0xbd: {  	[hbm4b:s0+s3] =	stream.linear.scatter [tilespmem:s8], [sflag:$0x9], $0x4000, $0x38;
	[tilespmem:$0x1C200] =	vst v63  }
0xbe: {  	v3 =	vld [tilespmem:$0x60];
	_ =	sdelay $0x4  }
0xbf: {  	v38 =	vshll.u32 v3, $0x3  }
0xc0: {  	v3 =	vand.u32 $0x7, v3;
	v4 =	vand.u32 $0xFFFFFFC0, v38  }
0xc1: {  	v3 =	vor.u32 v3, v4  }
0xc2: {  	v4 =	vperm.xlane v3, v0;
	_ =	sdelay $0x1  }
0xc3: {  	v4 =	vadd.s32 v1, v4;
	_ =	sdelay $0x3  }
0xc4: {  	s4 =	simm.s32 $0x18200  }
0xc5: {  	[tilespmem:s4], [sflag:$0x7] =	stream.indirect_vreg.gather [hbm4b:s2+s3], $0x80, v4, vm0, $0xb8;
	[tilespmem:$0x1C200] =	vst v63  }
0xc6: {  	s14 =	simm.s32 $0x18A00;
	v3 =	vperm.xlane v3, v2  }
0xc7: {  	[tilespmem:s14], [sflag:$0x7] =	stream.indirect_vreg.gather [hbm4b:s5+s3], $0x80, v4, vm0, $0xb8;
	[tilespmem:$0x1C200] =	vst v63  }
0xc8: {  	v3 =	vadd.s32 v1, v3;
	s4 =	simm.s32 $0x19200  }
0xc9: {  	[tilespmem:s4], [sflag:$0x7] =	stream.indirect_vreg.gather [hbm4b:s6+s3], $0x80, v4, vm0, $0xb8;
	[tilespmem:$0x1C200] =	vst v63  }
0xca: {  	s14 =	simm.s32 $0x19A00  }
0xcb: {  	[tilespmem:s14], [sflag:$0x7] =	stream.indirect_vreg.gather [hbm4b:s7+s3], $0x80, v4, vm0, $0xb8;
	[tilespmem:$0x1C200] =	vst v63  }
0xcc: {  	s4 =	simm.s32 $0x1A200  }
0xcd: {  	[tilespmem:s4], [sflag:$0x7] =	stream.indirect_vreg.gather [hbm4b:s2+s3], $0x80, v3, vm0, $0xb8;
	[tilespmem:$0x1C200] =	vst v63  }
0xce: {  	s14 =	simm.s32 $0x1AA00  }
0xcf: {  	[tilespmem:s14], [sflag:$0x7] =	stream.indirect_vreg.gather [hbm4b:s5+s3], $0x80, v3, vm0, $0xb8;
	[tilespmem:$0x1C200] =	vst v63  }
0xd0: {  	s4 =	simm.s32 $0x1B200  }
0xd1: {  	[tilespmem:s4], [sflag:$0x7] =	stream.indirect_vreg.gather [hbm4b:s6+s3], $0x80, v3, vm0, $0xb8;
	[tilespmem:$0x1C200] =	vst v63  }
0xd2: {  	s14 =	simm.s32 $0x1BA00  }
0xd3: {  	[tilespmem:s14], [sflag:$0x7] =	stream.indirect_vreg.gather [hbm4b:s7+s3], $0x80, v3, vm0, $0xb8;
	[tilespmem:$0x1C200] =	vst v63  }
0xd4: {  	_ =	swait.ge [sflag:s24], $0x4000  }
0xd5: {  	[sflag:s24] =	ssyncset.done $0x0  }
0xd6: {  	s4 =	simm.s32 $0x8200;
	s0 =	rddreg [dreg:$0x6];
	[sflag:s24] =	ssyncadd.s32 $0xFFFFC000  }
0xd7: {  	[hbm4b:s0+s3] =	stream.linear.scatter [tilespmem:s4], [sflag:$0xA], $0x4000, $0x38;
	[tilespmem:$0x1C200] =	vst v63  }
0xd8: {  	_ =	swait.ge [sflag:s25], $0x4000  }
0xd9: {  	[sflag:s25] =	ssyncset.done $0x0  }
0xda: {  	[sflag:s25] =	ssyncadd.s32 $0xFFFFC000  }
0xdb: {  	v3 =	vld [tilespmem:$0x70];
	_ =	sdelay $0x4  }
0xdc: {  	v39 =	vshll.u32 v3, $0x3  }
0xdd: {  	v3 =	vand.u32 $0x7, v3;
	v4 =	vand.u32 $0xFFFFFFC0, v39  }
0xde: {  	v3 =	vor.u32 v3, v4  }
0xdf: {  	v4 =	vperm.xlane v3, v0;
	_ =	sdelay $0x1  }
0xe0: {  	v4 =	vadd.s32 v1, v4;
	_ =	sdelay $0x4  }
0xe1: {  	[tilespmem:s30], [sflag:$0x1] =	stream.indirect_vreg.gather [hbm4b:s2+s3], $0x80, v4, vm0, $0xb8;
	[tilespmem:$0x1C200] =	vst v63  }
0xe2: {  	s9 =	simm.s32 $0xA00;
	v3 =	vperm.xlane v3, v2  }
0xe3: {  	[tilespmem:s9], [sflag:$0x1] =	stream.indirect_vreg.gather [hbm4b:s5+s3], $0x80, v4, vm0, $0xb8;
	[tilespmem:$0x1C200] =	vst v63  }
0xe4: {  	s12 =	simm.s32 $0x1200;
	v3 =	vadd.s32 v1, v3  }
0xe5: {  	[tilespmem:s12], [sflag:$0x1] =	stream.indirect_vreg.gather [hbm4b:s6+s3], $0x80, v4, vm0, $0xb8;
	[tilespmem:$0x1C200] =	vst v63  }
0xe6: {  	s10 =	simm.s32 $0x1A00  }
0xe7: {  	[tilespmem:s10], [sflag:$0x1] =	stream.indirect_vreg.gather [hbm4b:s7+s3], $0x80, v4, vm0, $0xb8;
	[tilespmem:$0x1C200] =	vst v63  }
0xe8: {  	s19 =	simm.s32 $0x2200  }
0xe9: {  	[tilespmem:s19], [sflag:$0x1] =	stream.indirect_vreg.gather [hbm4b:s2+s3], $0x80, v3, vm0, $0xb8;
	[tilespmem:$0x1C200] =	vst v63  }
0xea: {  	s23 =	simm.s32 $0x2A00  }
0xeb: {  	[tilespmem:s23], [sflag:$0x1] =	stream.indirect_vreg.gather [hbm4b:s5+s3], $0x80, v3, vm0, $0xb8;
	[tilespmem:$0x1C200] =	vst v63  }
0xec: {  	s9 =	simm.s32 $0x3200  }
0xed: {  	[tilespmem:s9], [sflag:$0x1] =	stream.indirect_vreg.gather [hbm4b:s6+s3], $0x80, v3, vm0, $0xb8;
	[tilespmem:$0x1C200] =	vst v63  }
0xee: {  	s17 =	simm.s32 $0x3A00  }
0xef: {  	[tilespmem:s17], [sflag:$0x1] =	stream.indirect_vreg.gather [hbm4b:s7+s3], $0x80, v3, vm0, $0xb8;
	[tilespmem:$0x1C200] =	vst v63  }
0xf0: {  	_ =	swait.ge [sflag:s28], $0x4000  }
0xf1: {  	[sflag:s28] =	ssyncset.done $0x0  }
0xf2: {  	s9 =	simm.s32 $0xC200;
	s10 =	rddreg [dreg:$0x7];
	[sflag:s28] =	ssyncadd.s32 $0xFFFFC000  }
0xf3: {  	[hbm4b:s10+s3] =	stream.linear.scatter [tilespmem:s9], [sflag:$0xB], $0x4000, $0x38;
	[tilespmem:$0x1C200] =	vst v63  }
0xf4: {  	_ =	swait.ge [sflag:s29], $0x4000  }
0xf5: {  	[sflag:s29] =	ssyncset.done $0x0  }
0xf6: {  	[sflag:s29] =	ssyncadd.s32 $0xFFFFC000  }
0xf7: {  	v3 =	vld [tilespmem:$0x80];
	_ =	sdelay $0x4  }
0xf8: {  	v40 =	vshll.u32 v3, $0x3  }
0xf9: {  	v3 =	vand.u32 $0x7, v3;
	v4 =	vand.u32 $0xFFFFFFC0, v40  }
0xfa: {  	v3 =	vor.u32 v3, v4  }
0xfb: {  	v4 =	vperm.xlane v3, v0;
	_ =	sdelay $0x1  }
0xfc: {  	v4 =	vadd.s32 v1, v4;
	_ =	sdelay $0x4  }
0xfd: {  	[tilespmem:s8], [sflag:$0x2] =	stream.indirect_vreg.gather [hbm4b:s2+s3], $0x80, v4, vm0, $0xb8;
	[tilespmem:$0x1C200] =	vst v63  }
0xfe: {  	s16 =	simm.s32 $0x4A00;
	v3 =	vperm.xlane v3, v2  }
0xff: {  	[tilespmem:s16], [sflag:$0x2] =	stream.indirect_vreg.gather [hbm4b:s5+s3], $0x80, v4, vm0, $0xb8;
	[tilespmem:$0x1C200] =	vst v63  }
0x100: {  	s17 =	simm.s32 $0x5200;
	v3 =	vadd.s32 v1, v3  }
0x101: {  	[tilespmem:s17], [sflag:$0x2] =	stream.indirect_vreg.gather [hbm4b:s6+s3], $0x80, v4, vm0, $0xb8;
	[tilespmem:$0x1C200] =	vst v63  }
0x102: {  	s19 =	simm.s32 $0x5A00  }
0x103: {  	[tilespmem:s19], [sflag:$0x2] =	stream.indirect_vreg.gather [hbm4b:s7+s3], $0x80, v4, vm0, $0xb8;
	[tilespmem:$0x1C200] =	vst v63  }
0x104: {  	s23 =	simm.s32 $0x6200  }
0x105: {  	[tilespmem:s23], [sflag:$0x2] =	stream.indirect_vreg.gather [hbm4b:s2+s3], $0x80, v3, vm0, $0xb8;
	[tilespmem:$0x1C200] =	vst v63  }
0x106: {  	s16 =	simm.s32 $0x6A00  }
0x107: {  	[tilespmem:s16], [sflag:$0x2] =	stream.indirect_vreg.gather [hbm4b:s5+s3], $0x80, v3, vm0, $0xb8;
	[tilespmem:$0x1C200] =	vst v63  }
0x108: {  	s23 =	simm.s32 $0x7200  }
0x109: {  	[tilespmem:s23], [sflag:$0x2] =	stream.indirect_vreg.gather [hbm4b:s6+s3], $0x80, v3, vm0, $0xb8;
	[tilespmem:$0x1C200] =	vst v63  }
0x10a: {  	s26 =	simm.s32 $0x7A00;
	s0 =	simm.s32 $0x5  }
0x10b: {  	[tilespmem:s26], [sflag:$0x2] =	stream.indirect_vreg.gather [hbm4b:s7+s3], $0x80, v3, vm0, $0xb8;
	[tilespmem:$0x1C200] =	vst v63  }
0x10c: {  	_ =	swait.ge [sflag:s0], $0x4000  }
0x10d: {  	[sflag:s0] =	ssyncset.done $0x0  }
0x10e: {  	s26 =	simm.s32 $0x10200;
	s10 =	rddreg [dreg:$0x8];
	[sflag:s0] =	ssyncadd.s32 $0xFFFFC000  }
0x10f: {  	[hbm4b:s10+s3] =	stream.linear.scatter [tilespmem:s26], [sflag:$0xC], $0x4000, $0x38;
	[tilespmem:$0x1C200] =	vst v63  }
0x110: {  	_ =	swait.ge [sflag:s31], $0x4000  }
0x111: {  	[sflag:s31] =	ssyncset.done $0x0  }
0x112: {  	[sflag:s31] =	ssyncadd.s32 $0xFFFFC000  }
0x113: {  	v3 =	vld [tilespmem:$0x90];
	_ =	sdelay $0x4  }
0x114: {  	v41 =	vshll.u32 v3, $0x3  }
0x115: {  	v3 =	vand.u32 $0x7, v3;
	v4 =	vand.u32 $0xFFFFFFC0, v41  }
0x116: {  	v3 =	vor.u32 v3, v4  }
0x117: {  	v4 =	vperm.xlane v3, v0;
	_ =	sdelay $0x1  }
0x118: {  	v4 =	vadd.s32 v1, v4;
	_ =	sdelay $0x4  }
0x119: {  	[tilespmem:s4], [sflag:$0x3] =	stream.indirect_vreg.gather [hbm4b:s2+s3], $0x80, v4, vm0, $0xb8;
	[tilespmem:$0x1C200] =	vst v63  }
0x11a: {  	s14 =	simm.s32 $0x8A00;
	v3 =	vperm.xlane v3, v2  }
0x11b: {  	[tilespmem:s14], [sflag:$0x3] =	stream.indirect_vreg.gather [hbm4b:s5+s3], $0x80, v4, vm0, $0xb8;
	[tilespmem:$0x1C200] =	vst v63  }
0x11c: {  	s17 =	simm.s32 $0x9200;
	v3 =	vadd.s32 v1, v3  }
0x11d: {  	[tilespmem:s17], [sflag:$0x3] =	stream.indirect_vreg.gather [hbm4b:s6+s3], $0x80, v4, vm0, $0xb8;
	[tilespmem:$0x1C200] =	vst v63  }
0x11e: {  	s19 =	simm.s32 $0x9A00  }
0x11f: {  	[tilespmem:s19], [sflag:$0x3] =	stream.indirect_vreg.gather [hbm4b:s7+s3], $0x80, v4, vm0, $0xb8;
	[tilespmem:$0x1C200] =	vst v63  }
0x120: {  	s10 =	simm.s32 $0xA200  }
0x121: {  	[tilespmem:s10], [sflag:$0x3] =	stream.indirect_vreg.gather [hbm4b:s2+s3], $0x80, v3, vm0, $0xb8;
	[tilespmem:$0x1C200] =	vst v63  }
0x122: {  	s14 =	simm.s32 $0xAA00  }
0x123: {  	[tilespmem:s14], [sflag:$0x3] =	stream.indirect_vreg.gather [hbm4b:s5+s3], $0x80, v3, vm0, $0xb8;
	[tilespmem:$0x1C200] =	vst v63  }
0x124: {  	s17 =	simm.s32 $0xB200  }
0x125: {  	[tilespmem:s17], [sflag:$0x3] =	stream.indirect_vreg.gather [hbm4b:s6+s3], $0x80, v3, vm0, $0xb8;
	[tilespmem:$0x1C200] =	vst v63  }
0x126: {  	s19 =	simm.s32 $0xBA00;
	s10 =	simm.s32 $0x6  }
0x127: {  	[tilespmem:s19], [sflag:$0x3] =	stream.indirect_vreg.gather [hbm4b:s7+s3], $0x80, v3, vm0, $0xb8;
	[tilespmem:$0x1C200] =	vst v63  }
0x128: {  	_ =	swait.ge [sflag:s10], $0x4000  }
0x129: {  	[sflag:s10] =	ssyncset.done $0x0  }
0x12a: {  	s11 =	simm.s32 $0x14200;
	s4 =	rddreg [dreg:$0x9];
	[sflag:s10] =	ssyncadd.s32 $0xFFFFC000  }
0x12b: {  	[hbm4b:s4+s3] =	stream.linear.scatter [tilespmem:s11], [sflag:$0xD], $0x4000, $0x38;
	[tilespmem:$0x1C200] =	vst v63  }
0x12c: {  	_ =	swait.ge [sflag:s1], $0x4000  }
0x12d: {  	[sflag:s1] =	ssyncset.done $0x0  }
0x12e: {  	[sflag:s1] =	ssyncadd.s32 $0xFFFFC000  }
0x12f: {  	v3 =	vld [tilespmem:$0xA0];
	_ =	sdelay $0x4  }
0x130: {  	v42 =	vshll.u32 v3, $0x3  }
0x131: {  	v3 =	vand.u32 $0x7, v3;
	v4 =	vand.u32 $0xFFFFFFC0, v42  }
0x132: {  	v3 =	vor.u32 v3, v4  }
0x133: {  	v4 =	vperm.xlane v3, v0;
	_ =	sdelay $0x1  }
0x134: {  	v4 =	vadd.s32 v1, v4;
	_ =	sdelay $0x4  }
0x135: {  	[tilespmem:s9], [sflag:$0x4] =	stream.indirect_vreg.gather [hbm4b:s2+s3], $0x80, v4, vm0, $0xb8;
	[tilespmem:$0x1C200] =	vst v63  }
0x136: {  	s17 =	simm.s32 $0xCA00;
	v3 =	vperm.xlane v3, v2  }
0x137: {  	[tilespmem:s17], [sflag:$0x4] =	stream.indirect_vreg.gather [hbm4b:s5+s3], $0x80, v4, vm0, $0xb8;
	[tilespmem:$0x1C200] =	vst v63  }
0x138: {  	s15 =	simm.s32 $0xD200;
	v3 =	vadd.s32 v1, v3  }
0x139: {  	[tilespmem:s15], [sflag:$0x4] =	stream.indirect_vreg.gather [hbm4b:s6+s3], $0x80, v4, vm0, $0xb8;
	[tilespmem:$0x1C200] =	vst v63  }
0x13a: {  	s19 =	simm.s32 $0xDA00  }
0x13b: {  	[tilespmem:s19], [sflag:$0x4] =	stream.indirect_vreg.gather [hbm4b:s7+s3], $0x80, v4, vm0, $0xb8;
	[tilespmem:$0x1C200] =	vst v63  }
0x13c: {  	s11 =	simm.s32 $0xE200  }
0x13d: {  	[tilespmem:s11], [sflag:$0x4] =	stream.indirect_vreg.gather [hbm4b:s2+s3], $0x80, v3, vm0, $0xb8;
	[tilespmem:$0x1C200] =	vst v63  }
0x13e: {  	s14 =	simm.s32 $0xEA00  }
0x13f: {  	[tilespmem:s14], [sflag:$0x4] =	stream.indirect_vreg.gather [hbm4b:s5+s3], $0x80, v3, vm0, $0xb8;
	[tilespmem:$0x1C200] =	vst v63  }
0x140: {  	s15 =	simm.s32 $0xF200  }
0x141: {  	[tilespmem:s15], [sflag:$0x4] =	stream.indirect_vreg.gather [hbm4b:s6+s3], $0x80, v3, vm0, $0xb8;
	[tilespmem:$0x1C200] =	vst v63  }
0x142: {  	s17 =	simm.s32 $0xFA00;
	s11 =	simm.s32 $0x7  }
0x143: {  	[tilespmem:s17], [sflag:$0x4] =	stream.indirect_vreg.gather [hbm4b:s7+s3], $0x80, v3, vm0, $0xb8;
	[tilespmem:$0x1C200] =	vst v63  }
0x144: {  	_ =	swait.ge [sflag:s11], $0x4000  }
0x145: {  	[sflag:s11] =	ssyncset.done $0x0  }
0x146: {  	s21 =	simm.s32 $0x18200;
	s19 =	rddreg [dreg:$0xa];
	[sflag:s11] =	ssyncadd.s32 $0xFFFFC000  }
0x147: {  	[hbm4b:s19+s3] =	stream.linear.scatter [tilespmem:s21], [sflag:$0xE], $0x4000, $0x38;
	[tilespmem:$0x1C200] =	vst v63  }
0x148: {  	s21 =	simm.s32 $0xC  }
0x149: {  	_ =	swait.ge [sflag:s21], $0x4000  }
0x14a: {  	[sflag:s21] =	ssyncset.done $0x0  }
0x14b: {  	[sflag:s21] =	ssyncadd.s32 $0xFFFFC000  }
0x14c: {  	v3 =	vld [tilespmem:$0xB0];
	_ =	sdelay $0x4  }
0x14d: {  	v43 =	vshll.u32 v3, $0x3  }
0x14e: {  	v3 =	vand.u32 $0x7, v3;
	v4 =	vand.u32 $0xFFFFFFC0, v43  }
0x14f: {  	v3 =	vor.u32 v3, v4  }
0x150: {  	v4 =	vperm.xlane v3, v0;
	_ =	sdelay $0x1  }
0x151: {  	v4 =	vadd.s32 v1, v4;
	_ =	sdelay $0x4  }
0x152: {  	[tilespmem:s26], [sflag:$0x5] =	stream.indirect_vreg.gather [hbm4b:s2+s3], $0x80, v4, vm0, $0xb8;
	[tilespmem:$0x1C200] =	vst v63  }
0x153: {  	v3 =	vperm.xlane v3, v2;
	s26 =	simm.s32 $0x10A00  }
0x154: {  	[tilespmem:s26], [sflag:$0x5] =	stream.indirect_vreg.gather [hbm4b:s5+s3], $0x80, v4, vm0, $0xb8;
	[tilespmem:$0x1C200] =	vst v63  }
0x155: {  	s13 =	simm.s32 $0x11200;
	v3 =	vadd.s32 v1, v3  }
0x156: {  	[tilespmem:s13], [sflag:$0x5] =	stream.indirect_vreg.gather [hbm4b:s6+s3], $0x80, v4, vm0, $0xb8;
	[tilespmem:$0x1C200] =	vst v63  }
0x157: {  	s19 =	simm.s32 $0x11A00  }
0x158: {  	[tilespmem:s19], [sflag:$0x5] =	stream.indirect_vreg.gather [hbm4b:s7+s3], $0x80, v4, vm0, $0xb8;
	[tilespmem:$0x1C200] =	vst v63  }
0x159: {  	s13 =	simm.s32 $0x12200  }
0x15a: {  	[tilespmem:s13], [sflag:$0x5] =	stream.indirect_vreg.gather [hbm4b:s2+s3], $0x80, v3, vm0, $0xb8;
	[tilespmem:$0x1C200] =	vst v63  }
0x15b: {  	s14 =	simm.s32 $0x12A00  }
0x15c: {  	[tilespmem:s14], [sflag:$0x5] =	stream.indirect_vreg.gather [hbm4b:s5+s3], $0x80, v3, vm0, $0xb8;
	[tilespmem:$0x1C200] =	vst v63  }
0x15d: {  	s17 =	simm.s32 $0x13200  }
0x15e: {  	[tilespmem:s17], [sflag:$0x5] =	stream.indirect_vreg.gather [hbm4b:s6+s3], $0x80, v3, vm0, $0xb8;
	[tilespmem:$0x1C200] =	vst v63  }
0x15f: {  	s26 =	simm.s32 $0x13A00  }
0x160: {  	[tilespmem:s26], [sflag:$0x5] =	stream.indirect_vreg.gather [hbm4b:s7+s3], $0x80, v3, vm0, $0xb8;
	[tilespmem:$0x1C200] =	vst v63  }
0x161: {  	_ =	swait.ge [sflag:s20], $0x4000  }
0x162: {  	[sflag:s20] =	ssyncset.done $0x0  }
0x163: {  	s13 =	rddreg [dreg:$0xb];
	[sflag:s20] =	ssyncadd.s32 $0xFFFFC000  }
0x164: {  	[hbm4b:s13+s3] =	stream.linear.scatter [tilespmem:s30], [sflag:$0x8], $0x4000, $0x38;
	[tilespmem:$0x1C200] =	vst v63  }
0x165: {  	s13 =	simm.s32 $0xD  }
0x166: {  	_ =	swait.ge [sflag:s13], $0x4000  }
0x167: {  	[sflag:s13] =	ssyncset.done $0x0  }
0x168: {  	[sflag:s13] =	ssyncadd.s32 $0xFFFFC000  }
0x169: {  	v3 =	vld [tilespmem:$0xC0];
	_ =	sdelay $0x4  }
0x16a: {  	v44 =	vshll.u32 v3, $0x3  }
0x16b: {  	v3 =	vand.u32 $0x7, v3;
	v4 =	vand.u32 $0xFFFFFFC0, v44  }
0x16c: {  	v3 =	vor.u32 v3, v4  }
0x16d: {  	v4 =	vperm.xlane v3, v0;
	_ =	sdelay $0x1  }
0x16e: {  	v4 =	vadd.s32 v1, v4;
	_ =	sdelay $0x3  }
0x16f: {  	s4 =	simm.s32 $0x14200  }
0x170: {  	[tilespmem:s4], [sflag:$0x6] =	stream.indirect_vreg.gather [hbm4b:s2+s3], $0x80, v4, vm0, $0xb8;
	[tilespmem:$0x1C200] =	vst v63  }
0x171: {  	s14 =	simm.s32 $0x14A00;
	v3 =	vperm.xlane v3, v2  }
0x172: {  	[tilespmem:s14], [sflag:$0x6] =	stream.indirect_vreg.gather [hbm4b:s5+s3], $0x80, v4, vm0, $0xb8;
	[tilespmem:$0x1C200] =	vst v63  }
0x173: {  	s17 =	simm.s32 $0x15200;
	v3 =	vadd.s32 v1, v3  }
0x174: {  	[tilespmem:s17], [sflag:$0x6] =	stream.indirect_vreg.gather [hbm4b:s6+s3], $0x80, v4, vm0, $0xb8;
	[tilespmem:$0x1C200] =	vst v63  }
0x175: {  	s26 =	simm.s32 $0x15A00  }
0x176: {  	[tilespmem:s26], [sflag:$0x6] =	stream.indirect_vreg.gather [hbm4b:s7+s3], $0x80, v4, vm0, $0xb8;
	[tilespmem:$0x1C200] =	vst v63  }
0x177: {  	s9 =	simm.s32 $0x16200  }
0x178: {  	[tilespmem:s9], [sflag:$0x6] =	stream.indirect_vreg.gather [hbm4b:s2+s3], $0x80, v3, vm0, $0xb8;
	[tilespmem:$0x1C200] =	vst v63  }
0x179: {  	s14 =	simm.s32 $0x16A00  }
0x17a: {  	[tilespmem:s14], [sflag:$0x6] =	stream.indirect_vreg.gather [hbm4b:s5+s3], $0x80, v3, vm0, $0xb8;
	[tilespmem:$0x1C200] =	vst v63  }
0x17b: {  	s17 =	simm.s32 $0x17200  }
0x17c: {  	[tilespmem:s17], [sflag:$0x6] =	stream.indirect_vreg.gather [hbm4b:s6+s3], $0x80, v3, vm0, $0xb8;
	[tilespmem:$0x1C200] =	vst v63  }
0x17d: {  	s26 =	simm.s32 $0x17A00  }
0x17e: {  	[tilespmem:s26], [sflag:$0x6] =	stream.indirect_vreg.gather [hbm4b:s7+s3], $0x80, v3, vm0, $0xb8;
	[tilespmem:$0x1C200] =	vst v63  }
0x17f: {  	_ =	swait.ge [sflag:s22], $0x4000  }
0x180: {  	[sflag:s22] =	ssyncset.done $0x0  }
0x181: {  	s8 =	simm.s32 $0x4200;
	s9 =	rddreg [dreg:$0xc];
	[sflag:s22] =	ssyncadd.s32 $0xFFFFC000  }
0x182: {  	[hbm4b:s9+s3] =	stream.linear.scatter [tilespmem:s8], [sflag:$0x9], $0x4000, $0x38;
	[tilespmem:$0x1C200] =	vst v63  }
0x183: {  	s8 =	simm.s32 $0xE  }
0x184: {  	_ =	swait.ge [sflag:s8], $0x4000  }
0x185: {  	[sflag:s8] =	ssyncset.done $0x0  }
0x186: {  	[sflag:s8] =	ssyncadd.s32 $0xFFFFC000  }
0x187: {  	v3 =	vld [tilespmem:$0xD0];
	_ =	sdelay $0x4  }
0x188: {  	v45 =	vshll.u32 v3, $0x3  }
0x189: {  	v3 =	vand.u32 $0x7, v3;
	v4 =	vand.u32 $0xFFFFFFC0, v45  }
0x18a: {  	v3 =	vor.u32 v3, v4  }
0x18b: {  	v4 =	vperm.xlane v3, v0;
	_ =	sdelay $0x1  }
0x18c: {  	v4 =	vadd.s32 v1, v4;
	_ =	sdelay $0x3  }
0x18d: {  	s15 =	simm.s32 $0x18200  }
0x18e: {  	[tilespmem:s15], [sflag:$0x7] =	stream.indirect_vreg.gather [hbm4b:s2+s3], $0x80, v4, vm0, $0xb8;
	[tilespmem:$0x1C200] =	vst v63  }
0x18f: {  	s14 =	simm.s32 $0x18A00;
	v3 =	vperm.xlane v3, v2  }
0x190: {  	[tilespmem:s14], [sflag:$0x7] =	stream.indirect_vreg.gather [hbm4b:s5+s3], $0x80, v4, vm0, $0xb8;
	[tilespmem:$0x1C200] =	vst v63  }
0x191: {  	s26 =	simm.s32 $0x19200;
	v3 =	vadd.s32 v1, v3  }
0x192: {  	[tilespmem:s26], [sflag:$0x7] =	stream.indirect_vreg.gather [hbm4b:s6+s3], $0x80, v4, vm0, $0xb8;
	[tilespmem:$0x1C200] =	vst v63  }
0x193: {  	s9 =	simm.s32 $0x19A00  }
0x194: {  	[tilespmem:s9], [sflag:$0x7] =	stream.indirect_vreg.gather [hbm4b:s7+s3], $0x80, v4, vm0, $0xb8;
	[tilespmem:$0x1C200] =	vst v63  }
0x195: {  	s14 =	simm.s32 $0x1A200  }
0x196: {  	[tilespmem:s14], [sflag:$0x7] =	stream.indirect_vreg.gather [hbm4b:s2+s3], $0x80, v3, vm0, $0xb8;
	[tilespmem:$0x1C200] =	vst v63  }
0x197: {  	s4 =	simm.s32 $0x1AA00  }
0x198: {  	[tilespmem:s4], [sflag:$0x7] =	stream.indirect_vreg.gather [hbm4b:s5+s3], $0x80, v3, vm0, $0xb8;
	[tilespmem:$0x1C200] =	vst v63  }
0x199: {  	s26 =	simm.s32 $0x1B200  }
0x19a: {  	[tilespmem:s26], [sflag:$0x7] =	stream.indirect_vreg.gather [hbm4b:s6+s3], $0x80, v3, vm0, $0xb8;
	[tilespmem:$0x1C200] =	vst v63  }
0x19b: {  	s14 =	simm.s32 $0x1BA00  }
0x19c: {  	[tilespmem:s14], [sflag:$0x7] =	stream.indirect_vreg.gather [hbm4b:s7+s3], $0x80, v3, vm0, $0xb8;
	[tilespmem:$0x1C200] =	vst v63  }
0x19d: {  	_ =	swait.ge [sflag:s24], $0x4000  }
0x19e: {  	[sflag:s24] =	ssyncset.done $0x0  }
0x19f: {  	s9 =	simm.s32 $0x8200;
	s26 =	rddreg [dreg:$0xd];
	[sflag:s24] =	ssyncadd.s32 $0xFFFFC000  }
0x1a0: {  	[hbm4b:s26+s3] =	stream.linear.scatter [tilespmem:s9], [sflag:$0xA], $0x4000, $0x38;
	[tilespmem:$0x1C200] =	vst v63  }
0x1a1: {  	_ =	swait.ge [sflag:s25], $0x4000  }
0x1a2: {  	[sflag:s25] =	ssyncset.done $0x0  }
0x1a3: {  	[sflag:s25] =	ssyncadd.s32 $0xFFFFC000  }
0x1a4: {  	v3 =	vld [tilespmem:$0xE0];
	_ =	sdelay $0x4  }
0x1a5: {  	v46 =	vshll.u32 v3, $0x3  }
0x1a6: {  	v3 =	vand.u32 $0x7, v3;
	v4 =	vand.u32 $0xFFFFFFC0, v46  }
0x1a7: {  	v3 =	vor.u32 v3, v4  }
0x1a8: {  	v4 =	vperm.xlane v3, v0;
	_ =	sdelay $0x1  }
0x1a9: {  	v4 =	vadd.s32 v1, v4;
	_ =	sdelay $0x4  }
0x1aa: {  	[tilespmem:s30], [sflag:$0x1] =	stream.indirect_vreg.gather [hbm4b:s2+s3], $0x80, v4, vm0, $0xb8;
	[tilespmem:$0x1C200] =	vst v63  }
0x1ab: {  	s26 =	simm.s32 $0xA00;
	v3 =	vperm.xlane v3, v2  }
0x1ac: {  	[tilespmem:s26], [sflag:$0x1] =	stream.indirect_vreg.gather [hbm4b:s5+s3], $0x80, v4, vm0, $0xb8;
	[tilespmem:$0x1C200] =	vst v63  }
0x1ad: {  	s12 =	simm.s32 $0x1200;
	v3 =	vadd.s32 v1, v3  }
0x1ae: {  	[tilespmem:s12], [sflag:$0x1] =	stream.indirect_vreg.gather [hbm4b:s6+s3], $0x80, v4, vm0, $0xb8;
	[tilespmem:$0x1C200] =	vst v63  }
0x1af: {  	s26 =	simm.s32 $0x1A00  }
0x1b0: {  	[tilespmem:s26], [sflag:$0x1] =	stream.indirect_vreg.gather [hbm4b:s7+s3], $0x80, v4, vm0, $0xb8;
	[tilespmem:$0x1C200] =	vst v63  }
0x1b1: {  	s14 =	simm.s32 $0x2200  }
0x1b2: {  	[tilespmem:s14], [sflag:$0x1] =	stream.indirect_vreg.gather [hbm4b:s2+s3], $0x80, v3, vm0, $0xb8;
	[tilespmem:$0x1C200] =	vst v63  }
0x1b3: {  	s14 =	simm.s32 $0x2A00  }
0x1b4: {  	[tilespmem:s14], [sflag:$0x1] =	stream.indirect_vreg.gather [hbm4b:s5+s3], $0x80, v3, vm0, $0xb8;
	[tilespmem:$0x1C200] =	vst v63  }
0x1b5: {  	s14 =	simm.s32 $0x3200  }
0x1b6: {  	[tilespmem:s14], [sflag:$0x1] =	stream.indirect_vreg.gather [hbm4b:s6+s3], $0x80, v3, vm0, $0xb8;
	[tilespmem:$0x1C200] =	vst v63  }
0x1b7: {  	s14 =	simm.s32 $0x3A00  }
0x1b8: {  	[tilespmem:s14], [sflag:$0x1] =	stream.indirect_vreg.gather [hbm4b:s7+s3], $0x80, v3, vm0, $0xb8;
	[tilespmem:$0x1C200] =	vst v63  }
0x1b9: {  	_ =	swait.ge [sflag:s28], $0x4000  }
0x1ba: {  	[sflag:s28] =	ssyncset.done $0x0  }
0x1bb: {  	s12 =	simm.s32 $0xC200;
	s14 =	rddreg [dreg:$0xe];
	[sflag:s28] =	ssyncadd.s32 $0xFFFFC000  }
0x1bc: {  	[hbm4b:s14+s3] =	stream.linear.scatter [tilespmem:s12], [sflag:$0xB], $0x4000, $0x38;
	[tilespmem:$0x1C200] =	vst v63  }
0x1bd: {  	_ =	swait.ge [sflag:s29], $0x4000  }
0x1be: {  	[sflag:s29] =	ssyncset.done $0x0  }
0x1bf: {  	[sflag:s29] =	ssyncadd.s32 $0xFFFFC000  }
0x1c0: {  	v3 =	vld [tilespmem:$0xF0];
	_ =	sdelay $0x4  }
0x1c1: {  	v47 =	vshll.u32 v3, $0x3  }
0x1c2: {  	v3 =	vand.u32 $0x7, v3;
	v4 =	vand.u32 $0xFFFFFFC0, v47  }
0x1c3: {  	v3 =	vor.u32 v3, v4  }
0x1c4: {  	v4 =	vperm.xlane v3, v0;
	_ =	sdelay $0x1  }
0x1c5: {  	v4 =	vadd.s32 v1, v4;
	_ =	sdelay $0x3  }
0x1c6: {  	s17 =	simm.s32 $0x4200  }
0x1c7: {  	[tilespmem:s17], [sflag:$0x2] =	stream.indirect_vreg.gather [hbm4b:s2+s3], $0x80, v4, vm0, $0xb8;
	[tilespmem:$0x1C200] =	vst v63  }
0x1c8: {  	s14 =	simm.s32 $0x4A00;
	v3 =	vperm.xlane v3, v2  }
0x1c9: {  	[tilespmem:s14], [sflag:$0x2] =	stream.indirect_vreg.gather [hbm4b:s5+s3], $0x80, v4, vm0, $0xb8;
	[tilespmem:$0x1C200] =	vst v63  }
0x1ca: {  	v3 =	vadd.s32 v1, v3;
	s14 =	simm.s32 $0x5200  }
0x1cb: {  	[tilespmem:s14], [sflag:$0x2] =	stream.indirect_vreg.gather [hbm4b:s6+s3], $0x80, v4, vm0, $0xb8;
	[tilespmem:$0x1C200] =	vst v63  }
0x1cc: {  	s14 =	simm.s32 $0x5A00  }
0x1cd: {  	[tilespmem:s14], [sflag:$0x2] =	stream.indirect_vreg.gather [hbm4b:s7+s3], $0x80, v4, vm0, $0xb8;
	[tilespmem:$0x1C200] =	vst v63  }
0x1ce: {  	s14 =	simm.s32 $0x6200  }
0x1cf: {  	[tilespmem:s14], [sflag:$0x2] =	stream.indirect_vreg.gather [hbm4b:s2+s3], $0x80, v3, vm0, $0xb8;
	[tilespmem:$0x1C200] =	vst v63  }
0x1d0: {  	_ = 	snop  }
0x1d1: {  	[tilespmem:s16], [sflag:$0x2] =	stream.indirect_vreg.gather [hbm4b:s5+s3], $0x80, v3, vm0, $0xb8;
	[tilespmem:$0x1C200] =	vst v63  }
0x1d2: {  	_ = 	snop  }
0x1d3: {  	[tilespmem:s23], [sflag:$0x2] =	stream.indirect_vreg.gather [hbm4b:s6+s3], $0x80, v3, vm0, $0xb8;
	[tilespmem:$0x1C200] =	vst v63  }
0x1d4: {  	s16 =	simm.s32 $0x7A00  }
0x1d5: {  	[tilespmem:s16], [sflag:$0x2] =	stream.indirect_vreg.gather [hbm4b:s7+s3], $0x80, v3, vm0, $0xb8;
	[tilespmem:$0x1C200] =	vst v63  }
0x1d6: {  	_ =	swait.ge [sflag:s0], $0x4000  }
0x1d7: {  	[sflag:s0] =	ssyncset.done $0x0  }
0x1d8: {  	s16 =	simm.s32 $0x10200;
	s23 =	rddreg [dreg:$0xf];
	[sflag:s0] =	ssyncadd.s32 $0xFFFFC000  }
0x1d9: {  	[hbm4b:s23+s3] =	stream.linear.scatter [tilespmem:s16], [sflag:$0xC], $0x4000, $0x38;
	[tilespmem:$0x1C200] =	vst v63  }
0x1da: {  	_ =	swait.ge [sflag:s31], $0x4000  }
0x1db: {  	[sflag:s31] =	ssyncset.done $0x0  }
0x1dc: {  	[sflag:s31] =	ssyncadd.s32 $0xFFFFC000  }
0x1dd: {  	v3 =	vld [tilespmem:$0x100];
	_ =	sdelay $0x4  }
0x1de: {  	v48 =	vshll.u32 v3, $0x3  }
0x1df: {  	v3 =	vand.u32 $0x7, v3;
	v4 =	vand.u32 $0xFFFFFFC0, v48  }
0x1e0: {  	v3 =	vor.u32 v3, v4  }
0x1e1: {  	v4 =	vperm.xlane v3, v0;
	_ =	sdelay $0x1  }
0x1e2: {  	v4 =	vadd.s32 v1, v4;
	_ =	sdelay $0x4  }
0x1e3: {  	[tilespmem:s9], [sflag:$0x3] =	stream.indirect_vreg.gather [hbm4b:s2+s3], $0x80, v4, vm0, $0xb8;
	[tilespmem:$0x1C200] =	vst v63  }
0x1e4: {  	s23 =	simm.s32 $0x8A00;
	v3 =	vperm.xlane v3, v2  }
0x1e5: {  	[tilespmem:s23], [sflag:$0x3] =	stream.indirect_vreg.gather [hbm4b:s5+s3], $0x80, v4, vm0, $0xb8;
	[tilespmem:$0x1C200] =	vst v63  }
0x1e6: {  	v3 =	vadd.s32 v1, v3;
	s23 =	simm.s32 $0x9200  }
0x1e7: {  	[tilespmem:s23], [sflag:$0x3] =	stream.indirect_vreg.gather [hbm4b:s6+s3], $0x80, v4, vm0, $0xb8;
	[tilespmem:$0x1C200] =	vst v63  }
0x1e8: {  	s23 =	simm.s32 $0x9A00  }
0x1e9: {  	[tilespmem:s23], [sflag:$0x3] =	stream.indirect_vreg.gather [hbm4b:s7+s3], $0x80, v4, vm0, $0xb8;
	[tilespmem:$0x1C200] =	vst v63  }
0x1ea: {  	s23 =	simm.s32 $0xA200  }
0x1eb: {  	[tilespmem:s23], [sflag:$0x3] =	stream.indirect_vreg.gather [hbm4b:s2+s3], $0x80, v3, vm0, $0xb8;
	[tilespmem:$0x1C200] =	vst v63  }
0x1ec: {  	s23 =	simm.s32 $0xAA00  }
0x1ed: {  	[tilespmem:s23], [sflag:$0x3] =	stream.indirect_vreg.gather [hbm4b:s5+s3], $0x80, v3, vm0, $0xb8;
	[tilespmem:$0x1C200] =	vst v63  }
0x1ee: {  	s23 =	simm.s32 $0xB200  }
0x1ef: {  	[tilespmem:s23], [sflag:$0x3] =	stream.indirect_vreg.gather [hbm4b:s6+s3], $0x80, v3, vm0, $0xb8;
	[tilespmem:$0x1C200] =	vst v63  }
0x1f0: {  	s23 =	simm.s32 $0xBA00  }
0x1f1: {  	[tilespmem:s23], [sflag:$0x3] =	stream.indirect_vreg.gather [hbm4b:s7+s3], $0x80, v3, vm0, $0xb8;
	[tilespmem:$0x1C200] =	vst v63  }
0x1f2: {  	_ =	swait.ge [sflag:s10], $0x4000  }
0x1f3: {  	[sflag:s10] =	ssyncset.done $0x0  }
0x1f4: {  	s23 =	simm.s32 $0x14200;
	s14 =	rddreg [dreg:$0x10];
	[sflag:s10] =	ssyncadd.s32 $0xFFFFC000  }
0x1f5: {  	[hbm4b:s14+s3] =	stream.linear.scatter [tilespmem:s23], [sflag:$0xD], $0x4000, $0x38;
	[tilespmem:$0x1C200] =	vst v63  }
0x1f6: {  	_ =	swait.ge [sflag:s1], $0x4000  }
0x1f7: {  	[sflag:s1] =	ssyncset.done $0x0  }
0x1f8: {  	[sflag:s1] =	ssyncadd.s32 $0xFFFFC000  }
0x1f9: {  	v3 =	vld [tilespmem:$0x110];
	_ =	sdelay $0x4  }
0x1fa: {  	v49 =	vshll.u32 v3, $0x3  }
0x1fb: {  	v3 =	vand.u32 $0x7, v3;
	v4 =	vand.u32 $0xFFFFFFC0, v49  }
0x1fc: {  	v3 =	vor.u32 v3, v4  }
0x1fd: {  	v4 =	vperm.xlane v3, v0;
	_ =	sdelay $0x1  }
0x1fe: {  	v4 =	vadd.s32 v1, v4;
	_ =	sdelay $0x4  }
0x1ff: {  	[tilespmem:s12], [sflag:$0x4] =	stream.indirect_vreg.gather [hbm4b:s2+s3], $0x80, v4, vm0, $0xb8;
	[tilespmem:$0x1C200] =	vst v63  }
0x200: {  	s14 =	simm.s32 $0xCA00;
	v3 =	vperm.xlane v3, v2  }
0x201: {  	[tilespmem:s14], [sflag:$0x4] =	stream.indirect_vreg.gather [hbm4b:s5+s3], $0x80, v4, vm0, $0xb8;
	[tilespmem:$0x1C200] =	vst v63  }
0x202: {  	v3 =	vadd.s32 v1, v3;
	s14 =	simm.s32 $0xD200  }
0x203: {  	[tilespmem:s14], [sflag:$0x4] =	stream.indirect_vreg.gather [hbm4b:s6+s3], $0x80, v4, vm0, $0xb8;
	[tilespmem:$0x1C200] =	vst v63  }
0x204: {  	s14 =	simm.s32 $0xDA00  }
0x205: {  	[tilespmem:s14], [sflag:$0x4] =	stream.indirect_vreg.gather [hbm4b:s7+s3], $0x80, v4, vm0, $0xb8;
	[tilespmem:$0x1C200] =	vst v63  }
0x206: {  	s14 =	simm.s32 $0xE200  }
0x207: {  	[tilespmem:s14], [sflag:$0x4] =	stream.indirect_vreg.gather [hbm4b:s2+s3], $0x80, v3, vm0, $0xb8;
	[tilespmem:$0x1C200] =	vst v63  }
0x208: {  	s14 =	simm.s32 $0xEA00  }
0x209: {  	[tilespmem:s14], [sflag:$0x4] =	stream.indirect_vreg.gather [hbm4b:s5+s3], $0x80, v3, vm0, $0xb8;
	[tilespmem:$0x1C200] =	vst v63  }
0x20a: {  	s14 =	simm.s32 $0xF200  }
0x20b: {  	[tilespmem:s14], [sflag:$0x4] =	stream.indirect_vreg.gather [hbm4b:s6+s3], $0x80, v3, vm0, $0xb8;
	[tilespmem:$0x1C200] =	vst v63  }
0x20c: {  	s14 =	simm.s32 $0xFA00  }
0x20d: {  	[tilespmem:s14], [sflag:$0x4] =	stream.indirect_vreg.gather [hbm4b:s7+s3], $0x80, v3, vm0, $0xb8;
	[tilespmem:$0x1C200] =	vst v63  }
0x20e: {  	_ =	swait.ge [sflag:s11], $0x4000  }
0x20f: {  	[sflag:s11] =	ssyncset.done $0x0  }
0x210: {  	s14 =	rddreg [dreg:$0x11];
	[sflag:s11] =	ssyncadd.s32 $0xFFFFC000  }
0x211: {  	[hbm4b:s14+s3] =	stream.linear.scatter [tilespmem:s15], [sflag:$0xE], $0x4000, $0x38;
	[tilespmem:$0x1C200] =	vst v63  }
0x212: {  	_ =	swait.ge [sflag:s21], $0x4000  }
0x213: {  	[sflag:s21] =	ssyncset.done $0x0  }
0x214: {  	[sflag:s21] =	ssyncadd.s32 $0xFFFFC000  }
0x215: {  	v3 =	vld [tilespmem:$0x120];
	_ =	sdelay $0x4  }
0x216: {  	v50 =	vshll.u32 v3, $0x3  }
0x217: {  	v3 =	vand.u32 $0x7, v3;
	v4 =	vand.u32 $0xFFFFFFC0, v50  }
0x218: {  	v3 =	vor.u32 v3, v4  }
0x219: {  	v4 =	vperm.xlane v3, v0;
	_ =	sdelay $0x1  }
0x21a: {  	v4 =	vadd.s32 v1, v4;
	_ =	sdelay $0x4  }
0x21b: {  	[tilespmem:s16], [sflag:$0x5] =	stream.indirect_vreg.gather [hbm4b:s2+s3], $0x80, v4, vm0, $0xb8;
	[tilespmem:$0x1C200] =	vst v63  }
0x21c: {  	v3 =	vperm.xlane v3, v2;
	s16 =	simm.s32 $0x10A00  }
0x21d: {  	[tilespmem:s16], [sflag:$0x5] =	stream.indirect_vreg.gather [hbm4b:s5+s3], $0x80, v4, vm0, $0xb8;
	[tilespmem:$0x1C200] =	vst v63  }
0x21e: {  	v3 =	vadd.s32 v1, v3;
	s16 =	simm.s32 $0x11200  }
0x21f: {  	[tilespmem:s16], [sflag:$0x5] =	stream.indirect_vreg.gather [hbm4b:s6+s3], $0x80, v4, vm0, $0xb8;
	[tilespmem:$0x1C200] =	vst v63  }
0x220: {  	_ = 	snop  }
0x221: {  	[tilespmem:s19], [sflag:$0x5] =	stream.indirect_vreg.gather [hbm4b:s7+s3], $0x80, v4, vm0, $0xb8;
	[tilespmem:$0x1C200] =	vst v63  }
0x222: {  	s16 =	simm.s32 $0x12200  }
0x223: {  	[tilespmem:s16], [sflag:$0x5] =	stream.indirect_vreg.gather [hbm4b:s2+s3], $0x80, v3, vm0, $0xb8;
	[tilespmem:$0x1C200] =	vst v63  }
0x224: {  	s19 =	simm.s32 $0x12A00  }
0x225: {  	[tilespmem:s19], [sflag:$0x5] =	stream.indirect_vreg.gather [hbm4b:s5+s3], $0x80, v3, vm0, $0xb8;
	[tilespmem:$0x1C200] =	vst v63  }
0x226: {  	s16 =	simm.s32 $0x13200  }
0x227: {  	[tilespmem:s16], [sflag:$0x5] =	stream.indirect_vreg.gather [hbm4b:s6+s3], $0x80, v3, vm0, $0xb8;
	[tilespmem:$0x1C200] =	vst v63  }
0x228: {  	s19 =	simm.s32 $0x13A00  }
0x229: {  	[tilespmem:s19], [sflag:$0x5] =	stream.indirect_vreg.gather [hbm4b:s7+s3], $0x80, v3, vm0, $0xb8;
	[tilespmem:$0x1C200] =	vst v63  }
0x22a: {  	_ =	swait.ge [sflag:s20], $0x4000  }
0x22b: {  	[sflag:s20] =	ssyncset.done $0x0  }
0x22c: {  	s16 =	rddreg [dreg:$0x12];
	[sflag:s20] =	ssyncadd.s32 $0xFFFFC000  }
0x22d: {  	[hbm4b:s16+s3] =	stream.linear.scatter [tilespmem:s30], [sflag:$0x8], $0x4000, $0x38;
	[tilespmem:$0x1C200] =	vst v63  }
0x22e: {  	_ =	swait.ge [sflag:s13], $0x4000  }
0x22f: {  	[sflag:s13] =	ssyncset.done $0x0  }
0x230: {  	[sflag:s13] =	ssyncadd.s32 $0xFFFFC000  }
0x231: {  	v3 =	vld [tilespmem:$0x130];
	_ =	sdelay $0x4  }
0x232: {  	v51 =	vshll.u32 v3, $0x3  }
0x233: {  	v3 =	vand.u32 $0x7, v3;
	v4 =	vand.u32 $0xFFFFFFC0, v51  }
0x234: {  	v3 =	vor.u32 v3, v4  }
0x235: {  	v4 =	vperm.xlane v3, v0;
	_ =	sdelay $0x1  }
0x236: {  	v4 =	vadd.s32 v1, v4;
	_ =	sdelay $0x4  }
0x237: {  	[tilespmem:s23], [sflag:$0x6] =	stream.indirect_vreg.gather [hbm4b:s2+s3], $0x80, v4, vm0, $0xb8;
	[tilespmem:$0x1C200] =	vst v63  }
0x238: {  	s19 =	simm.s32 $0x14A00;
	v3 =	vperm.xlane v3, v2  }
0x239: {  	[tilespmem:s19], [sflag:$0x6] =	stream.indirect_vreg.gather [hbm4b:s5+s3], $0x80, v4, vm0, $0xb8;
	[tilespmem:$0x1C200] =	vst v63  }
0x23a: {  	v3 =	vadd.s32 v1, v3;
	s23 =	simm.s32 $0x15200  }
0x23b: {  	[tilespmem:s23], [sflag:$0x6] =	stream.indirect_vreg.gather [hbm4b:s6+s3], $0x80, v4, vm0, $0xb8;
	[tilespmem:$0x1C200] =	vst v63  }
0x23c: {  	s16 =	simm.s32 $0x15A00  }
0x23d: {  	[tilespmem:s16], [sflag:$0x6] =	stream.indirect_vreg.gather [hbm4b:s7+s3], $0x80, v4, vm0, $0xb8;
	[tilespmem:$0x1C200] =	vst v63  }
0x23e: {  	s19 =	simm.s32 $0x16200  }
0x23f: {  	[tilespmem:s19], [sflag:$0x6] =	stream.indirect_vreg.gather [hbm4b:s2+s3], $0x80, v3, vm0, $0xb8;
	[tilespmem:$0x1C200] =	vst v63  }
0x240: {  	s23 =	simm.s32 $0x16A00  }
0x241: {  	[tilespmem:s23], [sflag:$0x6] =	stream.indirect_vreg.gather [hbm4b:s5+s3], $0x80, v3, vm0, $0xb8;
	[tilespmem:$0x1C200] =	vst v63  }
0x242: {  	s16 =	simm.s32 $0x17200  }
0x243: {  	[tilespmem:s16], [sflag:$0x6] =	stream.indirect_vreg.gather [hbm4b:s6+s3], $0x80, v3, vm0, $0xb8;
	[tilespmem:$0x1C200] =	vst v63  }
0x244: {  	s19 =	simm.s32 $0x17A00  }
0x245: {  	[tilespmem:s19], [sflag:$0x6] =	stream.indirect_vreg.gather [hbm4b:s7+s3], $0x80, v3, vm0, $0xb8;
	[tilespmem:$0x1C200] =	vst v63  }
0x246: {  	_ =	swait.ge [sflag:s22], $0x4000  }
0x247: {  	[sflag:s22] =	ssyncset.done $0x0  }
0x248: {  	s23 =	rddreg [dreg:$0x13];
	[sflag:s22] =	ssyncadd.s32 $0xFFFFC000  }
0x249: {  	[hbm4b:s23+s3] =	stream.linear.scatter [tilespmem:s17], [sflag:$0x9], $0x4000, $0x38;
	[tilespmem:$0x1C200] =	vst v63  }
0x24a: {  	_ =	swait.ge [sflag:s8], $0x4000  }
0x24b: {  	[sflag:s8] =	ssyncset.done $0x0  }
0x24c: {  	[sflag:s8] =	ssyncadd.s32 $0xFFFFC000  }
0x24d: {  	v3 =	vld [tilespmem:$0x140];
	_ =	sdelay $0x4  }
0x24e: {  	v52 =	vshll.u32 v3, $0x3  }
0x24f: {  	v3 =	vand.u32 $0x7, v3;
	v4 =	vand.u32 $0xFFFFFFC0, v52  }
0x250: {  	v3 =	vor.u32 v3, v4  }
0x251: {  	v4 =	vperm.xlane v3, v0;
	_ =	sdelay $0x1  }
0x252: {  	v4 =	vadd.s32 v1, v4;
	_ =	sdelay $0x4  }
0x253: {  	[tilespmem:s15], [sflag:$0x7] =	stream.indirect_vreg.gather [hbm4b:s2+s3], $0x80, v4, vm0, $0xb8;
	[tilespmem:$0x1C200] =	vst v63  }
0x254: {  	s16 =	simm.s32 $0x18A00;
	v3 =	vperm.xlane v3, v2  }
0x255: {  	[tilespmem:s16], [sflag:$0x7] =	stream.indirect_vreg.gather [hbm4b:s5+s3], $0x80, v4, vm0, $0xb8;
	[tilespmem:$0x1C200] =	vst v63  }
0x256: {  	s19 =	simm.s32 $0x19200;
	v3 =	vadd.s32 v1, v3  }
0x257: {  	[tilespmem:s19], [sflag:$0x7] =	stream.indirect_vreg.gather [hbm4b:s6+s3], $0x80, v4, vm0, $0xb8;
	[tilespmem:$0x1C200] =	vst v63  }
0x258: {  	s23 =	simm.s32 $0x19A00  }
0x259: {  	[tilespmem:s23], [sflag:$0x7] =	stream.indirect_vreg.gather [hbm4b:s7+s3], $0x80, v4, vm0, $0xb8;
	[tilespmem:$0x1C200] =	vst v63  }
0x25a: {  	s15 =	simm.s32 $0x1A200  }
0x25b: {  	[tilespmem:s15], [sflag:$0x7] =	stream.indirect_vreg.gather [hbm4b:s2+s3], $0x80, v3, vm0, $0xb8;
	[tilespmem:$0x1C200] =	vst v63  }
0x25c: {  	_ = 	snop  }
0x25d: {  	[tilespmem:s4], [sflag:$0x7] =	stream.indirect_vreg.gather [hbm4b:s5+s3], $0x80, v3, vm0, $0xb8;
	[tilespmem:$0x1C200] =	vst v63  }
0x25e: {  	s16 =	simm.s32 $0x1B200  }
0x25f: {  	[tilespmem:s16], [sflag:$0x7] =	stream.indirect_vreg.gather [hbm4b:s6+s3], $0x80, v3, vm0, $0xb8;
	[tilespmem:$0x1C200] =	vst v63  }
0x260: {  	s19 =	simm.s32 $0x1BA00  }
0x261: {  	[tilespmem:s19], [sflag:$0x7] =	stream.indirect_vreg.gather [hbm4b:s7+s3], $0x80, v3, vm0, $0xb8;
	[tilespmem:$0x1C200] =	vst v63  }
0x262: {  	_ =	swait.ge [sflag:s24], $0x4000  }
0x263: {  	[sflag:s24] =	ssyncset.done $0x0  }
0x264: {  	s23 =	rddreg [dreg:$0x14];
	[sflag:s24] =	ssyncadd.s32 $0xFFFFC000  }
0x265: {  	[hbm4b:s23+s3] =	stream.linear.scatter [tilespmem:s9], [sflag:$0xA], $0x4000, $0x38;
	[tilespmem:$0x1C200] =	vst v63  }
0x266: {  	_ =	swait.ge [sflag:s25], $0x4000  }
0x267: {  	[sflag:s25] =	ssyncset.done $0x0  }
0x268: {  	[sflag:s25] =	ssyncadd.s32 $0xFFFFC000  }
0x269: {  	v3 =	vld [tilespmem:$0x150];
	_ =	sdelay $0x4  }
0x26a: {  	v53 =	vshll.u32 v3, $0x3  }
0x26b: {  	v3 =	vand.u32 $0x7, v3;
	v4 =	vand.u32 $0xFFFFFFC0, v53  }
0x26c: {  	v3 =	vor.u32 v3, v4  }
0x26d: {  	v4 =	vperm.xlane v3, v0;
	_ =	sdelay $0x1  }
0x26e: {  	v4 =	vadd.s32 v1, v4;
	_ =	sdelay $0x4  }
0x26f: {  	[tilespmem:s30], [sflag:$0x1] =	stream.indirect_vreg.gather [hbm4b:s2+s3], $0x80, v4, vm0, $0xb8;
	[tilespmem:$0x1C200] =	vst v63  }
0x270: {  	s4 =	simm.s32 $0xA00;
	v3 =	vperm.xlane v3, v2  }
0x271: {  	[tilespmem:s4], [sflag:$0x1] =	stream.indirect_vreg.gather [hbm4b:s5+s3], $0x80, v4, vm0, $0xb8;
	[tilespmem:$0x1C200] =	vst v63  }
0x272: {  	s9 =	simm.s32 $0x1200;
	v3 =	vadd.s32 v1, v3  }
0x273: {  	[tilespmem:s9], [sflag:$0x1] =	stream.indirect_vreg.gather [hbm4b:s6+s3], $0x80, v4, vm0, $0xb8;
	[tilespmem:$0x1C200] =	vst v63  }
0x274: {  	_ = 	snop  }
0x275: {  	[tilespmem:s26], [sflag:$0x1] =	stream.indirect_vreg.gather [hbm4b:s7+s3], $0x80, v4, vm0, $0xb8;
	[tilespmem:$0x1C200] =	vst v63  }
0x276: {  	s14 =	simm.s32 $0x2200  }
0x277: {  	[tilespmem:s14], [sflag:$0x1] =	stream.indirect_vreg.gather [hbm4b:s2+s3], $0x80, v3, vm0, $0xb8;
	[tilespmem:$0x1C200] =	vst v63  }
0x278: {  	s15 =	simm.s32 $0x2A00  }
0x279: {  	[tilespmem:s15], [sflag:$0x1] =	stream.indirect_vreg.gather [hbm4b:s5+s3], $0x80, v3, vm0, $0xb8;
	[tilespmem:$0x1C200] =	vst v63  }
0x27a: {  	s16 =	simm.s32 $0x3200  }
0x27b: {  	[tilespmem:s16], [sflag:$0x1] =	stream.indirect_vreg.gather [hbm4b:s6+s3], $0x80, v3, vm0, $0xb8;
	[tilespmem:$0x1C200] =	vst v63  }
0x27c: {  	s19 =	simm.s32 $0x3A00  }
0x27d: {  	[tilespmem:s19], [sflag:$0x1] =	stream.indirect_vreg.gather [hbm4b:s7+s3], $0x80, v3, vm0, $0xb8;
	[tilespmem:$0x1C200] =	vst v63  }
0x27e: {  	_ =	swait.ge [sflag:s28], $0x4000  }
0x27f: {  	[sflag:s28] =	ssyncset.done $0x0  }
0x280: {  	s26 =	rddreg [dreg:$0x15];
	[sflag:s28] =	ssyncadd.s32 $0xFFFFC000  }
0x281: {  	[hbm4b:s26+s3] =	stream.linear.scatter [tilespmem:s12], [sflag:$0xB], $0x4000, $0x38;
	[tilespmem:$0x1C200] =	vst v63  }
0x282: {  	_ =	swait.ge [sflag:s29], $0x4000  }
0x283: {  	[sflag:s29] =	ssyncset.done $0x0  }
0x284: {  	[sflag:s29] =	ssyncadd.s32 $0xFFFFC000  }
0x285: {  	v3 =	vld [tilespmem:$0x160];
	_ =	sdelay $0x4  }
0x286: {  	v54 =	vshll.u32 v3, $0x3  }
0x287: {  	v3 =	vand.u32 $0x7, v3;
	v4 =	vand.u32 $0xFFFFFFC0, v54  }
0x288: {  	v3 =	vor.u32 v3, v4  }
0x289: {  	v4 =	vperm.xlane v3, v0;
	_ =	sdelay $0x1  }
0x28a: {  	v4 =	vadd.s32 v1, v4;
	_ =	sdelay $0x4  }
0x28b: {  	[tilespmem:s17], [sflag:$0x2] =	stream.indirect_vreg.gather [hbm4b:s2+s3], $0x80, v4, vm0, $0xb8;
	[tilespmem:$0x1C200] =	vst v63  }
0x28c: {  	s4 =	simm.s32 $0x4A00;
	v3 =	vperm.xlane v3, v2  }
0x28d: {  	[tilespmem:s4], [sflag:$0x2] =	stream.indirect_vreg.gather [hbm4b:s5+s3], $0x80, v4, vm0, $0xb8;
	[tilespmem:$0x1C200] =	vst v63  }
0x28e: {  	s15 =	simm.s32 $0x5200;
	v3 =	vadd.s32 v1, v3  }
0x28f: {  	[tilespmem:s15], [sflag:$0x2] =	stream.indirect_vreg.gather [hbm4b:s6+s3], $0x80, v4, vm0, $0xb8;
	[tilespmem:$0x1C200] =	vst v63  }
0x290: {  	s16 =	simm.s32 $0x5A00  }
0x291: {  	[tilespmem:s16], [sflag:$0x2] =	stream.indirect_vreg.gather [hbm4b:s7+s3], $0x80, v4, vm0, $0xb8;
	[tilespmem:$0x1C200] =	vst v63  }
0x292: {  	s14 =	simm.s32 $0x6200  }
0x293: {  	[tilespmem:s14], [sflag:$0x2] =	stream.indirect_vreg.gather [hbm4b:s2+s3], $0x80, v3, vm0, $0xb8;
	[tilespmem:$0x1C200] =	vst v63  }
0x294: {  	s17 =	simm.s32 $0x6A00  }
0x295: {  	[tilespmem:s17], [sflag:$0x2] =	stream.indirect_vreg.gather [hbm4b:s5+s3], $0x80, v3, vm0, $0xb8;
	[tilespmem:$0x1C200] =	vst v63  }
0x296: {  	s19 =	simm.s32 $0x7200  }
0x297: {  	[tilespmem:s19], [sflag:$0x2] =	stream.indirect_vreg.gather [hbm4b:s6+s3], $0x80, v3, vm0, $0xb8;
	[tilespmem:$0x1C200] =	vst v63  }
0x298: {  	s26 =	simm.s32 $0x7A00  }
0x299: {  	[tilespmem:s26], [sflag:$0x2] =	stream.indirect_vreg.gather [hbm4b:s7+s3], $0x80, v3, vm0, $0xb8;
	[tilespmem:$0x1C200] =	vst v63  }
0x29a: {  	_ =	swait.ge [sflag:s0], $0x4000  }
0x29b: {  	[sflag:s0] =	ssyncset.done $0x0  }
0x29c: {  	s17 =	simm.s32 $0x10200;
	s12 =	rddreg [dreg:$0x16];
	[sflag:s0] =	ssyncadd.s32 $0xFFFFC000  }
0x29d: {  	[hbm4b:s12+s3] =	stream.linear.scatter [tilespmem:s17], [sflag:$0xC], $0x4000, $0x38;
	[tilespmem:$0x1C200] =	vst v63  }
0x29e: {  	_ =	swait.ge [sflag:s31], $0x4000  }
0x29f: {  	[sflag:s31] =	ssyncset.done $0x0  }
0x2a0: {  	[sflag:s31] =	ssyncadd.s32 $0xFFFFC000  }
0x2a1: {  	v3 =	vld [tilespmem:$0x170];
	_ =	sdelay $0x4  }
0x2a2: {  	v55 =	vshll.u32 v3, $0x3  }
0x2a3: {  	v3 =	vand.u32 $0x7, v3;
	v4 =	vand.u32 $0xFFFFFFC0, v55  }
0x2a4: {  	v3 =	vor.u32 v3, v4  }
0x2a5: {  	v4 =	vperm.xlane v3, v0;
	_ =	sdelay $0x1  }
0x2a6: {  	v4 =	vadd.s32 v1, v4;
	_ =	sdelay $0x3  }
0x2a7: {  	s23 =	simm.s32 $0x8200  }
0x2a8: {  	[tilespmem:s23], [sflag:$0x3] =	stream.indirect_vreg.gather [hbm4b:s2+s3], $0x80, v4, vm0, $0xb8;
	[tilespmem:$0x1C200] =	vst v63  }
0x2a9: {  	s19 =	simm.s32 $0x8A00;
	v3 =	vperm.xlane v3, v2  }
0x2aa: {  	[tilespmem:s19], [sflag:$0x3] =	stream.indirect_vreg.gather [hbm4b:s5+s3], $0x80, v4, vm0, $0xb8;
	[tilespmem:$0x1C200] =	vst v63  }
0x2ab: {  	s26 =	simm.s32 $0x9200;
	v3 =	vadd.s32 v1, v3  }
0x2ac: {  	[tilespmem:s26], [sflag:$0x3] =	stream.indirect_vreg.gather [hbm4b:s6+s3], $0x80, v4, vm0, $0xb8;
	[tilespmem:$0x1C200] =	vst v63  }
0x2ad: {  	s4 =	simm.s32 $0x9A00  }
0x2ae: {  	[tilespmem:s4], [sflag:$0x3] =	stream.indirect_vreg.gather [hbm4b:s7+s3], $0x80, v4, vm0, $0xb8;
	[tilespmem:$0x1C200] =	vst v63  }
0x2af: {  	s14 =	simm.s32 $0xA200  }
0x2b0: {  	[tilespmem:s14], [sflag:$0x3] =	stream.indirect_vreg.gather [hbm4b:s2+s3], $0x80, v3, vm0, $0xb8;
	[tilespmem:$0x1C200] =	vst v63  }
0x2b1: {  	s19 =	simm.s32 $0xAA00  }
0x2b2: {  	[tilespmem:s19], [sflag:$0x3] =	stream.indirect_vreg.gather [hbm4b:s5+s3], $0x80, v3, vm0, $0xb8;
	[tilespmem:$0x1C200] =	vst v63  }
0x2b3: {  	s26 =	simm.s32 $0xB200  }
0x2b4: {  	[tilespmem:s26], [sflag:$0x3] =	stream.indirect_vreg.gather [hbm4b:s6+s3], $0x80, v3, vm0, $0xb8;
	[tilespmem:$0x1C200] =	vst v63  }
0x2b5: {  	s4 =	simm.s32 $0xBA00  }
0x2b6: {  	[tilespmem:s4], [sflag:$0x3] =	stream.indirect_vreg.gather [hbm4b:s7+s3], $0x80, v3, vm0, $0xb8;
	[tilespmem:$0x1C200] =	vst v63  }
0x2b7: {  	_ =	swait.ge [sflag:s10], $0x4000  }
0x2b8: {  	[sflag:s10] =	ssyncset.done $0x0  }
0x2b9: {  	s26 =	simm.s32 $0x14200;
	s12 =	rddreg [dreg:$0x17];
	[sflag:s10] =	ssyncadd.s32 $0xFFFFC000  }
0x2ba: {  	[hbm4b:s12+s3] =	stream.linear.scatter [tilespmem:s26], [sflag:$0xD], $0x4000, $0x38;
	[tilespmem:$0x1C200] =	vst v63  }
0x2bb: {  	_ =	swait.ge [sflag:s1], $0x4000  }
0x2bc: {  	[sflag:s1] =	ssyncset.done $0x0  }
0x2bd: {  	[sflag:s1] =	ssyncadd.s32 $0xFFFFC000  }
0x2be: {  	v3 =	vld [tilespmem:$0x180];
	_ =	sdelay $0x4  }
0x2bf: {  	v56 =	vshll.u32 v3, $0x3  }
0x2c0: {  	v3 =	vand.u32 $0x7, v3;
	v4 =	vand.u32 $0xFFFFFFC0, v56  }
0x2c1: {  	v3 =	vor.u32 v3, v4  }
0x2c2: {  	v4 =	vperm.xlane v3, v0;
	_ =	sdelay $0x1  }
0x2c3: {  	v4 =	vadd.s32 v1, v4;
	_ =	sdelay $0x3  }
0x2c4: {  	s9 =	simm.s32 $0xC200  }
0x2c5: {  	[tilespmem:s9], [sflag:$0x4] =	stream.indirect_vreg.gather [hbm4b:s2+s3], $0x80, v4, vm0, $0xb8;
	[tilespmem:$0x1C200] =	vst v63  }
0x2c6: {  	s19 =	simm.s32 $0xCA00;
	v3 =	vperm.xlane v3, v2  }
0x2c7: {  	[tilespmem:s19], [sflag:$0x4] =	stream.indirect_vreg.gather [hbm4b:s5+s3], $0x80, v4, vm0, $0xb8;
	[tilespmem:$0x1C200] =	vst v63  }
0x2c8: {  	s4 =	simm.s32 $0xD200;
	v3 =	vadd.s32 v1, v3  }
0x2c9: {  	[tilespmem:s4], [sflag:$0x4] =	stream.indirect_vreg.gather [hbm4b:s6+s3], $0x80, v4, vm0, $0xb8;
	[tilespmem:$0x1C200] =	vst v63  }
0x2ca: {  	s14 =	simm.s32 $0xDA00  }
0x2cb: {  	[tilespmem:s14], [sflag:$0x4] =	stream.indirect_vreg.gather [hbm4b:s7+s3], $0x80, v4, vm0, $0xb8;
	[tilespmem:$0x1C200] =	vst v63  }
0x2cc: {  	s19 =	simm.s32 $0xE200  }
0x2cd: {  	[tilespmem:s19], [sflag:$0x4] =	stream.indirect_vreg.gather [hbm4b:s2+s3], $0x80, v3, vm0, $0xb8;
	[tilespmem:$0x1C200] =	vst v63  }
0x2ce: {  	s4 =	simm.s32 $0xEA00  }
0x2cf: {  	[tilespmem:s4], [sflag:$0x4] =	stream.indirect_vreg.gather [hbm4b:s5+s3], $0x80, v3, vm0, $0xb8;
	[tilespmem:$0x1C200] =	vst v63  }
0x2d0: {  	s12 =	simm.s32 $0xF200  }
0x2d1: {  	[tilespmem:s12], [sflag:$0x4] =	stream.indirect_vreg.gather [hbm4b:s6+s3], $0x80, v3, vm0, $0xb8;
	[tilespmem:$0x1C200] =	vst v63  }
0x2d2: {  	s4 =	simm.s32 $0xFA00  }
0x2d3: {  	[tilespmem:s4], [sflag:$0x4] =	stream.indirect_vreg.gather [hbm4b:s7+s3], $0x80, v3, vm0, $0xb8;
	[tilespmem:$0x1C200] =	vst v63  }
0x2d4: {  	_ =	swait.ge [sflag:s11], $0x4000  }
0x2d5: {  	[sflag:s11] =	ssyncset.done $0x0  }
0x2d6: {  	s4 =	simm.s32 $0x18200;
	s12 =	rddreg [dreg:$0x18];
	[sflag:s11] =	ssyncadd.s32 $0xFFFFC000  }
0x2d7: {  	[hbm4b:s12+s3] =	stream.linear.scatter [tilespmem:s4], [sflag:$0xE], $0x4000, $0x38;
	[tilespmem:$0x1C200] =	vst v63  }
0x2d8: {  	_ =	swait.ge [sflag:s21], $0x4000  }
0x2d9: {  	[sflag:s21] =	ssyncset.done $0x0  }
0x2da: {  	[sflag:s21] =	ssyncadd.s32 $0xFFFFC000  }
0x2db: {  	v3 =	vld [tilespmem:$0x190];
	_ =	sdelay $0x4  }
0x2dc: {  	v57 =	vshll.u32 v3, $0x3  }
0x2dd: {  	v3 =	vand.u32 $0x7, v3;
	v4 =	vand.u32 $0xFFFFFFC0, v57  }
0x2de: {  	v3 =	vor.u32 v3, v4  }
0x2df: {  	v4 =	vperm.xlane v3, v0;
	_ =	sdelay $0x1  }
0x2e0: {  	v4 =	vadd.s32 v1, v4;
	_ =	sdelay $0x4  }
0x2e1: {  	[tilespmem:s17], [sflag:$0x5] =	stream.indirect_vreg.gather [hbm4b:s2+s3], $0x80, v4, vm0, $0xb8;
	[tilespmem:$0x1C200] =	vst v63  }
0x2e2: {  	s14 =	simm.s32 $0x10A00;
	v3 =	vperm.xlane v3, v2  }
0x2e3: {  	[tilespmem:s14], [sflag:$0x5] =	stream.indirect_vreg.gather [hbm4b:s5+s3], $0x80, v4, vm0, $0xb8;
	[tilespmem:$0x1C200] =	vst v63  }
0x2e4: {  	v3 =	vadd.s32 v1, v3;
	s14 =	simm.s32 $0x11200  }
0x2e5: {  	[tilespmem:s14], [sflag:$0x5] =	stream.indirect_vreg.gather [hbm4b:s6+s3], $0x80, v4, vm0, $0xb8;
	[tilespmem:$0x1C200] =	vst v63  }
0x2e6: {  	s14 =	simm.s32 $0x11A00  }
0x2e7: {  	[tilespmem:s14], [sflag:$0x5] =	stream.indirect_vreg.gather [hbm4b:s7+s3], $0x80, v4, vm0, $0xb8;
	[tilespmem:$0x1C200] =	vst v63  }
0x2e8: {  	s14 =	simm.s32 $0x12200  }
0x2e9: {  	[tilespmem:s14], [sflag:$0x5] =	stream.indirect_vreg.gather [hbm4b:s2+s3], $0x80, v3, vm0, $0xb8;
	[tilespmem:$0x1C200] =	vst v63  }
0x2ea: {  	s14 =	simm.s32 $0x12A00  }
0x2eb: {  	[tilespmem:s14], [sflag:$0x5] =	stream.indirect_vreg.gather [hbm4b:s5+s3], $0x80, v3, vm0, $0xb8;
	[tilespmem:$0x1C200] =	vst v63  }
0x2ec: {  	s14 =	simm.s32 $0x13200  }
0x2ed: {  	[tilespmem:s14], [sflag:$0x5] =	stream.indirect_vreg.gather [hbm4b:s6+s3], $0x80, v3, vm0, $0xb8;
	[tilespmem:$0x1C200] =	vst v63  }
0x2ee: {  	s14 =	simm.s32 $0x13A00  }
0x2ef: {  	[tilespmem:s14], [sflag:$0x5] =	stream.indirect_vreg.gather [hbm4b:s7+s3], $0x80, v3, vm0, $0xb8;
	[tilespmem:$0x1C200] =	vst v63  }
0x2f0: {  	_ =	swait.ge [sflag:s20], $0x4000  }
0x2f1: {  	[sflag:s20] =	ssyncset.done $0x0  }
0x2f2: {  	s12 =	rddreg [dreg:$0x19];
	[sflag:s20] =	ssyncadd.s32 $0xFFFFC000  }
0x2f3: {  	[hbm4b:s12+s3] =	stream.linear.scatter [tilespmem:s30], [sflag:$0x8], $0x4000, $0x38;
	[tilespmem:$0x1C200] =	vst v63  }
0x2f4: {  	_ =	swait.ge [sflag:s13], $0x4000  }
0x2f5: {  	[sflag:s13] =	ssyncset.done $0x0  }
0x2f6: {  	[sflag:s13] =	ssyncadd.s32 $0xFFFFC000  }
0x2f7: {  	v3 =	vld [tilespmem:$0x1A0];
	_ =	sdelay $0x4  }
0x2f8: {  	v58 =	vshll.u32 v3, $0x3  }
0x2f9: {  	v3 =	vand.u32 $0x7, v3;
	v4 =	vand.u32 $0xFFFFFFC0, v58  }
0x2fa: {  	v3 =	vor.u32 v3, v4  }
0x2fb: {  	v4 =	vperm.xlane v3, v0;
	_ =	sdelay $0x1  }
0x2fc: {  	v4 =	vadd.s32 v1, v4;
	_ =	sdelay $0x4  }
0x2fd: {  	[tilespmem:s26], [sflag:$0x6] =	stream.indirect_vreg.gather [hbm4b:s2+s3], $0x80, v4, vm0, $0xb8;
	[tilespmem:$0x1C200] =	vst v63  }
0x2fe: {  	v3 =	vperm.xlane v3, v2;
	s26 =	simm.s32 $0x14A00  }
0x2ff: {  	[tilespmem:s26], [sflag:$0x6] =	stream.indirect_vreg.gather [hbm4b:s5+s3], $0x80, v4, vm0, $0xb8;
	[tilespmem:$0x1C200] =	vst v63  }
0x300: {  	v3 =	vadd.s32 v1, v3;
	s26 =	simm.s32 $0x15200  }
0x301: {  	[tilespmem:s26], [sflag:$0x6] =	stream.indirect_vreg.gather [hbm4b:s6+s3], $0x80, v4, vm0, $0xb8;
	[tilespmem:$0x1C200] =	vst v63  }
0x302: {  	s26 =	simm.s32 $0x15A00  }
0x303: {  	[tilespmem:s26], [sflag:$0x6] =	stream.indirect_vreg.gather [hbm4b:s7+s3], $0x80, v4, vm0, $0xb8;
	[tilespmem:$0x1C200] =	vst v63  }
0x304: {  	s26 =	simm.s32 $0x16200  }
0x305: {  	[tilespmem:s26], [sflag:$0x6] =	stream.indirect_vreg.gather [hbm4b:s2+s3], $0x80, v3, vm0, $0xb8;
	[tilespmem:$0x1C200] =	vst v63  }
0x306: {  	s26 =	simm.s32 $0x16A00  }
0x307: {  	[tilespmem:s26], [sflag:$0x6] =	stream.indirect_vreg.gather [hbm4b:s5+s3], $0x80, v3, vm0, $0xb8;
	[tilespmem:$0x1C200] =	vst v63  }
0x308: {  	s26 =	simm.s32 $0x17200  }
0x309: {  	[tilespmem:s26], [sflag:$0x6] =	stream.indirect_vreg.gather [hbm4b:s6+s3], $0x80, v3, vm0, $0xb8;
	[tilespmem:$0x1C200] =	vst v63  }
0x30a: {  	s26 =	simm.s32 $0x17A00  }
0x30b: {  	[tilespmem:s26], [sflag:$0x6] =	stream.indirect_vreg.gather [hbm4b:s7+s3], $0x80, v3, vm0, $0xb8;
	[tilespmem:$0x1C200] =	vst v63  }
0x30c: {  	_ =	swait.ge [sflag:s22], $0x4000  }
0x30d: {  	[sflag:s22] =	ssyncset.done $0x0  }
0x30e: {  	s26 =	simm.s32 $0x4200;
	s14 =	rddreg [dreg:$0x1a];
	[sflag:s22] =	ssyncadd.s32 $0xFFFFC000  }
0x30f: {  	[hbm4b:s14+s3] =	stream.linear.scatter [tilespmem:s26], [sflag:$0x9], $0x4000, $0x38;
	[tilespmem:$0x1C200] =	vst v63  }
0x310: {  	_ =	swait.ge [sflag:s8], $0x4000  }
0x311: {  	[sflag:s8] =	ssyncset.done $0x0  }
0x312: {  	[sflag:s8] =	ssyncadd.s32 $0xFFFFC000  }
0x313: {  	v3 =	vld [tilespmem:$0x1B0];
	_ =	sdelay $0x4  }
0x314: {  	v59 =	vshll.u32 v3, $0x3  }
0x315: {  	v3 =	vand.u32 $0x7, v3;
	v4 =	vand.u32 $0xFFFFFFC0, v59  }
0x316: {  	v3 =	vor.u32 v3, v4  }
0x317: {  	v4 =	vperm.xlane v3, v0;
	_ =	sdelay $0x1  }
0x318: {  	v4 =	vadd.s32 v1, v4;
	_ =	sdelay $0x4  }
0x319: {  	[tilespmem:s4], [sflag:$0x7] =	stream.indirect_vreg.gather [hbm4b:s2+s3], $0x80, v4, vm0, $0xb8;
	[tilespmem:$0x1C200] =	vst v63  }
0x31a: {  	s14 =	simm.s32 $0x18A00;
	v3 =	vperm.xlane v3, v2  }
0x31b: {  	[tilespmem:s14], [sflag:$0x7] =	stream.indirect_vreg.gather [hbm4b:s5+s3], $0x80, v4, vm0, $0xb8;
	[tilespmem:$0x1C200] =	vst v63  }
0x31c: {  	v3 =	vadd.s32 v1, v3;
	s14 =	simm.s32 $0x19200  }
0x31d: {  	[tilespmem:s14], [sflag:$0x7] =	stream.indirect_vreg.gather [hbm4b:s6+s3], $0x80, v4, vm0, $0xb8;
	[tilespmem:$0x1C200] =	vst v63  }
0x31e: {  	s14 =	simm.s32 $0x19A00  }
0x31f: {  	[tilespmem:s14], [sflag:$0x7] =	stream.indirect_vreg.gather [hbm4b:s7+s3], $0x80, v4, vm0, $0xb8;
	[tilespmem:$0x1C200] =	vst v63  }
0x320: {  	s14 =	simm.s32 $0x1A200  }
0x321: {  	[tilespmem:s14], [sflag:$0x7] =	stream.indirect_vreg.gather [hbm4b:s2+s3], $0x80, v3, vm0, $0xb8;
	[tilespmem:$0x1C200] =	vst v63  }
0x322: {  	s14 =	simm.s32 $0x1AA00  }
0x323: {  	[tilespmem:s14], [sflag:$0x7] =	stream.indirect_vreg.gather [hbm4b:s5+s3], $0x80, v3, vm0, $0xb8;
	[tilespmem:$0x1C200] =	vst v63  }
0x324: {  	s14 =	simm.s32 $0x1B200  }
0x325: {  	[tilespmem:s14], [sflag:$0x7] =	stream.indirect_vreg.gather [hbm4b:s6+s3], $0x80, v3, vm0, $0xb8;
	[tilespmem:$0x1C200] =	vst v63  }
0x326: {  	s14 =	simm.s32 $0x1BA00  }
0x327: {  	[tilespmem:s14], [sflag:$0x7] =	stream.indirect_vreg.gather [hbm4b:s7+s3], $0x80, v3, vm0, $0xb8;
	[tilespmem:$0x1C200] =	vst v63  }
0x328: {  	_ =	swait.ge [sflag:s24], $0x4000  }
0x329: {  	[sflag:s24] =	ssyncset.done $0x0  }
0x32a: {  	s14 =	rddreg [dreg:$0x1b];
	[sflag:s24] =	ssyncadd.s32 $0xFFFFC000  }
0x32b: {  	[hbm4b:s14+s3] =	stream.linear.scatter [tilespmem:s23], [sflag:$0xA], $0x4000, $0x38;
	[tilespmem:$0x1C200] =	vst v63  }
0x32c: {  	_ =	swait.ge [sflag:s25], $0x4000  }
0x32d: {  	[sflag:s25] =	ssyncset.done $0x0  }
0x32e: {  	[sflag:s25] =	ssyncadd.s32 $0xFFFFC000  }
0x32f: {  	v3 =	vld [tilespmem:$0x1C0];
	_ =	sdelay $0x4  }
0x330: {  	v60 =	vshll.u32 v3, $0x3  }
0x331: {  	v3 =	vand.u32 $0x7, v3;
	v4 =	vand.u32 $0xFFFFFFC0, v60  }
0x332: {  	v3 =	vor.u32 v3, v4  }
0x333: {  	v4 =	vperm.xlane v3, v0;
	_ =	sdelay $0x1  }
0x334: {  	v4 =	vadd.s32 v1, v4;
	_ =	sdelay $0x4  }
0x335: {  	[tilespmem:s30], [sflag:$0x1] =	stream.indirect_vreg.gather [hbm4b:s2+s3], $0x80, v4, vm0, $0xb8;
	[tilespmem:$0x1C200] =	vst v63  }
0x336: {  	s14 =	simm.s32 $0xA00;
	v3 =	vperm.xlane v3, v2  }
0x337: {  	[tilespmem:s14], [sflag:$0x1] =	stream.indirect_vreg.gather [hbm4b:s5+s3], $0x80, v4, vm0, $0xb8;
	[tilespmem:$0x1C200] =	vst v63  }
0x338: {  	v3 =	vadd.s32 v1, v3;
	s14 =	simm.s32 $0x1200  }
0x339: {  	[tilespmem:s14], [sflag:$0x1] =	stream.indirect_vreg.gather [hbm4b:s6+s3], $0x80, v4, vm0, $0xb8;
	[tilespmem:$0x1C200] =	vst v63  }
0x33a: {  	s14 =	simm.s32 $0x1A00  }
0x33b: {  	[tilespmem:s14], [sflag:$0x1] =	stream.indirect_vreg.gather [hbm4b:s7+s3], $0x80, v4, vm0, $0xb8;
	[tilespmem:$0x1C200] =	vst v63  }
0x33c: {  	s14 =	simm.s32 $0x2200  }
0x33d: {  	[tilespmem:s14], [sflag:$0x1] =	stream.indirect_vreg.gather [hbm4b:s2+s3], $0x80, v3, vm0, $0xb8;
	[tilespmem:$0x1C200] =	vst v63  }
0x33e: {  	s14 =	simm.s32 $0x2A00  }
0x33f: {  	[tilespmem:s14], [sflag:$0x1] =	stream.indirect_vreg.gather [hbm4b:s5+s3], $0x80, v3, vm0, $0xb8;
	[tilespmem:$0x1C200] =	vst v63  }
0x340: {  	s14 =	simm.s32 $0x3200  }
0x341: {  	[tilespmem:s14], [sflag:$0x1] =	stream.indirect_vreg.gather [hbm4b:s6+s3], $0x80, v3, vm0, $0xb8;
	[tilespmem:$0x1C200] =	vst v63  }
0x342: {  	s14 =	simm.s32 $0x3A00  }
0x343: {  	[tilespmem:s14], [sflag:$0x1] =	stream.indirect_vreg.gather [hbm4b:s7+s3], $0x80, v3, vm0, $0xb8;
	[tilespmem:$0x1C200] =	vst v63  }
0x344: {  	_ =	swait.ge [sflag:s28], $0x4000  }
0x345: {  	[sflag:s28] =	ssyncset.done $0x0  }
0x346: {  	s14 =	rddreg [dreg:$0x1c];
	[sflag:s28] =	ssyncadd.s32 $0xFFFFC000  }
0x347: {  	[hbm4b:s14+s3] =	stream.linear.scatter [tilespmem:s9], [sflag:$0xB], $0x4000, $0x38;
	[tilespmem:$0x1C200] =	vst v63  }
0x348: {  	_ =	swait.ge [sflag:s29], $0x4000  }
0x349: {  	[sflag:s29] =	ssyncset.done $0x0  }
0x34a: {  	[sflag:s29] =	ssyncadd.s32 $0xFFFFC000  }
0x34b: {  	v3 =	vld [tilespmem:$0x1D0];
	_ =	sdelay $0x4  }
0x34c: {  	v61 =	vshll.u32 v3, $0x3  }
0x34d: {  	v3 =	vand.u32 $0x7, v3;
	v4 =	vand.u32 $0xFFFFFFC0, v61  }
0x34e: {  	v3 =	vor.u32 v3, v4  }
0x34f: {  	v4 =	vperm.xlane v3, v0;
	_ =	sdelay $0x1  }
0x350: {  	v4 =	vadd.s32 v1, v4;
	_ =	sdelay $0x4  }
0x351: {  	[tilespmem:s26], [sflag:$0x2] =	stream.indirect_vreg.gather [hbm4b:s2+s3], $0x80, v4, vm0, $0xb8;
	[tilespmem:$0x1C200] =	vst v63  }
0x352: {  	s14 =	simm.s32 $0x4A00;
	v3 =	vperm.xlane v3, v2  }
0x353: {  	[tilespmem:s14], [sflag:$0x2] =	stream.indirect_vreg.gather [hbm4b:s5+s3], $0x80, v4, vm0, $0xb8;
	[tilespmem:$0x1C200] =	vst v63  }
0x354: {  	v3 =	vadd.s32 v1, v3  }
0x355: {  	[tilespmem:s15], [sflag:$0x2] =	stream.indirect_vreg.gather [hbm4b:s6+s3], $0x80, v4, vm0, $0xb8;
	[tilespmem:$0x1C200] =	vst v63  }
0x356: {  	_ = 	snop  }
0x357: {  	[tilespmem:s16], [sflag:$0x2] =	stream.indirect_vreg.gather [hbm4b:s7+s3], $0x80, v4, vm0, $0xb8;
	[tilespmem:$0x1C200] =	vst v63  }
0x358: {  	s16 =	simm.s32 $0x6200  }
0x359: {  	[tilespmem:s16], [sflag:$0x2] =	stream.indirect_vreg.gather [hbm4b:s2+s3], $0x80, v3, vm0, $0xb8;
	[tilespmem:$0x1C200] =	vst v63  }
0x35a: {  	s15 =	simm.s32 $0x6A00  }
0x35b: {  	[tilespmem:s15], [sflag:$0x2] =	stream.indirect_vreg.gather [hbm4b:s5+s3], $0x80, v3, vm0, $0xb8;
	[tilespmem:$0x1C200] =	vst v63  }
0x35c: {  	s16 =	simm.s32 $0x7200  }
0x35d: {  	[tilespmem:s16], [sflag:$0x2] =	stream.indirect_vreg.gather [hbm4b:s6+s3], $0x80, v3, vm0, $0xb8;
	[tilespmem:$0x1C200] =	vst v63  }
0x35e: {  	s15 =	simm.s32 $0x7A00  }
0x35f: {  	[tilespmem:s15], [sflag:$0x2] =	stream.indirect_vreg.gather [hbm4b:s7+s3], $0x80, v3, vm0, $0xb8;
	[tilespmem:$0x1C200] =	vst v63  }
0x360: {  	_ =	swait.ge [sflag:s0], $0x4000  }
0x361: {  	[sflag:s0] =	ssyncset.done $0x0  }
0x362: {  	s17 =	simm.s32 $0x10200;
	s16 =	rddreg [dreg:$0x1d];
	[sflag:s0] =	ssyncadd.s32 $0xFFFFC000  }
0x363: {  	[hbm4b:s16+s3] =	stream.linear.scatter [tilespmem:s17], [sflag:$0xC], $0x4000, $0x38;
	[tilespmem:$0x1C200] =	vst v63  }
0x364: {  	_ =	swait.ge [sflag:s31], $0x4000  }
0x365: {  	[sflag:s31] =	ssyncset.done $0x0  }
0x366: {  	[sflag:s31] =	ssyncadd.s32 $0xFFFFC000  }
0x367: {  	v3 =	vld [tilespmem:$0x1E0];
	_ =	sdelay $0x4  }
0x368: {  	v62 =	vshll.u32 v3, $0x3  }
0x369: {  	v3 =	vand.u32 $0x7, v3;
	v4 =	vand.u32 $0xFFFFFFC0, v62  }
0x36a: {  	v3 =	vor.u32 v3, v4  }
0x36b: {  	v4 =	vperm.xlane v3, v0;
	_ =	sdelay $0x1  }
0x36c: {  	v4 =	vadd.s32 v1, v4;
	_ =	sdelay $0x4  }
0x36d: {  	[tilespmem:s23], [sflag:$0x3] =	stream.indirect_vreg.gather [hbm4b:s2+s3], $0x80, v4, vm0, $0xb8;
	[tilespmem:$0x1C200] =	vst v63  }
0x36e: {  	s15 =	simm.s32 $0x8A00;
	v3 =	vperm.xlane v3, v2  }
0x36f: {  	[tilespmem:s15], [sflag:$0x3] =	stream.indirect_vreg.gather [hbm4b:s5+s3], $0x80, v4, vm0, $0xb8;
	[tilespmem:$0x1C200] =	vst v63  }
0x370: {  	s16 =	simm.s32 $0x9200;
	v3 =	vadd.s32 v1, v3  }
0x371: {  	[tilespmem:s16], [sflag:$0x3] =	stream.indirect_vreg.gather [hbm4b:s6+s3], $0x80, v4, vm0, $0xb8;
	[tilespmem:$0x1C200] =	vst v63  }
0x372: {  	s17 =	simm.s32 $0x9A00  }
0x373: {  	[tilespmem:s17], [sflag:$0x3] =	stream.indirect_vreg.gather [hbm4b:s7+s3], $0x80, v4, vm0, $0xb8;
	[tilespmem:$0x1C200] =	vst v63  }
0x374: {  	s14 =	simm.s32 $0xA200  }
0x375: {  	[tilespmem:s14], [sflag:$0x3] =	stream.indirect_vreg.gather [hbm4b:s2+s3], $0x80, v3, vm0, $0xb8;
	[tilespmem:$0x1C200] =	vst v63  }
0x376: {  	s15 =	simm.s32 $0xAA00  }
0x377: {  	[tilespmem:s15], [sflag:$0x3] =	stream.indirect_vreg.gather [hbm4b:s5+s3], $0x80, v3, vm0, $0xb8;
	[tilespmem:$0x1C200] =	vst v63  }
0x378: {  	s16 =	simm.s32 $0xB200  }
0x379: {  	[tilespmem:s16], [sflag:$0x3] =	stream.indirect_vreg.gather [hbm4b:s6+s3], $0x80, v3, vm0, $0xb8;
	[tilespmem:$0x1C200] =	vst v63  }
0x37a: {  	s17 =	simm.s32 $0xBA00  }
0x37b: {  	[tilespmem:s17], [sflag:$0x3] =	stream.indirect_vreg.gather [hbm4b:s7+s3], $0x80, v3, vm0, $0xb8;
	[tilespmem:$0x1C200] =	vst v63  }
0x37c: {  	_ =	swait.ge [sflag:s10], $0x4000  }
0x37d: {  	[sflag:s10] =	ssyncset.done $0x0  }
0x37e: {  	s12 =	simm.s32 $0x14200;
	s0 =	rddreg [dreg:$0x1e];
	[sflag:s10] =	ssyncadd.s32 $0xFFFFC000  }
0x37f: {  	[hbm4b:s0+s3] =	stream.linear.scatter [tilespmem:s12], [sflag:$0xD], $0x4000, $0x38;
	[tilespmem:$0x1C200] =	vst v63  }
0x380: {  	_ =	swait.ge [sflag:s1], $0x4000  }
0x381: {  	[sflag:s1] =	ssyncset.done $0x0  }
0x382: {  	[sflag:s1] =	ssyncadd.s32 $0xFFFFC000  }
0x383: {  	v3 =	vld [tilespmem:$0x1F0];
	_ =	sdelay $0x4  }
0x384: {  	v63 =	vshll.u32 v3, $0x3  }
0x385: {  	v3 =	vand.u32 $0x7, v3;
	v4 =	vand.u32 $0xFFFFFFC0, v63  }
0x386: {  	v3 =	vor.u32 v3, v4  }
0x387: {  	v4 =	vperm.xlane v3, v0;
	_ =	sdelay $0x1  }
0x388: {  	v4 =	vadd.s32 v1, v4;
	_ =	sdelay $0x4  }
0x389: {  	[tilespmem:s9], [sflag:$0x4] =	stream.indirect_vreg.gather [hbm4b:s2+s3], $0x80, v4, vm0, $0xb8;
	[tilespmem:$0x1C200] =	vst v63  }
0x38a: {  	s15 =	simm.s32 $0xCA00;
	v3 =	vperm.xlane v3, v2  }
0x38b: {  	[tilespmem:s15], [sflag:$0x4] =	stream.indirect_vreg.gather [hbm4b:s5+s3], $0x80, v4, vm0, $0xb8;
	[tilespmem:$0x1C200] =	vst v63  }
0x38c: {  	s16 =	simm.s32 $0xD200;
	v3 =	vadd.s32 v1, v3  }
0x38d: {  	[tilespmem:s16], [sflag:$0x4] =	stream.indirect_vreg.gather [hbm4b:s6+s3], $0x80, v4, vm0, $0xb8;
	[tilespmem:$0x1C200] =	vst v63  }
0x38e: {  	s17 =	simm.s32 $0xDA00  }
0x38f: {  	[tilespmem:s17], [sflag:$0x4] =	stream.indirect_vreg.gather [hbm4b:s7+s3], $0x80, v4, vm0, $0xb8;
	[tilespmem:$0x1C200] =	vst v63  }
0x390: {  	s10 =	simm.s32 $0xE200  }
0x391: {  	[tilespmem:s10], [sflag:$0x4] =	stream.indirect_vreg.gather [hbm4b:s2+s3], $0x80, v3, vm0, $0xb8;
	[tilespmem:$0x1C200] =	vst v63  }
0x392: {  	s19 =	simm.s32 $0xEA00  }
0x393: {  	[tilespmem:s19], [sflag:$0x4] =	stream.indirect_vreg.gather [hbm4b:s5+s3], $0x80, v3, vm0, $0xb8;
	[tilespmem:$0x1C200] =	vst v63  }
0x394: {  	s12 =	simm.s32 $0xF200  }
0x395: {  	[tilespmem:s12], [sflag:$0x4] =	stream.indirect_vreg.gather [hbm4b:s6+s3], $0x80, v3, vm0, $0xb8;
	[tilespmem:$0x1C200] =	vst v63  }
0x396: {  	s14 =	simm.s32 $0xFA00  }
0x397: {  	[tilespmem:s14], [sflag:$0x4] =	stream.indirect_vreg.gather [hbm4b:s7+s3], $0x80, v3, vm0, $0xb8;
	[tilespmem:$0x1C200] =	vst v63  }
0x398: {  	_ =	swait.ge [sflag:s11], $0x4000  }
0x399: {  	[sflag:s11] =	ssyncset.done $0x0  }
0x39a: {  	s4 =	simm.s32 $0x18200;
	s15 =	rddreg [dreg:$0x1f];
	[sflag:s11] =	ssyncadd.s32 $0xFFFFC000  }
0x39b: {  	[hbm4b:s15+s3] =	stream.linear.scatter [tilespmem:s4], [sflag:$0xE], $0x4000, $0x38;
	[tilespmem:$0x1C200] =	vst v63  }
0x39c: {  	_ =	swait.ge [sflag:s20], $0x4000  }
0x39d: {  	s16 =	sld [smem:$0x7F8]  }
0x39e: {  	[sflag:s20] =	ssyncset.done $0x0  }
0x39f: {  	[sflag:s20] =	ssyncadd.s32 $0xFFFFC000  }
0x3a0: {  	[hbm4b:s16+s3] =	stream.linear.scatter [tilespmem:s30], [sflag:$0x8], $0x4000, $0x38;
	[tilespmem:$0x1C200] =	vst v63  }
0x3a1: {  	_ =	swait.ge [sflag:s22], $0x4000  }
0x3a2: {  	s17 =	sld [smem:$0x7F9]  }
0x3a3: {  	[sflag:s22] =	ssyncset.done $0x0  }
0x3a4: {  	s26 =	simm.s32 $0x4200;
	[sflag:s22] =	ssyncadd.s32 $0xFFFFC000  }
0x3a5: {  	[hbm4b:s17+s3] =	stream.linear.scatter [tilespmem:s26], [sflag:$0x9], $0x4000, $0x38;
	[tilespmem:$0x1C200] =	vst v63  }
0x3a6: {  	_ =	swait.ge [sflag:s24], $0x4000  }
0x3a7: {  	s19 =	sld [smem:$0x7FA]  }
0x3a8: {  	[sflag:s24] =	ssyncset.done $0x0  }
0x3a9: {  	[sflag:s24] =	ssyncadd.s32 $0xFFFFC000  }
0x3aa: {  	[hbm4b:s19+s3] =	stream.linear.scatter [tilespmem:s23], [sflag:$0xA], $0x4000, $0x38;
	[tilespmem:$0x1C200] =	vst v63  }
0x3ab: {  	_ =	swait.ge [sflag:s28], $0x4000  }
0x3ac: {  	s26 =	sld [smem:$0x7FC]  }
0x3ad: {  	[sflag:s28] =	ssyncset.done $0x0  }
0x3ae: {  	[sflag:s28] =	ssyncadd.s32 $0xFFFFC000  }
0x3af: {  	[hbm4b:s26+s3] =	stream.linear.scatter [tilespmem:s9], [sflag:$0xB], $0x4000, $0x38;
	[tilespmem:$0x1C200] =	vst v63  }
0x3b0: {  	_ =	swait.ge [sflag:s21], $0x4000  }
0x3b1: {  	[sflag:s21] =	ssyncset.done $0x0  }
0x3b2: {  	[sflag:s21] =	ssyncadd.s32 $0xFFFFC000  }
0x3b3: {  	_ =	swait.ge [sflag:s13], $0x4000  }
0x3b4: {  	[sflag:s13] =	ssyncset.done $0x0  }
0x3b5: {  	[sflag:s13] =	ssyncadd.s32 $0xFFFFC000  }
0x3b6: {  	_ =	swait.ge [sflag:s8], $0x4000  }
0x3b7: {  	[sflag:s8] =	ssyncset.done $0x0  }
0x3b8: {  	[sflag:s8] =	ssyncadd.s32 $0xFFFFC000  }
0x3b9: {  	_ =	swait.ge [sflag:s25], $0x4000  }
0x3ba: {  	[sflag:s25] =	ssyncset.done $0x0  }
0x3bb: {  	[sflag:s25] =	ssyncadd.s32 $0xFFFFC000  }
0x3bc: {  	_ =	swait.ge [sflag:s29], $0x4000  }
0x3bd: {  	[sflag:s29] =	ssyncset.done $0x0  }
0x3be: {  	[sflag:s29] =	ssyncadd.s32 $0xFFFFC000  }
0x3bf: {  	p0 =	sne.s32 s18, $0x1;
	_ =	swait.ge [sflag:s31], $0x4000  }
.Ltmp0:
0x3c0: {  	[sflag:s31] =	ssyncset.done $0x0;
	(pc) =	sbr.rel @p0 .LBB2_1-.Ltmp0, $4  }
0x3c1: {  	[sflag:s31] =	ssyncadd.s32 $0xFFFFC000  }
0x3c2: {  	_ =	swait.ge [sflag:s1], $0x4000  }
0x3c3: {  	[sflag:s1] =	ssyncset.done $0x0  }
0x3c4: {  	s18 =	sadd.s32 $0xFFFFFFFF, s18;
	[sflag:s1] =	ssyncadd.s32 $0xFFFFC000  }
0x3c5: {  	_ =	sfence.sel $0x180000  }
0x3c6: {  	[bflag:$0x0] =	sbarrier.arrive $0xFFFF  }
0x3c7: {  	_ =	strace $0x90000047  }
0x3c8: {  	s0 =	stileid.u32;
	[bflag:$0x2] =	sbarrier.arrive $0xFFFF  }
0x3c9: {  	p0 =	sne.s32 s0, $0x0;
	s0 =	rddreg [dreg:$0x3]  }
0x3ca: {  	s0 =	sadd.s32 @!p0 $0x100000, s0  }
0x3cb: {  	[sflag:s0] =	ssyncadd.tile.s32 @!p0 $0x1;
	_ =	shalt  }
.Lfunc_end2:
_tile_overlayer_lowered:
.L_overlay_start_2:
0x3cc: {  	(tag) =	ssettag $0x2  }
0x3cd: {  	s0 =	rddreg [dreg:$0x0];
	s2 =	stileid.u32  }
0x3ce: {  	s1 =	rddreg [dreg:$0x1];
	p0 =	sne.s32 s2, $0x0  }
0x3cf: {  	s3 =	rddreg [dreg:$0x2];
	[bflag:$0x3] =	sbarrier.arrive $0xFFFF;
	s2 =	simm.s32 @!p0 $0x1C0F  }
0x3d0: {  	[timem:s3], [sflag:s2] =	dma.local @!p0 [hbm:s0], s1  }
0x3d1: {  	s0 =	simm.s32 @!p0 $0xF  }
0x3d2: {  	_ =	swait.ge @!p0 [sflag:s0], s1  }
0x3d3: {  	s1 =	ssub.s32 @!p0 $0x0, s1;
	[sflag:s0] =	ssyncset.done @!p0 $0x0  }
0x3d4: {  	[sflag:s0] =	ssyncadd.s32 @!p0 s1  }
0x3d5: {  	[bflag:$0x3] =	sbarrier.arrive $0xFFFF  }
0x3d6: {  	_ =	shalt  }

</sc_bundles>
